<compile_context>
chip_gen: v7x
topology: tpu7x:2x2x1
jax: 0.10.2.dev20260603
libtpu: 0.0.44.dev20260713+nightly
codegen_flags: <defaults>
</compile_context>

<pallas_src>
import functools

import numpy as np
import jax
import jax.numpy as jnp
from jax import lax
from jax.experimental import pallas as pl
from jax.experimental.pallas import tpu as pltpu
from jax.experimental.pallas import tpu_sc as plsc

_N = 10000
_E = 320000
_D = 128
_HID = 256
_T = 16

_NC, _NS, _L = 2, 16, 16
_NW = _NC * _NS
_NPAD = 10240
_RPS = _NPAD // _NS
_K = 128
_EPAD = 327680
_EPW = _EPAD // _NW
_NCHUNK = _EPW // _K

_mesh = plsc.VectorSubcoreMesh(core_axis_name="c", subcore_axis_name="s")

_OFF = np.array([(i, j) for i in range(_T) for j in range(_T) if i != j],
                dtype=np.int32)
_OFF_FLAT = _OFF[:, 0] * _T + _OFF[:, 1]

_PAD_EDGES = np.asarray(
    np.random.RandomState(0).randint(0, _N, size=(2, _EPAD - _E)), np.int32)


@functools.partial(
    pl.kernel,
    out_type=jax.ShapeDtypeStruct((_NC, _NPAD), jnp.float32),
    mesh=_mesh,
    scratch_types=[
        pltpu.VMEM((2, _K), jnp.int32),
        pltpu.VMEM((2, _K), jnp.int32),
        pltpu.VMEM((2, _K), jnp.int32),
        pltpu.VMEM((_K,), jnp.float32),
        pltpu.VMEM((_RPS,), jnp.float32),
        pltpu.VMEM_SHARED((_NPAD,), jnp.float32),
        pltpu.SemaphoreType.DMA,
        pltpu.SemaphoreType.DMA,
        pltpu.SemaphoreType.DMA,
        pltpu.SemaphoreType.DMA,
        pltpu.SemaphoreType.DMA,
        pltpu.SemaphoreType.DMA,
    ],
)
def _sc_deg(ei_hbm, zeros_hbm, out_hbm, eidx0, eidx1, eidx2, ones_v, zb_v,
            hist_sp, isem0, isem1, isem2, ssem0, ssem1, ssem2):
    cid = lax.axis_index("c")
    sid = lax.axis_index("s")
    w = cid * _NS + sid
    e0 = w * _EPW
    pltpu.sync_copy(zeros_hbm, zb_v)
    pltpu.sync_copy(zb_v, hist_sp.at[pl.ds(sid * _RPS, _RPS)])
    for j in range(_K // _L):
        ones_v[pl.ds(j * _L, _L)] = jnp.ones((_L,), jnp.float32)
    plsc.subcore_barrier()
    bufs = ((eidx0, isem0, ssem0), (eidx1, isem1, ssem1), (eidx2, isem2, ssem2))
    pltpu.async_copy(ei_hbm.at[:, pl.ds(e0, _K)], eidx0, isem0)
    pltpu.async_copy(ei_hbm.at[:, pl.ds(e0 + _K, _K)], eidx1, isem1)

    def process(c, cur, prv):
        eic, isc, ssc = cur
        eip, isp, ssp = prv
        pltpu.make_async_copy(ei_hbm.at[:, pl.ds(0, _K)], eic, isc).wait()
        pltpu.async_copy(ones_v, hist_sp.at[eic.at[1]], ssc, add=True)

        @pl.when(c >= 1)
        def _():
            pltpu.make_async_copy(ones_v, hist_sp.at[eip.at[1]], ssp).wait()

        @pl.when(c + 2 < _NCHUNK)
        def _():
            pltpu.async_copy(ei_hbm.at[:, pl.ds(e0 + (c + 2) * _K, _K)],
                             eip, isp)

    def step(p, carry):
        c = 3 * p
        process(c, bufs[0], bufs[2])
        process(c + 1, bufs[1], bufs[0])
        process(c + 2, bufs[2], bufs[1])
        return carry

    lax.fori_loop(0, _NCHUNK // 3, step, 0)
    process(_NCHUNK - 2, bufs[0], bufs[2])
    process(_NCHUNK - 1, bufs[1], bufs[0])
    pltpu.make_async_copy(ones_v, hist_sp.at[eidx1.at[1]], ssem1).wait()
    plsc.subcore_barrier()
    pltpu.sync_copy(hist_sp.at[pl.ds(sid * _RPS, _RPS)],
                    out_hbm.at[cid, pl.ds(sid * _RPS, _RPS)])


@functools.partial(
    pl.kernel,
    out_type=(
        jax.ShapeDtypeStruct((_NC, _NPAD, _D), jnp.float32),
        jax.ShapeDtypeStruct((_NC, _NPAD), jnp.float32),
    ),
    mesh=_mesh,
    scratch_types=[
        pltpu.VMEM((2, _K), jnp.int32),
        pltpu.VMEM((2, _K), jnp.int32),
        pltpu.VMEM((_K,), jnp.int32),
        pltpu.VMEM((_K,), jnp.int32),
        pltpu.VMEM((_K,), jnp.int32),
        pltpu.VMEM((_K,), jnp.int32),
        pltpu.VMEM((_K,), jnp.float32),
        pltpu.VMEM((_K,), jnp.float32),
        pltpu.VMEM((_K, _D), jnp.float32),
        pltpu.VMEM((_K, _D), jnp.float32),
        pltpu.VMEM((_RPS,), jnp.float32),
        pltpu.VMEM_SHARED((_NPAD,), jnp.float32),
        pltpu.VMEM_SHARED((_NPAD, _D), jnp.float32),
        pltpu.VMEM_SHARED((_NPAD,), jnp.float32),
        pltpu.SemaphoreType.DMA,
        pltpu.SemaphoreType.DMA,
        pltpu.SemaphoreType.DMA,
        pltpu.SemaphoreType.DMA,
        pltpu.SemaphoreType.DMA,
        pltpu.SemaphoreType.DMA,
        pltpu.SemaphoreType.DMA,
        pltpu.SemaphoreType.DMA,
    ],
)
def _sc_scatter(ei_hbm, xs_hbm, dinv_hbm, zrows_hbm, zeros_hbm,
                zout_hbm, uout_hbm,
                eidx0, eidx1, sidx0, didx0, sidx1, didx1, val0, val1,
                rows0, rows1, zb_v,
                dinv_sp, z_sp, u_sp, isem0, isem1, gsem0, gsem1,
                vsem0, vsem1, usem0, usem1):
    cid = lax.axis_index("c")
    sid = lax.axis_index("s")
    w = cid * _NS + sid
    e0 = w * _EPW
    r0 = sid * _RPS
    pltpu.sync_copy(dinv_hbm.at[pl.ds(r0, _RPS)], dinv_sp.at[pl.ds(r0, _RPS)])
    pltpu.sync_copy(zrows_hbm, rows0)
    pltpu.sync_copy(zeros_hbm, zb_v)
    for r in range(_RPS // _K):
        pltpu.sync_copy(rows0, z_sp.at[pl.ds(r0 + r * _K, _K), :])
    pltpu.sync_copy(zb_v, u_sp.at[pl.ds(r0, _RPS)])
    plsc.subcore_barrier()

    def fetch_idx(c, eic, isc):
        pltpu.async_copy(ei_hbm.at[:, pl.ds(e0 + c * _K, _K)], eic, isc)

    def wait_idx(eic, isc, sic, dic):
        pltpu.make_async_copy(ei_hbm.at[:, pl.ds(0, _K)], eic, isc).wait()
        for j in range(_K // _L):
            sic[pl.ds(j * _L, _L)] = eic[0, pl.ds(j * _L, _L)]
            dic[pl.ds(j * _L, _L)] = eic[1, pl.ds(j * _L, _L)]

    fetch_idx(0, eidx0, isem0)
    wait_idx(eidx0, isem0, sidx0, didx0)
    pltpu.async_copy(xs_hbm.at[sidx0], rows0, gsem0)
    pltpu.async_copy(dinv_sp.at[didx0], val0, vsem0)
    fetch_idx(1, eidx1, isem1)

    def process(c, eic, sic, dic, rc, vc, gc, isc, vsc, usc,
                ein, sin, din, rn, vn, gn, isn, vsn, usn,
                pre_gather, pre_idx):
        if pre_gather:
            wait_idx(ein, isn, sin, din)
            pltpu.async_copy(xs_hbm.at[sin], rn, gn)
            pltpu.async_copy(dinv_sp.at[din], vn, vsn)
        pltpu.make_async_copy(dinv_sp.at[dic], vc, vsc).wait()
        pltpu.async_copy(vc, u_sp.at[sic], usc, add=True)
        pltpu.make_async_copy(xs_hbm.at[sic], rc, gc).wait()
        pltpu.sync_copy(rc, z_sp.at[dic], add=True)
        pltpu.make_async_copy(vc, u_sp.at[sic], usc).wait()
        if pre_idx:
            @pl.when(c + 2 < _NCHUNK)
            def _():
                fetch_idx(c + 2, eic, isc)

    b0 = (eidx0, sidx0, didx0, rows0, val0, gsem0, isem0, vsem0, usem0)
    b1 = (eidx1, sidx1, didx1, rows1, val1, gsem1, isem1, vsem1, usem1)

    def step(p, carry):
        c = 2 * p
        process(c, *b0, *b1, True, True)
        process(c + 1, *b1, *b0, True, True)
        return carry

    lax.fori_loop(0, _NCHUNK // 2 - 1, step, 0)
    process(_NCHUNK - 2, *b0, *b1, True, True)
    process(_NCHUNK - 1, *b1, *b0, False, False)
    plsc.subcore_barrier()
    pltpu.sync_copy(z_sp.at[pl.ds(r0, _RPS), :],
                    zout_hbm.at[cid, pl.ds(r0, _RPS), :])
    pltpu.sync_copy(u_sp.at[pl.ds(r0, _RPS)],
                    uout_hbm.at[cid, pl.ds(r0, _RPS)])


_BA = 2048


def _prep_body(degp_ref, x_ref, dinv_ref, xs_ref):
    deg = degp_ref[:, 0:1] + degp_ref[:, 1:2] + 1.0
    dv = lax.rsqrt(deg)
    dinv_ref[...] = dv
    xs_ref[...] = x_ref[...] * dv


def _tc_prep(degp_t, x_pad):
    return pl.pallas_call(
        _prep_body,
        grid=(_NPAD // _BA,),
        in_specs=[
            pl.BlockSpec((_BA, 2), lambda i: (i, 0)),
            pl.BlockSpec((_BA, _D), lambda i: (i, 0)),
        ],
        out_specs=[
            pl.BlockSpec((_BA, 1), lambda i: (i, 0)),
            pl.BlockSpec((_BA, _D), lambda i: (i, 0)),
        ],
        out_shape=[
            jax.ShapeDtypeStruct((_NPAD, 1), jnp.float32),
            jax.ShapeDtypeStruct((_NPAD, _D), jnp.float32),
        ],
    )(degp_t, x_pad)


_BB = 1024


def _red_body(zp_ref, up_ref, dinv_ref, x_ref, w1_ref, b1_ref, s_ref):
    i = pl.program_id(0)
    dv = dinv_ref[...]
    z = dv * (zp_ref[0] + zp_ref[1]) + dv * dv * x_ref[...]
    y = jnp.dot(z, w1_ref[...], preferred_element_type=jnp.float32) + b1_ref[...]
    y = jnp.where(y >= 0.0, y, 0.01 * y)
    u = up_ref[:, 0:1] + up_ref[:, 1:2]
    wv = dv * (u + dv)
    rows = i * _BB + lax.broadcasted_iota(jnp.int32, (_BB, 1), 0)
    wv = jnp.where(rows < _N, wv, 0.0)
    part = jnp.sum(wv * y, axis=0, keepdims=True)

    @pl.when(i == 0)
    def _():
        s_ref[...] = part

    @pl.when(i > 0)
    def _():
        s_ref[...] += part


def _tc_reduce(zp, up_t, dinv2, x_pad, W1, b1r):
    return pl.pallas_call(
        _red_body,
        grid=(_NPAD // _BB,),
        in_specs=[
            pl.BlockSpec((_NC, _BB, _D), lambda i: (0, i, 0)),
            pl.BlockSpec((_BB, 2), lambda i: (i, 0)),
            pl.BlockSpec((_BB, 1), lambda i: (i, 0)),
            pl.BlockSpec((_BB, _D), lambda i: (i, 0)),
            pl.BlockSpec((_D, _HID), lambda i: (0, 0)),
            pl.BlockSpec((1, _HID), lambda i: (0, 0)),
        ],
        out_specs=pl.BlockSpec((1, _HID), lambda i: (0, 0)),
        out_shape=jax.ShapeDtypeStruct((1, _HID), jnp.float32),
    )(zp, up_t, dinv2, x_pad, W1, b1r)


def _head_body(ci_ref, s_ref, w2_ref, b2_ref, fg1_ref, fgb1_ref, fg2_ref,
               fgb2_ref, eg1_ref, egb1_ref, eg2_ref, egb2_ref, tf_ref, p_ref):
    g = jnp.dot(s_ref[...], w2_ref[...],
                preferred_element_type=jnp.float32) * (1.0 / _N) + b2_ref[...]
    h1 = jnp.maximum(jnp.dot(g, fg1_ref[...],
                             preferred_element_type=jnp.float32) + fgb1_ref[...], 0.0)
    tf_ref[...] = jnp.dot(h1, fg2_ref[...],
                          preferred_element_type=jnp.float32) + fgb2_ref[...]
    h2 = jnp.maximum(jnp.dot(g, eg1_ref[...],
                             preferred_element_type=jnp.float32) + egb1_ref[...], 0.0)
    ew = jnp.dot(h2, eg2_ref[...],
                 preferred_element_type=jnp.float32) + egb2_ref[...]
    p = jax.nn.sigmoid(ew)
    k = lax.broadcasted_iota(jnp.int32, (1, _T * _T), 1)
    ii = k // _T
    jj = k - ii * _T
    ci = ci_ref[0]
    p = jnp.where((ii == ci) | (jj == ci), 1.0, p)
    p = jnp.where(ii == jj, 0.0, p)
    p_ref[...] = p


def _tc_head(ci_arr, s, W2, b2r, fgW1, fgb1r, fgW2, fgb2r, egW1, egb1r, egW2, egb2r):
    return pl.pallas_call(
        _head_body,
        in_specs=[pl.BlockSpec(memory_space=pltpu.SMEM)] + [pl.BlockSpec()] * 11,
        out_specs=[pl.BlockSpec(), pl.BlockSpec()],
        out_shape=[
            jax.ShapeDtypeStruct((1, _T * _D), jnp.float32),
            jax.ShapeDtypeStruct((1, _T * _T), jnp.float32),
        ],
    )(ci_arr, s, W2, b2r, fgW1, fgb1r, fgW2, fgb2r, egW1, egb1r, egW2, egb2r)


def kernel(graph_x, graph_edge_index, connected_trigger_node_index,
           target_node_index, W1, b1, W2, b2, fgW1, fgb1, fgW2, fgb2,
           egW1, egb1, egW2, egb2):
    ci = jnp.asarray(connected_trigger_node_index, dtype=jnp.int32)
    ti = jnp.asarray(target_node_index, dtype=jnp.int32)
    x_pad = jnp.pad(graph_x, ((0, _NPAD - _N), (0, 0)))
    zeros1d = jnp.zeros((_RPS,), jnp.float32)
    zrows = jnp.zeros((_K, _D), jnp.float32)

    ei_pad = jnp.concatenate([graph_edge_index, jnp.asarray(_PAD_EDGES)],
                             axis=1)
    degp = _sc_deg(ei_pad, zeros1d)
    dinv2, xs = _tc_prep(degp.T, x_pad)
    zp, up = _sc_scatter(ei_pad, xs, dinv2.reshape(_NPAD),
                         zrows, zeros1d)
    s = _tc_reduce(zp, up.T, dinv2, x_pad, W1, b1.reshape(1, _HID))
    tf, p = _tc_head(ci.reshape(1), s, W2, b2.reshape(1, _HID),
                     fgW1, fgb1.reshape(1, _HID), fgW2, fgb2.reshape(1, _T * _D),
                     egW1, egb1.reshape(1, _HID), egW2, egb2.reshape(1, _T * _T))

    trigger_features = tf.reshape(_T, _D)
    trigger_edge_weight = p.reshape(_T * _T)[jnp.asarray(_OFF_FLAT)]
    rows = jnp.asarray(_OFF[:, 0], jnp.int32)
    cols = jnp.asarray(_OFF[:, 1], jnp.int32)
    trigger_edge_index = jnp.stack([rows + _N, cols + _N]).astype(jnp.int32)
    tte = jnp.stack([jnp.stack([ci + _N, ti]),
                     jnp.stack([ti, ci + _N])]).astype(jnp.int32)
    combined_x = jnp.concatenate([graph_x, trigger_features], axis=0)
    combined_edge_index = jnp.concatenate(
        [graph_edge_index, tte, trigger_edge_index], axis=1)
    return (combined_x, combined_edge_index, trigger_edge_weight)

# --- scband reference (transcript-rebuilt; emitter-appended) ---
"""Pipeline reference for scband-trigger-generator-nn-64871186039220 (READ-ONLY COPY).

The authoritative reference and input builder live on the scoring server;
editing this copy changes nothing except your own understanding.
"""

import jax, jax.numpy as jnp
import numpy as np

N = 10000
E = 320000
D = 128
HID = 256
T = 16


def _gcn_conv(x, edge_index, W, b):
    n = x.shape[0]
    loop = jnp.arange(n, dtype=edge_index.dtype)
    src = jnp.concatenate([edge_index[0], loop])
    dst = jnp.concatenate([edge_index[1], loop])
    deg = jnp.zeros((n,), x.dtype).at[dst].add(1.0)
    dinv = jax.lax.rsqrt(deg)
    norm = dinv[src] * dinv[dst]
    h = x @ W
    out = jnp.zeros((n, W.shape[1]), x.dtype).at[dst].add(h[src] * norm[:, None])
    return out + b


def setup_inputs(seed: int = 0) -> dict:
    key = jax.random.key(seed)
    ks = jax.random.split(key, 16)
    inp = {}
    inp["graph_x"] = jax.random.normal(ks[0], (N, D), jnp.float32)
    inp["graph_edge_index"] = jax.random.randint(ks[1], (2, E), 0, N, jnp.int32)
    inp["connected_trigger_node_index"] = 3
    inp["target_node_index"] = 777
    s = 0.05
    inp["W1"] = jax.random.normal(ks[2], (D, HID), jnp.float32) * s
    inp["b1"] = jnp.zeros((HID,), jnp.float32)
    inp["W2"] = jax.random.normal(ks[3], (HID, HID), jnp.float32) * s
    inp["b2"] = jnp.zeros((HID,), jnp.float32)
    inp["fgW1"] = jax.random.normal(ks[4], (HID, HID), jnp.float32) * s
    inp["fgb1"] = jnp.zeros((HID,), jnp.float32)
    inp["fgW2"] = jax.random.normal(ks[5], (HID, T * D), jnp.float32) * s
    inp["fgb2"] = jnp.zeros((T * D,), jnp.float32)
    inp["egW1"] = jax.random.normal(ks[6], (HID, HID), jnp.float32) * s
    inp["egb1"] = jnp.zeros((HID,), jnp.float32)
    inp["egW2"] = jax.random.normal(ks[7], (HID, T * T), jnp.float32) * s
    inp["egb2"] = jnp.zeros((T * T,), jnp.float32)
    return inp


def reference(graph_x, graph_edge_index, connected_trigger_node_index, target_node_index,
              W1, b1, W2, b2, fgW1, fgb1, fgW2, fgb2, egW1, egb1, egW2, egb2):
    ci = jnp.asarray(connected_trigger_node_index, dtype=jnp.int32)
    ti = jnp.asarray(target_node_index, dtype=jnp.int32)
    # GNN (2x GCNConv, leaky_relu between, dropout in eval = identity)
    x = _gcn_conv(graph_x, graph_edge_index, W1, b1)
    x = jax.nn.leaky_relu(x, negative_slope=0.01)
    node_emb = _gcn_conv(x, graph_edge_index, W2, b2)
    # global_mean_pool with batch = zeros -> mean over all nodes, shape [1, HID]
    g = jnp.mean(node_emb, axis=0, keepdims=True)
    # feature generator MLP
    tf = jax.nn.relu(g @ fgW1 + fgb1) @ fgW2 + fgb2
    trigger_features = tf.reshape(T, D)
    # edge generator MLP
    ew = jax.nn.relu(g @ egW1 + egb1) @ egW2 + egb2
    edge_weights = ew.reshape(T, T)
    probs = jax.nn.sigmoid(edge_weights)
    probs = probs.at[ci, :].set(1.0)
    probs = probs.at[:, ci].set(1.0)
    probs = probs * (1.0 - jnp.eye(T, dtype=probs.dtype))  # fill_diagonal_(0)
    # sigmoid > 0 everywhere, so nonzero == all off-diagonal entries (row-major, as torch.nonzero)
    off = np.array([(i, j) for i in range(T) for j in range(T) if i != j], dtype=np.int32)
    rows = jnp.asarray(off[:, 0])
    cols = jnp.asarray(off[:, 1])
    trigger_edge_weight = probs[rows, cols]
    trigger_edge_index = jnp.stack([rows + N, cols + N]).astype(jnp.int32)
    trigger_target_edge = jnp.stack([jnp.stack([ci + N, ti]), jnp.stack([ti, ci + N])]).astype(jnp.int32)
    combined_x = jnp.concatenate([graph_x, trigger_features], axis=0)
    combined_edge_index = jnp.concatenate([graph_edge_index, trigger_target_edge, trigger_edge_index], axis=1)
    return (combined_x, combined_edge_index, trigger_edge_weight)

if __name__ == "__main__":
    import jax
    _d = setup_inputs()
    print(jax.jit(kernel)(*tuple(_d.values())))

</pallas_src>

<mosaic_0001>
#map = affine_map<(d0, d1) -> (0, 0)>
#map1 = affine_map<(d0, d1) -> (0)>
module attributes {stable_mosaic.version = 14 : i64} {
  func.func @_sc_deg(%arg0: i32, %arg1: i32, %arg2: memref<2x327680xi32, #tpu.memory_space<hbm>>, %arg3: memref<640xf32, #tpu.memory_space<hbm>>, %arg4: memref<2x10240xf32, #tpu.memory_space<hbm>>, %arg5: memref<2x128xi32, #tpu.memory_space<vmem>>, %arg6: memref<2x128xi32, #tpu.memory_space<vmem>>, %arg7: memref<2x128xi32, #tpu.memory_space<vmem>>, %arg8: memref<128xf32, #tpu.memory_space<vmem>>, %arg9: memref<640xf32, #tpu.memory_space<vmem>>, %arg10: memref<10240xf32, #tpu.memory_space<vmem_shared>>, %arg11: memref<!tpu.dma_semaphore, #tpu.memory_space<semaphore_mem>>, %arg12: memref<!tpu.dma_semaphore, #tpu.memory_space<semaphore_mem>>, %arg13: memref<!tpu.dma_semaphore, #tpu.memory_space<semaphore_mem>>, %arg14: memref<!tpu.dma_semaphore, #tpu.memory_space<semaphore_mem>>, %arg15: memref<!tpu.dma_semaphore, #tpu.memory_space<semaphore_mem>>, %arg16: memref<!tpu.dma_semaphore, #tpu.memory_space<semaphore_mem>>) attributes {dimension_semantics = [#tpu.dimension_semantics<core_parallel>, #tpu.dimension_semantics<subcore_parallel>], iteration_bounds = array<i64: 2, 16>, scalar_prefetch = 0 : i64, scratch_operands = 12 : i64, tpu.core_type = #tpu.core_type<sc_vector_subcore>, window_params = [{transform_indices = #map}, {transform_indices = #map1}, {transform_indices = #map}]} {
    %mul3A = arith.constant 16 : i32
    %mul3A_0 = arith.muli %arg0, %mul3A : i32
    %add3A = arith.addi %mul3A_0, %arg1 : i32
    %mul3A_1 = arith.constant 10240 : i32
    %mul3A_2 = arith.muli %add3A, %mul3A_1 : i32
    "tpu.region"() ({
      %run_scoped3A = tpu.sem_alloc : memref<!tpu.dma_semaphore, #tpu.memory_space<semaphore_mem>>
      tpu.enqueue_dma source(%arg3 : memref<640xf32, #tpu.memory_space<hbm>>) target(%arg9 : memref<640xf32, #tpu.memory_space<vmem>>) target_semaphore(%run_scoped3A : memref<!tpu.dma_semaphore, #tpu.memory_space<semaphore_mem>>)
      tpu.wait_dma2 semaphore(%run_scoped3A : memref<!tpu.dma_semaphore, #tpu.memory_space<semaphore_mem>>) src(%arg3 : memref<640xf32, #tpu.memory_space<hbm>>) dst(%arg9 : memref<640xf32, #tpu.memory_space<vmem>>)
      tpu.yield
    }) : () -> ()
    %mul3A_3 = arith.constant 640 : i32
    %mul3A_4 = arith.muli %arg1, %mul3A_3 : i32
    "tpu.region"() ({
      %run_scoped3A = tpu.sem_alloc : memref<!tpu.dma_semaphore, #tpu.memory_space<semaphore_mem>>
      %dma_start3A_111 = tpu.memref_slice %arg10[%mul3A_4] : memref<10240xf32, #tpu.memory_space<vmem_shared>> -> memref<640xf32, #tpu.memory_space<vmem_shared>>
      %dma_start3A_112 = tpu.memref_slice %arg10[%mul3A_4] : memref<10240xf32, #tpu.memory_space<vmem_shared>> -> memref<640xf32, #tpu.memory_space<vmem_shared>>
      tpu.enqueue_dma source(%arg9 : memref<640xf32, #tpu.memory_space<vmem>>) target(%dma_start3A_112 : memref<640xf32, #tpu.memory_space<vmem_shared>>) target_semaphore(%run_scoped3A : memref<!tpu.dma_semaphore, #tpu.memory_space<semaphore_mem>>)
      %dma_wait3A_113 = tpu.memref_slice %arg10[%mul3A_4] : memref<10240xf32, #tpu.memory_space<vmem_shared>> -> memref<640xf32, #tpu.memory_space<vmem_shared>>
      %dma_wait3A_114 = tpu.memref_slice %arg10[%mul3A_4] : memref<10240xf32, #tpu.memory_space<vmem_shared>> -> memref<640xf32, #tpu.memory_space<vmem_shared>>
      tpu.wait_dma2 semaphore(%run_scoped3A : memref<!tpu.dma_semaphore, #tpu.memory_space<semaphore_mem>>) src(%arg9 : memref<640xf32, #tpu.memory_space<vmem>>) dst(%dma_wait3A_114 : memref<640xf32, #tpu.memory_space<vmem_shared>>)
      tpu.yield
    }) : () -> ()
    %broadcast_in_dim3A = arith.constant 1.000000e+00 : f32
    %broadcast_in_dim3A_5 = vector.broadcast %broadcast_in_dim3A : f32 to vector<16xf32>
    %swap3A = arith.constant 0 : index
    %swap3A_6 = tpu.vector_load %arg8[%swap3A] {strides = array<i32>} : memref<128xf32, #tpu.memory_space<vmem>>, vector<16xf32>,
    %swap3A_7 = vector.shape_cast %swap3A_6 : vector<16xf32> to vector<16xf32>
    %swap3A_8 = vector.shape_cast %broadcast_in_dim3A_5 : vector<16xf32> to vector<16xf32>
    tpu.vector_store %arg8[%swap3A], %swap3A_8 {strides = array<i32>} : memref<128xf32, #tpu.memory_space<vmem>>, vector<16xf32>,
    %broadcast_in_dim3A_9 = arith.constant 1.000000e+00 : f32
    %broadcast_in_dim3A_10 = vector.broadcast %broadcast_in_dim3A_9 : f32 to vector<16xf32>
    %swap3A_11 = arith.constant 16 : index
    %swap3A_12 = tpu.vector_load %arg8[%swap3A_11] {strides = array<i32>} : memref<128xf32, #tpu.memory_space<vmem>>, vector<16xf32>,
    %swap3A_13 = vector.shape_cast %swap3A_12 : vector<16xf32> to vector<16xf32>
    %swap3A_14 = vector.shape_cast %broadcast_in_dim3A_10 : vector<16xf32> to vector<16xf32>
    tpu.vector_store %arg8[%swap3A_11], %swap3A_14 {strides = array<i32>} : memref<128xf32, #tpu.memory_space<vmem>>, vector<16xf32>,
    %broadcast_in_dim3A_15 = arith.constant 1.000000e+00 : f32
    %broadcast_in_dim3A_16 = vector.broadcast %broadcast_in_dim3A_15 : f32 to vector<16xf32>
    %swap3A_17 = arith.constant 32 : index
    %swap3A_18 = tpu.vector_load %arg8[%swap3A_17] {strides = array<i32>} : memref<128xf32, #tpu.memory_space<vmem>>, vector<16xf32>,
    %swap3A_19 = vector.shape_cast %swap3A_18 : vector<16xf32> to vector<16xf32>
    %swap3A_20 = vector.shape_cast %broadcast_in_dim3A_16 : vector<16xf32> to vector<16xf32>
    tpu.vector_store %arg8[%swap3A_17], %swap3A_20 {strides = array<i32>} : memref<128xf32, #tpu.memory_space<vmem>>, vector<16xf32>,
    %broadcast_in_dim3A_21 = arith.constant 1.000000e+00 : f32
    %broadcast_in_dim3A_22 = vector.broadcast %broadcast_in_dim3A_21 : f32 to vector<16xf32>
    %swap3A_23 = arith.constant 48 : index
    %swap3A_24 = tpu.vector_load %arg8[%swap3A_23] {strides = array<i32>} : memref<128xf32, #tpu.memory_space<vmem>>, vector<16xf32>,
    %swap3A_25 = vector.shape_cast %swap3A_24 : vector<16xf32> to vector<16xf32>
    %swap3A_26 = vector.shape_cast %broadcast_in_dim3A_22 : vector<16xf32> to vector<16xf32>
    tpu.vector_store %arg8[%swap3A_23], %swap3A_26 {strides = array<i32>} : memref<128xf32, #tpu.memory_space<vmem>>, vector<16xf32>,
    %broadcast_in_dim3A_27 = arith.constant 1.000000e+00 : f32
    %broadcast_in_dim3A_28 = vector.broadcast %broadcast_in_dim3A_27 : f32 to vector<16xf32>
    %swap3A_29 = arith.constant 64 : index
    %swap3A_30 = tpu.vector_load %arg8[%swap3A_29] {strides = array<i32>} : memref<128xf32, #tpu.memory_space<vmem>>, vector<16xf32>,
    %swap3A_31 = vector.shape_cast %swap3A_30 : vector<16xf32> to vector<16xf32>
    %swap3A_32 = vector.shape_cast %broadcast_in_dim3A_28 : vector<16xf32> to vector<16xf32>
    tpu.vector_store %arg8[%swap3A_29], %swap3A_32 {strides = array<i32>} : memref<128xf32, #tpu.memory_space<vmem>>, vector<16xf32>,
    %broadcast_in_dim3A_33 = arith.constant 1.000000e+00 : f32
    %broadcast_in_dim3A_34 = vector.broadcast %broadcast_in_dim3A_33 : f32 to vector<16xf32>
    %swap3A_35 = arith.constant 80 : index
    %swap3A_36 = tpu.vector_load %arg8[%swap3A_35] {strides = array<i32>} : memref<128xf32, #tpu.memory_space<vmem>>, vector<16xf32>,
    %swap3A_37 = vector.shape_cast %swap3A_36 : vector<16xf32> to vector<16xf32>
    %swap3A_38 = vector.shape_cast %broadcast_in_dim3A_34 : vector<16xf32> to vector<16xf32>
    tpu.vector_store %arg8[%swap3A_35], %swap3A_38 {strides = array<i32>} : memref<128xf32, #tpu.memory_space<vmem>>, vector<16xf32>,
    %broadcast_in_dim3A_39 = arith.constant 1.000000e+00 : f32
    %broadcast_in_dim3A_40 = vector.broadcast %broadcast_in_dim3A_39 : f32 to vector<16xf32>
    %swap3A_41 = arith.constant 96 : index
    %swap3A_42 = tpu.vector_load %arg8[%swap3A_41] {strides = array<i32>} : memref<128xf32, #tpu.memory_space<vmem>>, vector<16xf32>,
    %swap3A_43 = vector.shape_cast %swap3A_42 : vector<16xf32> to vector<16xf32>
    %swap3A_44 = vector.shape_cast %broadcast_in_dim3A_40 : vector<16xf32> to vector<16xf32>
    tpu.vector_store %arg8[%swap3A_41], %swap3A_44 {strides = array<i32>} : memref<128xf32, #tpu.memory_space<vmem>>, vector<16xf32>,
    %broadcast_in_dim3A_45 = arith.constant 1.000000e+00 : f32
    %broadcast_in_dim3A_46 = vector.broadcast %broadcast_in_dim3A_45 : f32 to vector<16xf32>
    %swap3A_47 = arith.constant 112 : index
    %swap3A_48 = tpu.vector_load %arg8[%swap3A_47] {strides = array<i32>} : memref<128xf32, #tpu.memory_space<vmem>>, vector<16xf32>,
    %swap3A_49 = vector.shape_cast %swap3A_48 : vector<16xf32> to vector<16xf32>
    %swap3A_50 = vector.shape_cast %broadcast_in_dim3A_46 : vector<16xf32> to vector<16xf32>
    tpu.vector_store %arg8[%swap3A_47], %swap3A_50 {strides = array<i32>} : memref<128xf32, #tpu.memory_space<vmem>>, vector<16xf32>,
    %barrier3A = arith.constant 0 : index
    tpu.barrier barrier_id(%barrier3A)
    %dma_start3A = arith.constant 0 : i32
    %dma_start3A_51 = tpu.memref_slice %arg2[%dma_start3A, %mul3A_2] : memref<2x327680xi32, #tpu.memory_space<hbm>> -> memref<2x128xi32, #tpu.memory_space<hbm>>
    %dma_start3A_52 = arith.constant 0 : i32
    %dma_start3A_53 = tpu.memref_slice %arg2[%dma_start3A_52, %mul3A_2] : memref<2x327680xi32, #tpu.memory_space<hbm>> -> memref<2x128xi32, #tpu.memory_space<hbm>>
    tpu.enqueue_dma source(%dma_start3A_53 : memref<2x128xi32, #tpu.memory_space<hbm>>) target(%arg5 : memref<2x128xi32, #tpu.memory_space<vmem>>) target_semaphore(%arg11 : memref<!tpu.dma_semaphore, #tpu.memory_space<semaphore_mem>>)
    %add3A_54 = arith.constant 128 : i32
    %add3A_55 = arith.addi %mul3A_2, %add3A_54 : i32
    %dma_start3A_56 = arith.constant 0 : i32
    %dma_start3A_57 = tpu.memref_slice %arg2[%dma_start3A_56, %add3A_55] : memref<2x327680xi32, #tpu.memory_space<hbm>> -> memref<2x128xi32, #tpu.memory_space<hbm>>
    %dma_start3A_58 = arith.constant 0 : i32
    %dma_start3A_59 = tpu.memref_slice %arg2[%dma_start3A_58, %add3A_55] : memref<2x327680xi32, #tpu.memory_space<hbm>> -> memref<2x128xi32, #tpu.memory_space<hbm>>
    tpu.enqueue_dma source(%dma_start3A_59 : memref<2x128xi32, #tpu.memory_space<hbm>>) target(%arg6 : memref<2x128xi32, #tpu.memory_space<vmem>>) target_semaphore(%arg12 : memref<!tpu.dma_semaphore, #tpu.memory_space<semaphore_mem>>)
    %scan3A = arith.constant 0 : i32
    %scan3A_60 = arith.constant 0 : i32
    %scan3A_61 = arith.constant 26 : i32
    %scan3A_62 = arith.addi %scan3A_60, %scan3A_61 : i32
    %scan3A_63 = arith.constant 1 : i32
    scf.for %scan3A_111 = %scan3A_60 to %scan3A_62 step %scan3A_63  : i32 {
      %mul3A_112 = arith.constant 3 : i32
      %mul3A_113 = arith.muli %mul3A_112, %scan3A_111 : i32
      %dma_wait3A_114 = arith.constant 0 : i32
      %dma_wait3A_115 = arith.constant 0 : i32
      %dma_wait3A_116 = tpu.memref_slice %arg2[%dma_wait3A_114, %dma_wait3A_115] : memref<2x327680xi32, #tpu.memory_space<hbm>> -> memref<2x128xi32, #tpu.memory_space<hbm>>
      %dma_wait3A_117 = arith.constant 0 : i32
      %dma_wait3A_118 = arith.constant 0 : i32
      %dma_wait3A_119 = tpu.memref_slice %arg2[%dma_wait3A_117, %dma_wait3A_118] : memref<2x327680xi32, #tpu.memory_space<hbm>> -> memref<2x128xi32, #tpu.memory_space<hbm>>
      tpu.wait_dma2 semaphore(%arg11 : memref<!tpu.dma_semaphore, #tpu.memory_space<semaphore_mem>>) src(%dma_wait3A_119 : memref<2x128xi32, #tpu.memory_space<hbm>>) dst(%arg5 : memref<2x128xi32, #tpu.memory_space<vmem>>)
      %dma_start3A_120 = arith.constant 1 : i32
      %dma_start3A_121 = arith.constant 0 : i32
      %dma_start3A_122 = tpu.memref_slice %arg5[%dma_start3A_120, %dma_start3A_121] : memref<2x128xi32, #tpu.memory_space<vmem>> -> memref<1x128xi32, #tpu.memory_space<vmem>>
      %dma_start3A_123 = tpu.memref_squeeze %dma_start3A_122 : memref<1x128xi32, #tpu.memory_space<vmem>> -> memref<128xi32, #tpu.memory_space<vmem>>
      %dma_start3A_124 = arith.constant 0 : i32
      %dma_start3A_125 = tpu.memref_slice %arg10[%dma_start3A_124] : memref<10240xf32, #tpu.memory_space<vmem_shared>> -> memref<10240xf32, #tpu.memory_space<vmem_shared>>
      tpu.enqueue_indirect_dma source(%arg8 : memref<128xf32, #tpu.memory_space<vmem>>) target(%dma_start3A_125 : memref<10240xf32, #tpu.memory_space<vmem_shared>>) offsets(%dma_start3A_123 : memref<128xi32, #tpu.memory_space<vmem>>) semaphore(%arg14 : memref<!tpu.dma_semaphore, #tpu.memory_space<semaphore_mem>>) {add = true}
      %ge3A = arith.constant 1 : i32
      %ge3A_126 = arith.cmpi sge, %mul3A_113, %ge3A : i32
      %convert_element_type3A = arith.extui %ge3A_126 : i1 to i32
      %cond3A = arith.constant 0 : i32
      %cond3A_127 = arith.cmpi ne, %convert_element_type3A, %cond3A : i32
      scf.if %cond3A_127 {
        %dma_wait3A_186 = arith.constant 1 : i32
        %dma_wait3A_187 = arith.constant 0 : i32
        %dma_wait3A_188 = tpu.memref_slice %arg7[%dma_wait3A_186, %dma_wait3A_187] : memref<2x128xi32, #tpu.memory_space<vmem>> -> memref<1x128xi32, #tpu.memory_space<vmem>>
        %dma_wait3A_189 = tpu.memref_squeeze %dma_wait3A_188 : memref<1x128xi32, #tpu.memory_space<vmem>> -> memref<128xi32, #tpu.memory_space<vmem>>
        %dma_wait3A_190 = arith.constant 0 : i32
        %dma_wait3A_191 = tpu.memref_slice %arg10[%dma_wait3A_190] : memref<10240xf32, #tpu.memory_space<vmem_shared>> -> memref<10240xf32, #tpu.memory_space<vmem_shared>>
        tpu.wait_indirect_dma semaphore(%arg16 : memref<!tpu.dma_semaphore, #tpu.memory_space<semaphore_mem>>) src(%arg8 : memref<128xf32, #tpu.memory_space<vmem>>) dst(%dma_wait3A_191 : memref<10240xf32, #tpu.memory_space<vmem_shared>>)
      } else {
      }
      %add3A_128 = arith.constant 2 : i32
      %add3A_129 = arith.addi %mul3A_113, %add3A_128 : i32
      %lt3A = arith.constant 80 : i32
      %lt3A_130 = arith.cmpi slt, %add3A_129, %lt3A : i32
      %convert_element_type3A_131 = arith.extui %lt3A_130 : i1 to i32
      %cond3A_132 = arith.constant 0 : i32
      %cond3A_133 = arith.cmpi ne, %convert_element_type3A_131, %cond3A_132 : i32
      scf.if %cond3A_133 {
        %add3A_186 = arith.constant 2 : i32
        %add3A_187 = arith.addi %mul3A_113, %add3A_186 : i32
        %mul3A_188 = arith.constant 128 : i32
        %mul3A_189 = arith.muli %add3A_187, %mul3A_188 : i32
        %add3A_190 = arith.addi %mul3A_2, %mul3A_189 : i32
        %dma_start3A_191 = arith.constant 0 : i32
        %dma_start3A_192 = tpu.memref_slice %arg2[%dma_start3A_191, %add3A_190] : memref<2x327680xi32, #tpu.memory_space<hbm>> -> memref<2x128xi32, #tpu.memory_space<hbm>>
        %dma_start3A_193 = arith.constant 0 : i32
        %dma_start3A_194 = tpu.memref_slice %arg2[%dma_start3A_193, %add3A_190] : memref<2x327680xi32, #tpu.memory_space<hbm>> -> memref<2x128xi32, #tpu.memory_space<hbm>>
        tpu.enqueue_dma source(%dma_start3A_194 : memref<2x128xi32, #tpu.memory_space<hbm>>) target(%arg7 : memref<2x128xi32, #tpu.memory_space<vmem>>) target_semaphore(%arg13 : memref<!tpu.dma_semaphore, #tpu.memory_space<semaphore_mem>>)
      } else {
      }
      %add3A_134 = arith.constant 1 : i32
      %add3A_135 = arith.addi %mul3A_113, %add3A_134 : i32
      %dma_wait3A_136 = arith.constant 0 : i32
      %dma_wait3A_137 = arith.constant 0 : i32
      %dma_wait3A_138 = tpu.memref_slice %arg2[%dma_wait3A_136, %dma_wait3A_137] : memref<2x327680xi32, #tpu.memory_space<hbm>> -> memref<2x128xi32, #tpu.memory_space<hbm>>
      %dma_wait3A_139 = arith.constant 0 : i32
      %dma_wait3A_140 = arith.constant 0 : i32
      %dma_wait3A_141 = tpu.memref_slice %arg2[%dma_wait3A_139, %dma_wait3A_140] : memref<2x327680xi32, #tpu.memory_space<hbm>> -> memref<2x128xi32, #tpu.memory_space<hbm>>
      tpu.wait_dma2 semaphore(%arg12 : memref<!tpu.dma_semaphore, #tpu.memory_space<semaphore_mem>>) src(%dma_wait3A_141 : memref<2x128xi32, #tpu.memory_space<hbm>>) dst(%arg6 : memref<2x128xi32, #tpu.memory_space<vmem>>)
      %dma_start3A_142 = arith.constant 1 : i32
      %dma_start3A_143 = arith.constant 0 : i32
      %dma_start3A_144 = tpu.memref_slice %arg6[%dma_start3A_142, %dma_start3A_143] : memref<2x128xi32, #tpu.memory_space<vmem>> -> memref<1x128xi32, #tpu.memory_space<vmem>>
      %dma_start3A_145 = tpu.memref_squeeze %dma_start3A_144 : memref<1x128xi32, #tpu.memory_space<vmem>> -> memref<128xi32, #tpu.memory_space<vmem>>
      %dma_start3A_146 = arith.constant 0 : i32
      %dma_start3A_147 = tpu.memref_slice %arg10[%dma_start3A_146] : memref<10240xf32, #tpu.memory_space<vmem_shared>> -> memref<10240xf32, #tpu.memory_space<vmem_shared>>
      tpu.enqueue_indirect_dma source(%arg8 : memref<128xf32, #tpu.memory_space<vmem>>) target(%dma_start3A_147 : memref<10240xf32, #tpu.memory_space<vmem_shared>>) offsets(%dma_start3A_145 : memref<128xi32, #tpu.memory_space<vmem>>) semaphore(%arg15 : memref<!tpu.dma_semaphore, #tpu.memory_space<semaphore_mem>>) {add = true}
      %ge3A_148 = arith.constant 1 : i32
      %ge3A_149 = arith.cmpi sge, %add3A_135, %ge3A_148 : i32
      %convert_element_type3A_150 = arith.extui %ge3A_149 : i1 to i32
      %cond3A_151 = arith.constant 0 : i32
      %cond3A_152 = arith.cmpi ne, %convert_element_type3A_150, %cond3A_151 : i32
      scf.if %cond3A_152 {
        %dma_wait3A_186 = arith.constant 1 : i32
        %dma_wait3A_187 = arith.constant 0 : i32
        %dma_wait3A_188 = tpu.memref_slice %arg5[%dma_wait3A_186, %dma_wait3A_187] : memref<2x128xi32, #tpu.memory_space<vmem>> -> memref<1x128xi32, #tpu.memory_space<vmem>>
        %dma_wait3A_189 = tpu.memref_squeeze %dma_wait3A_188 : memref<1x128xi32, #tpu.memory_space<vmem>> -> memref<128xi32, #tpu.memory_space<vmem>>
        %dma_wait3A_190 = arith.constant 0 : i32
        %dma_wait3A_191 = tpu.memref_slice %arg10[%dma_wait3A_190] : memref<10240xf32, #tpu.memory_space<vmem_shared>> -> memref<10240xf32, #tpu.memory_space<vmem_shared>>
        tpu.wait_indirect_dma semaphore(%arg14 : memref<!tpu.dma_semaphore, #tpu.memory_space<semaphore_mem>>) src(%arg8 : memref<128xf32, #tpu.memory_space<vmem>>) dst(%dma_wait3A_191 : memref<10240xf32, #tpu.memory_space<vmem_shared>>)
      } else {
      }
      %add3A_153 = arith.constant 2 : i32
      %add3A_154 = arith.addi %add3A_135, %add3A_153 : i32
      %lt3A_155 = arith.constant 80 : i32
      %lt3A_156 = arith.cmpi slt, %add3A_154, %lt3A_155 : i32
      %convert_element_type3A_157 = arith.extui %lt3A_156 : i1 to i32
      %cond3A_158 = arith.constant 0 : i32
      %cond3A_159 = arith.cmpi ne, %convert_element_type3A_157, %cond3A_158 : i32
      scf.if %cond3A_159 {
        %add3A_186 = arith.constant 2 : i32
        %add3A_187 = arith.addi %add3A_135, %add3A_186 : i32
        %mul3A_188 = arith.constant 128 : i32
        %mul3A_189 = arith.muli %add3A_187, %mul3A_188 : i32
        %add3A_190 = arith.addi %mul3A_2, %mul3A_189 : i32
        %dma_start3A_191 = arith.constant 0 : i32
        %dma_start3A_192 = tpu.memref_slice %arg2[%dma_start3A_191, %add3A_190] : memref<2x327680xi32, #tpu.memory_space<hbm>> -> memref<2x128xi32, #tpu.memory_space<hbm>>
        %dma_start3A_193 = arith.constant 0 : i32
        %dma_start3A_194 = tpu.memref_slice %arg2[%dma_start3A_193, %add3A_190] : memref<2x327680xi32, #tpu.memory_space<hbm>> -> memref<2x128xi32, #tpu.memory_space<hbm>>
        tpu.enqueue_dma source(%dma_start3A_194 : memref<2x128xi32, #tpu.memory_space<hbm>>) target(%arg5 : memref<2x128xi32, #tpu.memory_space<vmem>>) target_semaphore(%arg11 : memref<!tpu.dma_semaphore, #tpu.memory_space<semaphore_mem>>)
      } else {
      }
      %add3A_160 = arith.constant 2 : i32
      %add3A_161 = arith.addi %mul3A_113, %add3A_160 : i32
      %dma_wait3A_162 = arith.constant 0 : i32
      %dma_wait3A_163 = arith.constant 0 : i32
      %dma_wait3A_164 = tpu.memref_slice %arg2[%dma_wait3A_162, %dma_wait3A_163] : memref<2x327680xi32, #tpu.memory_space<hbm>> -> memref<2x128xi32, #tpu.memory_space<hbm>>
      %dma_wait3A_165 = arith.constant 0 : i32
      %dma_wait3A_166 = arith.constant 0 : i32
      %dma_wait3A_167 = tpu.memref_slice %arg2[%dma_wait3A_165, %dma_wait3A_166] : memref<2x327680xi32, #tpu.memory_space<hbm>> -> memref<2x128xi32, #tpu.memory_space<hbm>>
      tpu.wait_dma2 semaphore(%arg13 : memref<!tpu.dma_semaphore, #tpu.memory_space<semaphore_mem>>) src(%dma_wait3A_167 : memref<2x128xi32, #tpu.memory_space<hbm>>) dst(%arg7 : memref<2x128xi32, #tpu.memory_space<vmem>>)
      %dma_start3A_168 = arith.constant 1 : i32
      %dma_start3A_169 = arith.constant 0 : i32
      %dma_start3A_170 = tpu.memref_slice %arg7[%dma_start3A_168, %dma_start3A_169] : memref<2x128xi32, #tpu.memory_space<vmem>> -> memref<1x128xi32, #tpu.memory_space<vmem>>
      %dma_start3A_171 = tpu.memref_squeeze %dma_start3A_170 : memref<1x128xi32, #tpu.memory_space<vmem>> -> memref<128xi32, #tpu.memory_space<vmem>>
      %dma_start3A_172 = arith.constant 0 : i32
      %dma_start3A_173 = tpu.memref_slice %arg10[%dma_start3A_172] : memref<10240xf32, #tpu.memory_space<vmem_shared>> -> memref<10240xf32, #tpu.memory_space<vmem_shared>>
      tpu.enqueue_indirect_dma source(%arg8 : memref<128xf32, #tpu.memory_space<vmem>>) target(%dma_start3A_173 : memref<10240xf32, #tpu.memory_space<vmem_shared>>) offsets(%dma_start3A_171 : memref<128xi32, #tpu.memory_space<vmem>>) semaphore(%arg16 : memref<!tpu.dma_semaphore, #tpu.memory_space<semaphore_mem>>) {add = true}
      %ge3A_174 = arith.constant 1 : i32
      %ge3A_175 = arith.cmpi sge, %add3A_161, %ge3A_174 : i32
      %convert_element_type3A_176 = arith.extui %ge3A_175 : i1 to i32
      %cond3A_177 = arith.constant 0 : i32
      %cond3A_178 = arith.cmpi ne, %convert_element_type3A_176, %cond3A_177 : i32
      scf.if %cond3A_178 {
        %dma_wait3A_186 = arith.constant 1 : i32
        %dma_wait3A_187 = arith.constant 0 : i32
        %dma_wait3A_188 = tpu.memref_slice %arg6[%dma_wait3A_186, %dma_wait3A_187] : memref<2x128xi32, #tpu.memory_space<vmem>> -> memref<1x128xi32, #tpu.memory_space<vmem>>
        %dma_wait3A_189 = tpu.memref_squeeze %dma_wait3A_188 : memref<1x128xi32, #tpu.memory_space<vmem>> -> memref<128xi32, #tpu.memory_space<vmem>>
        %dma_wait3A_190 = arith.constant 0 : i32
        %dma_wait3A_191 = tpu.memref_slice %arg10[%dma_wait3A_190] : memref<10240xf32, #tpu.memory_space<vmem_shared>> -> memref<10240xf32, #tpu.memory_space<vmem_shared>>
        tpu.wait_indirect_dma semaphore(%arg15 : memref<!tpu.dma_semaphore, #tpu.memory_space<semaphore_mem>>) src(%arg8 : memref<128xf32, #tpu.memory_space<vmem>>) dst(%dma_wait3A_191 : memref<10240xf32, #tpu.memory_space<vmem_shared>>)
      } else {
      }
      %add3A_179 = arith.constant 2 : i32
      %add3A_180 = arith.addi %add3A_161, %add3A_179 : i32
      %lt3A_181 = arith.constant 80 : i32
      %lt3A_182 = arith.cmpi slt, %add3A_180, %lt3A_181 : i32
      %convert_element_type3A_183 = arith.extui %lt3A_182 : i1 to i32
      %cond3A_184 = arith.constant 0 : i32
      %cond3A_185 = arith.cmpi ne, %convert_element_type3A_183, %cond3A_184 : i32
      scf.if %cond3A_185 {
        %add3A_186 = arith.constant 2 : i32
        %add3A_187 = arith.addi %add3A_161, %add3A_186 : i32
        %mul3A_188 = arith.constant 128 : i32
        %mul3A_189 = arith.muli %add3A_187, %mul3A_188 : i32
        %add3A_190 = arith.addi %mul3A_2, %mul3A_189 : i32
        %dma_start3A_191 = arith.constant 0 : i32
        %dma_start3A_192 = tpu.memref_slice %arg2[%dma_start3A_191, %add3A_190] : memref<2x327680xi32, #tpu.memory_space<hbm>> -> memref<2x128xi32, #tpu.memory_space<hbm>>
        %dma_start3A_193 = arith.constant 0 : i32
        %dma_start3A_194 = tpu.memref_slice %arg2[%dma_start3A_193, %add3A_190] : memref<2x327680xi32, #tpu.memory_space<hbm>> -> memref<2x128xi32, #tpu.memory_space<hbm>>
        tpu.enqueue_dma source(%dma_start3A_194 : memref<2x128xi32, #tpu.memory_space<hbm>>) target(%arg6 : memref<2x128xi32, #tpu.memory_space<vmem>>) target_semaphore(%arg12 : memref<!tpu.dma_semaphore, #tpu.memory_space<semaphore_mem>>)
      } else {
      }
    }
    %scan3A_64 = arith.constant 26 : i32
    %dma_wait3A = arith.constant 0 : i32
    %dma_wait3A_65 = arith.constant 0 : i32
    %dma_wait3A_66 = tpu.memref_slice %arg2[%dma_wait3A, %dma_wait3A_65] : memref<2x327680xi32, #tpu.memory_space<hbm>> -> memref<2x128xi32, #tpu.memory_space<hbm>>
    %dma_wait3A_67 = arith.constant 0 : i32
    %dma_wait3A_68 = arith.constant 0 : i32
    %dma_wait3A_69 = tpu.memref_slice %arg2[%dma_wait3A_67, %dma_wait3A_68] : memref<2x327680xi32, #tpu.memory_space<hbm>> -> memref<2x128xi32, #tpu.memory_space<hbm>>
    tpu.wait_dma2 semaphore(%arg11 : memref<!tpu.dma_semaphore, #tpu.memory_space<semaphore_mem>>) src(%dma_wait3A_69 : memref<2x128xi32, #tpu.memory_space<hbm>>) dst(%arg5 : memref<2x128xi32, #tpu.memory_space<vmem>>)
    %dma_start3A_70 = arith.constant 1 : i32
    %dma_start3A_71 = arith.constant 0 : i32
    %dma_start3A_72 = tpu.memref_slice %arg5[%dma_start3A_70, %dma_start3A_71] : memref<2x128xi32, #tpu.memory_space<vmem>> -> memref<1x128xi32, #tpu.memory_space<vmem>>
    %dma_start3A_73 = tpu.memref_squeeze %dma_start3A_72 : memref<1x128xi32, #tpu.memory_space<vmem>> -> memref<128xi32, #tpu.memory_space<vmem>>
    %dma_start3A_74 = arith.constant 0 : i32
    %dma_start3A_75 = tpu.memref_slice %arg10[%dma_start3A_74] : memref<10240xf32, #tpu.memory_space<vmem_shared>> -> memref<10240xf32, #tpu.memory_space<vmem_shared>>
    tpu.enqueue_indirect_dma source(%arg8 : memref<128xf32, #tpu.memory_space<vmem>>) target(%dma_start3A_75 : memref<10240xf32, #tpu.memory_space<vmem_shared>>) offsets(%dma_start3A_73 : memref<128xi32, #tpu.memory_space<vmem>>) semaphore(%arg14 : memref<!tpu.dma_semaphore, #tpu.memory_space<semaphore_mem>>) {add = true}
    %dma_wait3A_76 = arith.constant 1 : i32
    %dma_wait3A_77 = arith.constant 0 : i32
    %dma_wait3A_78 = tpu.memref_slice %arg7[%dma_wait3A_76, %dma_wait3A_77] : memref<2x128xi32, #tpu.memory_space<vmem>> -> memref<1x128xi32, #tpu.memory_space<vmem>>
    %dma_wait3A_79 = tpu.memref_squeeze %dma_wait3A_78 : memref<1x128xi32, #tpu.memory_space<vmem>> -> memref<128xi32, #tpu.memory_space<vmem>>
    %dma_wait3A_80 = arith.constant 0 : i32
    %dma_wait3A_81 = tpu.memref_slice %arg10[%dma_wait3A_80] : memref<10240xf32, #tpu.memory_space<vmem_shared>> -> memref<10240xf32, #tpu.memory_space<vmem_shared>>
    tpu.wait_indirect_dma semaphore(%arg16 : memref<!tpu.dma_semaphore, #tpu.memory_space<semaphore_mem>>) src(%arg8 : memref<128xf32, #tpu.memory_space<vmem>>) dst(%dma_wait3A_81 : memref<10240xf32, #tpu.memory_space<vmem_shared>>)
    %dma_wait3A_82 = arith.constant 0 : i32
    %dma_wait3A_83 = arith.constant 0 : i32
    %dma_wait3A_84 = tpu.memref_slice %arg2[%dma_wait3A_82, %dma_wait3A_83] : memref<2x327680xi32, #tpu.memory_space<hbm>> -> memref<2x128xi32, #tpu.memory_space<hbm>>
    %dma_wait3A_85 = arith.constant 0 : i32
    %dma_wait3A_86 = arith.constant 0 : i32
    %dma_wait3A_87 = tpu.memref_slice %arg2[%dma_wait3A_85, %dma_wait3A_86] : memref<2x327680xi32, #tpu.memory_space<hbm>> -> memref<2x128xi32, #tpu.memory_space<hbm>>
    tpu.wait_dma2 semaphore(%arg12 : memref<!tpu.dma_semaphore, #tpu.memory_space<semaphore_mem>>) src(%dma_wait3A_87 : memref<2x128xi32, #tpu.memory_space<hbm>>) dst(%arg6 : memref<2x128xi32, #tpu.memory_space<vmem>>)
    %dma_start3A_88 = arith.constant 1 : i32
    %dma_start3A_89 = arith.constant 0 : i32
    %dma_start3A_90 = tpu.memref_slice %arg6[%dma_start3A_88, %dma_start3A_89] : memref<2x128xi32, #tpu.memory_space<vmem>> -> memref<1x128xi32, #tpu.memory_space<vmem>>
    %dma_start3A_91 = tpu.memref_squeeze %dma_start3A_90 : memref<1x128xi32, #tpu.memory_space<vmem>> -> memref<128xi32, #tpu.memory_space<vmem>>
    %dma_start3A_92 = arith.constant 0 : i32
    %dma_start3A_93 = tpu.memref_slice %arg10[%dma_start3A_92] : memref<10240xf32, #tpu.memory_space<vmem_shared>> -> memref<10240xf32, #tpu.memory_space<vmem_shared>>
    tpu.enqueue_indirect_dma source(%arg8 : memref<128xf32, #tpu.memory_space<vmem>>) target(%dma_start3A_93 : memref<10240xf32, #tpu.memory_space<vmem_shared>>) offsets(%dma_start3A_91 : memref<128xi32, #tpu.memory_space<vmem>>) semaphore(%arg15 : memref<!tpu.dma_semaphore, #tpu.memory_space<semaphore_mem>>) {add = true}
    %dma_wait3A_94 = arith.constant 1 : i32
    %dma_wait3A_95 = arith.constant 0 : i32
    %dma_wait3A_96 = tpu.memref_slice %arg5[%dma_wait3A_94, %dma_wait3A_95] : memref<2x128xi32, #tpu.memory_space<vmem>> -> memref<1x128xi32, #tpu.memory_space<vmem>>
    %dma_wait3A_97 = tpu.memref_squeeze %dma_wait3A_96 : memref<1x128xi32, #tpu.memory_space<vmem>> -> memref<128xi32, #tpu.memory_space<vmem>>
    %dma_wait3A_98 = arith.constant 0 : i32
    %dma_wait3A_99 = tpu.memref_slice %arg10[%dma_wait3A_98] : memref<10240xf32, #tpu.memory_space<vmem_shared>> -> memref<10240xf32, #tpu.memory_space<vmem_shared>>
    tpu.wait_indirect_dma semaphore(%arg14 : memref<!tpu.dma_semaphore, #tpu.memory_space<semaphore_mem>>) src(%arg8 : memref<128xf32, #tpu.memory_space<vmem>>) dst(%dma_wait3A_99 : memref<10240xf32, #tpu.memory_space<vmem_shared>>)
    %dma_wait3A_100 = arith.constant 1 : i32
    %dma_wait3A_101 = arith.constant 0 : i32
    %dma_wait3A_102 = tpu.memref_slice %arg6[%dma_wait3A_100, %dma_wait3A_101] : memref<2x128xi32, #tpu.memory_space<vmem>> -> memref<1x128xi32, #tpu.memory_space<vmem>>
    %dma_wait3A_103 = tpu.memref_squeeze %dma_wait3A_102 : memref<1x128xi32, #tpu.memory_space<vmem>> -> memref<128xi32, #tpu.memory_space<vmem>>
    %dma_wait3A_104 = arith.constant 0 : i32
    %dma_wait3A_105 = tpu.memref_slice %arg10[%dma_wait3A_104] : memref<10240xf32, #tpu.memory_space<vmem_shared>> -> memref<10240xf32, #tpu.memory_space<vmem_shared>>
    tpu.wait_indirect_dma semaphore(%arg15 : memref<!tpu.dma_semaphore, #tpu.memory_space<semaphore_mem>>) src(%arg8 : memref<128xf32, #tpu.memory_space<vmem>>) dst(%dma_wait3A_105 : memref<10240xf32, #tpu.memory_space<vmem_shared>>)
    %barrier3A_106 = arith.constant 0 : index
    tpu.barrier barrier_id(%barrier3A_106)
    %mul3A_107 = arith.constant 640 : i32
    %mul3A_108 = arith.muli %arg1, %mul3A_107 : i32
    %mul3A_109 = arith.constant 640 : i32
    %mul3A_110 = arith.muli %arg1, %mul3A_109 : i32
    "tpu.region"() ({
      %run_scoped3A = tpu.sem_alloc : memref<!tpu.dma_semaphore, #tpu.memory_space<semaphore_mem>>
      %dma_start3A_111 = tpu.memref_slice %arg4[%arg0, %mul3A_110] : memref<2x10240xf32, #tpu.memory_space<hbm>> -> memref<1x640xf32, #tpu.memory_space<hbm>>
      %dma_start3A_112 = tpu.memref_squeeze %dma_start3A_111 : memref<1x640xf32, #tpu.memory_space<hbm>> -> memref<640xf32, #tpu.memory_space<hbm>>
      %dma_start3A_113 = tpu.memref_slice %arg10[%mul3A_108] : memref<10240xf32, #tpu.memory_space<vmem_shared>> -> memref<640xf32, #tpu.memory_space<vmem_shared>>
      tpu.enqueue_dma source(%dma_start3A_113 : memref<640xf32, #tpu.memory_space<vmem_shared>>) target(%dma_start3A_112 : memref<640xf32, #tpu.memory_space<hbm>>) target_semaphore(%run_scoped3A : memref<!tpu.dma_semaphore, #tpu.memory_space<semaphore_mem>>)
      %dma_wait3A_114 = tpu.memref_slice %arg4[%arg0, %mul3A_110] : memref<2x10240xf32, #tpu.memory_space<hbm>> -> memref<1x640xf32, #tpu.memory_space<hbm>>
      %dma_wait3A_115 = tpu.memref_squeeze %dma_wait3A_114 : memref<1x640xf32, #tpu.memory_space<hbm>> -> memref<640xf32, #tpu.memory_space<hbm>>
      %dma_wait3A_116 = tpu.memref_slice %arg10[%mul3A_108] : memref<10240xf32, #tpu.memory_space<vmem_shared>> -> memref<640xf32, #tpu.memory_space<vmem_shared>>
      tpu.wait_dma2 semaphore(%run_scoped3A : memref<!tpu.dma_semaphore, #tpu.memory_space<semaphore_mem>>) src(%dma_wait3A_116 : memref<640xf32, #tpu.memory_space<vmem_shared>>) dst(%dma_wait3A_115 : memref<640xf32, #tpu.memory_space<hbm>>)
      tpu.yield
    }) : () -> ()
    return
  }
}

#map = affine_map<(d0, d1) -> (0, 0)>
#map1 = affine_map<(d0, d1) -> (0)>
#map2 = affine_map<(d0, d1) -> (0, 0, 0)>
module attributes {stable_mosaic.version = 14 : i64} {
  func.func @_sc_scatter(%arg0: i32, %arg1: i32, %arg2: memref<2x327680xi32, #tpu.memory_space<hbm>>, %arg3: memref<10240x128xf32, #tpu.memory_space<hbm>>, %arg4: memref<10240xf32, #tpu.memory_space<hbm>>, %arg5: memref<128x128xf32, #tpu.memory_space<hbm>>, %arg6: memref<640xf32, #tpu.memory_space<hbm>>, %arg7: memref<2x10240x128xf32, #tpu.memory_space<hbm>>, %arg8: memref<2x10240xf32, #tpu.memory_space<hbm>>, %arg9: memref<2x128xi32, #tpu.memory_space<vmem>>, %arg10: memref<2x128xi32, #tpu.memory_space<vmem>>, %arg11: memref<128xi32, #tpu.memory_space<vmem>>, %arg12: memref<128xi32, #tpu.memory_space<vmem>>, %arg13: memref<128xi32, #tpu.memory_space<vmem>>, %arg14: memref<128xi32, #tpu.memory_space<vmem>>, %arg15: memref<128xf32, #tpu.memory_space<vmem>>, %arg16: memref<128xf32, #tpu.memory_space<vmem>>, %arg17: memref<128x128xf32, #tpu.memory_space<vmem>>, %arg18: memref<128x128xf32, #tpu.memory_space<vmem>>, %arg19: memref<640xf32, #tpu.memory_space<vmem>>, %arg20: memref<10240xf32, #tpu.memory_space<vmem_shared>>, %arg21: memref<10240x128xf32, #tpu.memory_space<vmem_shared>>, %arg22: memref<10240xf32, #tpu.memory_space<vmem_shared>>, %arg23: memref<!tpu.dma_semaphore, #tpu.memory_space<semaphore_mem>>, %arg24: memref<!tpu.dma_semaphore, #tpu.memory_space<semaphore_mem>>, %arg25: memref<!tpu.dma_semaphore, #tpu.memory_space<semaphore_mem>>, %arg26: memref<!tpu.dma_semaphore, #tpu.memory_space<semaphore_mem>>, %arg27: memref<!tpu.dma_semaphore, #tpu.memory_space<semaphore_mem>>, %arg28: memref<!tpu.dma_semaphore, #tpu.memory_space<semaphore_mem>>, %arg29: memref<!tpu.dma_semaphore, #tpu.memory_space<semaphore_mem>>, %arg30: memref<!tpu.dma_semaphore, #tpu.memory_space<semaphore_mem>>) attributes {dimension_semantics = [#tpu.dimension_semantics<core_parallel>, #tpu.dimension_semantics<subcore_parallel>], iteration_bounds = array<i64: 2, 16>, scalar_prefetch = 0 : i64, scratch_operands = 22 : i64, tpu.core_type = #tpu.core_type<sc_vector_subcore>, window_params = [{transform_indices = #map}, {transform_indices = #map}, {transform_indices = #map1}, {transform_indices = #map}, {transform_indices = #map1}, {transform_indices = #map2}, {transform_indices = #map}]} {
    %mul3A = arith.constant 16 : i32
    %mul3A_0 = arith.muli %arg0, %mul3A : i32
    %add3A = arith.addi %mul3A_0, %arg1 : i32
    %mul3A_1 = arith.constant 10240 : i32
    %mul3A_2 = arith.muli %add3A, %mul3A_1 : i32
    %mul3A_3 = arith.constant 640 : i32
    %mul3A_4 = arith.muli %arg1, %mul3A_3 : i32
    "tpu.region"() ({
      %run_scoped3A = tpu.sem_alloc : memref<!tpu.dma_semaphore, #tpu.memory_space<semaphore_mem>>
      %dma_start3A_357 = tpu.memref_slice %arg20[%mul3A_4] : memref<10240xf32, #tpu.memory_space<vmem_shared>> -> memref<640xf32, #tpu.memory_space<vmem_shared>>
      %dma_start3A_358 = tpu.memref_slice %arg4[%mul3A_4] : memref<10240xf32, #tpu.memory_space<hbm>> -> memref<640xf32, #tpu.memory_space<hbm>>
      tpu.enqueue_dma source(%dma_start3A_358 : memref<640xf32, #tpu.memory_space<hbm>>) target(%dma_start3A_357 : memref<640xf32, #tpu.memory_space<vmem_shared>>) target_semaphore(%run_scoped3A : memref<!tpu.dma_semaphore, #tpu.memory_space<semaphore_mem>>)
      %dma_wait3A_359 = tpu.memref_slice %arg20[%mul3A_4] : memref<10240xf32, #tpu.memory_space<vmem_shared>> -> memref<640xf32, #tpu.memory_space<vmem_shared>>
      %dma_wait3A_360 = tpu.memref_slice %arg4[%mul3A_4] : memref<10240xf32, #tpu.memory_space<hbm>> -> memref<640xf32, #tpu.memory_space<hbm>>
      tpu.wait_dma2 semaphore(%run_scoped3A : memref<!tpu.dma_semaphore, #tpu.memory_space<semaphore_mem>>) src(%dma_wait3A_360 : memref<640xf32, #tpu.memory_space<hbm>>) dst(%dma_wait3A_359 : memref<640xf32, #tpu.memory_space<vmem_shared>>)
      tpu.yield
    }) : () -> ()
    "tpu.region"() ({
      %run_scoped3A = tpu.sem_alloc : memref<!tpu.dma_semaphore, #tpu.memory_space<semaphore_mem>>
      tpu.enqueue_dma source(%arg5 : memref<128x128xf32, #tpu.memory_space<hbm>>) target(%arg17 : memref<128x128xf32, #tpu.memory_space<vmem>>) target_semaphore(%run_scoped3A : memref<!tpu.dma_semaphore, #tpu.memory_space<semaphore_mem>>)
      tpu.wait_dma2 semaphore(%run_scoped3A : memref<!tpu.dma_semaphore, #tpu.memory_space<semaphore_mem>>) src(%arg5 : memref<128x128xf32, #tpu.memory_space<hbm>>) dst(%arg17 : memref<128x128xf32, #tpu.memory_space<vmem>>)
      tpu.yield
    }) : () -> ()
    "tpu.region"() ({
      %run_scoped3A = tpu.sem_alloc : memref<!tpu.dma_semaphore, #tpu.memory_space<semaphore_mem>>
      tpu.enqueue_dma source(%arg6 : memref<640xf32, #tpu.memory_space<hbm>>) target(%arg19 : memref<640xf32, #tpu.memory_space<vmem>>) target_semaphore(%run_scoped3A : memref<!tpu.dma_semaphore, #tpu.memory_space<semaphore_mem>>)
      tpu.wait_dma2 semaphore(%run_scoped3A : memref<!tpu.dma_semaphore, #tpu.memory_space<semaphore_mem>>) src(%arg6 : memref<640xf32, #tpu.memory_space<hbm>>) dst(%arg19 : memref<640xf32, #tpu.memory_space<vmem>>)
      tpu.yield
    }) : () -> ()
    %add3A_5 = arith.constant 0 : i32
    %add3A_6 = arith.addi %mul3A_4, %add3A_5 : i32
    "tpu.region"() ({
      %run_scoped3A = tpu.sem_alloc : memref<!tpu.dma_semaphore, #tpu.memory_space<semaphore_mem>>
      %dma_start3A_357 = arith.constant 0 : i32
      %dma_start3A_358 = tpu.memref_slice %arg21[%add3A_6, %dma_start3A_357] : memref<10240x128xf32, #tpu.memory_space<vmem_shared>> -> memref<128x128xf32, #tpu.memory_space<vmem_shared>>
      %dma_start3A_359 = arith.constant 0 : i32
      %dma_start3A_360 = tpu.memref_slice %arg21[%add3A_6, %dma_start3A_359] : memref<10240x128xf32, #tpu.memory_space<vmem_shared>> -> memref<128x128xf32, #tpu.memory_space<vmem_shared>>
      tpu.enqueue_dma source(%arg17 : memref<128x128xf32, #tpu.memory_space<vmem>>) target(%dma_start3A_360 : memref<128x128xf32, #tpu.memory_space<vmem_shared>>) target_semaphore(%run_scoped3A : memref<!tpu.dma_semaphore, #tpu.memory_space<semaphore_mem>>)
      %dma_wait3A_361 = arith.constant 0 : i32
      %dma_wait3A_362 = tpu.memref_slice %arg21[%add3A_6, %dma_wait3A_361] : memref<10240x128xf32, #tpu.memory_space<vmem_shared>> -> memref<128x128xf32, #tpu.memory_space<vmem_shared>>
      %dma_wait3A_363 = arith.constant 0 : i32
      %dma_wait3A_364 = tpu.memref_slice %arg21[%add3A_6, %dma_wait3A_363] : memref<10240x128xf32, #tpu.memory_space<vmem_shared>> -> memref<128x128xf32, #tpu.memory_space<vmem_shared>>
      tpu.wait_dma2 semaphore(%run_scoped3A : memref<!tpu.dma_semaphore, #tpu.memory_space<semaphore_mem>>) src(%arg17 : memref<128x128xf32, #tpu.memory_space<vmem>>) dst(%dma_wait3A_364 : memref<128x128xf32, #tpu.memory_space<vmem_shared>>)
      tpu.yield
    }) : () -> ()
    %add3A_7 = arith.constant 128 : i32
    %add3A_8 = arith.addi %mul3A_4, %add3A_7 : i32
    "tpu.region"() ({
      %run_scoped3A = tpu.sem_alloc : memref<!tpu.dma_semaphore, #tpu.memory_space<semaphore_mem>>
      %dma_start3A_357 = arith.constant 0 : i32
      %dma_start3A_358 = tpu.memref_slice %arg21[%add3A_8, %dma_start3A_357] : memref<10240x128xf32, #tpu.memory_space<vmem_shared>> -> memref<128x128xf32, #tpu.memory_space<vmem_shared>>
      %dma_start3A_359 = arith.constant 0 : i32
      %dma_start3A_360 = tpu.memref_slice %arg21[%add3A_8, %dma_start3A_359] : memref<10240x128xf32, #tpu.memory_space<vmem_shared>> -> memref<128x128xf32, #tpu.memory_space<vmem_shared>>
      tpu.enqueue_dma source(%arg17 : memref<128x128xf32, #tpu.memory_space<vmem>>) target(%dma_start3A_360 : memref<128x128xf32, #tpu.memory_space<vmem_shared>>) target_semaphore(%run_scoped3A : memref<!tpu.dma_semaphore, #tpu.memory_space<semaphore_mem>>)
      %dma_wait3A_361 = arith.constant 0 : i32
      %dma_wait3A_362 = tpu.memref_slice %arg21[%add3A_8, %dma_wait3A_361] : memref<10240x128xf32, #tpu.memory_space<vmem_shared>> -> memref<128x128xf32, #tpu.memory_space<vmem_shared>>
      %dma_wait3A_363 = arith.constant 0 : i32
      %dma_wait3A_364 = tpu.memref_slice %arg21[%add3A_8, %dma_wait3A_363] : memref<10240x128xf32, #tpu.memory_space<vmem_shared>> -> memref<128x128xf32, #tpu.memory_space<vmem_shared>>
      tpu.wait_dma2 semaphore(%run_scoped3A : memref<!tpu.dma_semaphore, #tpu.memory_space<semaphore_mem>>) src(%arg17 : memref<128x128xf32, #tpu.memory_space<vmem>>) dst(%dma_wait3A_364 : memref<128x128xf32, #tpu.memory_space<vmem_shared>>)
      tpu.yield
    }) : () -> ()
    %add3A_9 = arith.constant 256 : i32
    %add3A_10 = arith.addi %mul3A_4, %add3A_9 : i32
    "tpu.region"() ({
      %run_scoped3A = tpu.sem_alloc : memref<!tpu.dma_semaphore, #tpu.memory_space<semaphore_mem>>
      %dma_start3A_357 = arith.constant 0 : i32
      %dma_start3A_358 = tpu.memref_slice %arg21[%add3A_10, %dma_start3A_357] : memref<10240x128xf32, #tpu.memory_space<vmem_shared>> -> memref<128x128xf32, #tpu.memory_space<vmem_shared>>
      %dma_start3A_359 = arith.constant 0 : i32
      %dma_start3A_360 = tpu.memref_slice %arg21[%add3A_10, %dma_start3A_359] : memref<10240x128xf32, #tpu.memory_space<vmem_shared>> -> memref<128x128xf32, #tpu.memory_space<vmem_shared>>
      tpu.enqueue_dma source(%arg17 : memref<128x128xf32, #tpu.memory_space<vmem>>) target(%dma_start3A_360 : memref<128x128xf32, #tpu.memory_space<vmem_shared>>) target_semaphore(%run_scoped3A : memref<!tpu.dma_semaphore, #tpu.memory_space<semaphore_mem>>)
      %dma_wait3A_361 = arith.constant 0 : i32
      %dma_wait3A_362 = tpu.memref_slice %arg21[%add3A_10, %dma_wait3A_361] : memref<10240x128xf32, #tpu.memory_space<vmem_shared>> -> memref<128x128xf32, #tpu.memory_space<vmem_shared>>
      %dma_wait3A_363 = arith.constant 0 : i32
      %dma_wait3A_364 = tpu.memref_slice %arg21[%add3A_10, %dma_wait3A_363] : memref<10240x128xf32, #tpu.memory_space<vmem_shared>> -> memref<128x128xf32, #tpu.memory_space<vmem_shared>>
      tpu.wait_dma2 semaphore(%run_scoped3A : memref<!tpu.dma_semaphore, #tpu.memory_space<semaphore_mem>>) src(%arg17 : memref<128x128xf32, #tpu.memory_space<vmem>>) dst(%dma_wait3A_364 : memref<128x128xf32, #tpu.memory_space<vmem_shared>>)
      tpu.yield
    }) : () -> ()
    %add3A_11 = arith.constant 384 : i32
    %add3A_12 = arith.addi %mul3A_4, %add3A_11 : i32
    "tpu.region"() ({
      %run_scoped3A = tpu.sem_alloc : memref<!tpu.dma_semaphore, #tpu.memory_space<semaphore_mem>>
      %dma_start3A_357 = arith.constant 0 : i32
      %dma_start3A_358 = tpu.memref_slice %arg21[%add3A_12, %dma_start3A_357] : memref<10240x128xf32, #tpu.memory_space<vmem_shared>> -> memref<128x128xf32, #tpu.memory_space<vmem_shared>>
      %dma_start3A_359 = arith.constant 0 : i32
      %dma_start3A_360 = tpu.memref_slice %arg21[%add3A_12, %dma_start3A_359] : memref<10240x128xf32, #tpu.memory_space<vmem_shared>> -> memref<128x128xf32, #tpu.memory_space<vmem_shared>>
      tpu.enqueue_dma source(%arg17 : memref<128x128xf32, #tpu.memory_space<vmem>>) target(%dma_start3A_360 : memref<128x128xf32, #tpu.memory_space<vmem_shared>>) target_semaphore(%run_scoped3A : memref<!tpu.dma_semaphore, #tpu.memory_space<semaphore_mem>>)
      %dma_wait3A_361 = arith.constant 0 : i32
      %dma_wait3A_362 = tpu.memref_slice %arg21[%add3A_12, %dma_wait3A_361] : memref<10240x128xf32, #tpu.memory_space<vmem_shared>> -> memref<128x128xf32, #tpu.memory_space<vmem_shared>>
      %dma_wait3A_363 = arith.constant 0 : i32
      %dma_wait3A_364 = tpu.memref_slice %arg21[%add3A_12, %dma_wait3A_363] : memref<10240x128xf32, #tpu.memory_space<vmem_shared>> -> memref<128x128xf32, #tpu.memory_space<vmem_shared>>
      tpu.wait_dma2 semaphore(%run_scoped3A : memref<!tpu.dma_semaphore, #tpu.memory_space<semaphore_mem>>) src(%arg17 : memref<128x128xf32, #tpu.memory_space<vmem>>) dst(%dma_wait3A_364 : memref<128x128xf32, #tpu.memory_space<vmem_shared>>)
      tpu.yield
    }) : () -> ()
    %add3A_13 = arith.constant 512 : i32
    %add3A_14 = arith.addi %mul3A_4, %add3A_13 : i32
    "tpu.region"() ({
      %run_scoped3A = tpu.sem_alloc : memref<!tpu.dma_semaphore, #tpu.memory_space<semaphore_mem>>
      %dma_start3A_357 = arith.constant 0 : i32
      %dma_start3A_358 = tpu.memref_slice %arg21[%add3A_14, %dma_start3A_357] : memref<10240x128xf32, #tpu.memory_space<vmem_shared>> -> memref<128x128xf32, #tpu.memory_space<vmem_shared>>
      %dma_start3A_359 = arith.constant 0 : i32
      %dma_start3A_360 = tpu.memref_slice %arg21[%add3A_14, %dma_start3A_359] : memref<10240x128xf32, #tpu.memory_space<vmem_shared>> -> memref<128x128xf32, #tpu.memory_space<vmem_shared>>
      tpu.enqueue_dma source(%arg17 : memref<128x128xf32, #tpu.memory_space<vmem>>) target(%dma_start3A_360 : memref<128x128xf32, #tpu.memory_space<vmem_shared>>) target_semaphore(%run_scoped3A : memref<!tpu.dma_semaphore, #tpu.memory_space<semaphore_mem>>)
      %dma_wait3A_361 = arith.constant 0 : i32
      %dma_wait3A_362 = tpu.memref_slice %arg21[%add3A_14, %dma_wait3A_361] : memref<10240x128xf32, #tpu.memory_space<vmem_shared>> -> memref<128x128xf32, #tpu.memory_space<vmem_shared>>
      %dma_wait3A_363 = arith.constant 0 : i32
      %dma_wait3A_364 = tpu.memref_slice %arg21[%add3A_14, %dma_wait3A_363] : memref<10240x128xf32, #tpu.memory_space<vmem_shared>> -> memref<128x128xf32, #tpu.memory_space<vmem_shared>>
      tpu.wait_dma2 semaphore(%run_scoped3A : memref<!tpu.dma_semaphore, #tpu.memory_space<semaphore_mem>>) src(%arg17 : memref<128x128xf32, #tpu.memory_space<vmem>>) dst(%dma_wait3A_364 : memref<128x128xf32, #tpu.memory_space<vmem_shared>>)
      tpu.yield
    }) : () -> ()
    "tpu.region"() ({
      %run_scoped3A = tpu.sem_alloc : memref<!tpu.dma_semaphore, #tpu.memory_space<semaphore_mem>>
      %dma_start3A_357 = tpu.memref_slice %arg22[%mul3A_4] : memref<10240xf32, #tpu.memory_space<vmem_shared>> -> memref<640xf32, #tpu.memory_space<vmem_shared>>
      %dma_start3A_358 = tpu.memref_slice %arg22[%mul3A_4] : memref<10240xf32, #tpu.memory_space<vmem_shared>> -> memref<640xf32, #tpu.memory_space<vmem_shared>>
      tpu.enqueue_dma source(%arg19 : memref<640xf32, #tpu.memory_space<vmem>>) target(%dma_start3A_358 : memref<640xf32, #tpu.memory_space<vmem_shared>>) target_semaphore(%run_scoped3A : memref<!tpu.dma_semaphore, #tpu.memory_space<semaphore_mem>>)
      %dma_wait3A_359 = tpu.memref_slice %arg22[%mul3A_4] : memref<10240xf32, #tpu.memory_space<vmem_shared>> -> memref<640xf32, #tpu.memory_space<vmem_shared>>
      %dma_wait3A_360 = tpu.memref_slice %arg22[%mul3A_4] : memref<10240xf32, #tpu.memory_space<vmem_shared>> -> memref<640xf32, #tpu.memory_space<vmem_shared>>
      tpu.wait_dma2 semaphore(%run_scoped3A : memref<!tpu.dma_semaphore, #tpu.memory_space<semaphore_mem>>) src(%arg19 : memref<640xf32, #tpu.memory_space<vmem>>) dst(%dma_wait3A_360 : memref<640xf32, #tpu.memory_space<vmem_shared>>)
      tpu.yield
    }) : () -> ()
    %barrier3A = arith.constant 0 : index
    tpu.barrier barrier_id(%barrier3A)
    %add3A_15 = arith.constant 0 : i32
    %add3A_16 = arith.addi %mul3A_2, %add3A_15 : i32
    %dma_start3A = arith.constant 0 : i32
    %dma_start3A_17 = tpu.memref_slice %arg2[%dma_start3A, %add3A_16] : memref<2x327680xi32, #tpu.memory_space<hbm>> -> memref<2x128xi32, #tpu.memory_space<hbm>>
    %dma_start3A_18 = arith.constant 0 : i32
    %dma_start3A_19 = tpu.memref_slice %arg2[%dma_start3A_18, %add3A_16] : memref<2x327680xi32, #tpu.memory_space<hbm>> -> memref<2x128xi32, #tpu.memory_space<hbm>>
    tpu.enqueue_dma source(%dma_start3A_19 : memref<2x128xi32, #tpu.memory_space<hbm>>) target(%arg9 : memref<2x128xi32, #tpu.memory_space<vmem>>) target_semaphore(%arg23 : memref<!tpu.dma_semaphore, #tpu.memory_space<semaphore_mem>>)
    %dma_wait3A = arith.constant 0 : i32
    %dma_wait3A_20 = arith.constant 0 : i32
    %dma_wait3A_21 = tpu.memref_slice %arg2[%dma_wait3A, %dma_wait3A_20] : memref<2x327680xi32, #tpu.memory_space<hbm>> -> memref<2x128xi32, #tpu.memory_space<hbm>>
    %dma_wait3A_22 = arith.constant 0 : i32
    %dma_wait3A_23 = arith.constant 0 : i32
    %dma_wait3A_24 = tpu.memref_slice %arg2[%dma_wait3A_22, %dma_wait3A_23] : memref<2x327680xi32, #tpu.memory_space<hbm>> -> memref<2x128xi32, #tpu.memory_space<hbm>>
    tpu.wait_dma2 semaphore(%arg23 : memref<!tpu.dma_semaphore, #tpu.memory_space<semaphore_mem>>) src(%dma_wait3A_24 : memref<2x128xi32, #tpu.memory_space<hbm>>) dst(%arg9 : memref<2x128xi32, #tpu.memory_space<vmem>>)
    %get3A = arith.constant 0 : i32
    %get3A_25 = arith.index_cast %get3A : i32 to index
    %get3A_26 = arith.constant 0 : index
    %get3A_27 = tpu.vector_load %arg9[%get3A_25, %get3A_26] {strides = array<i32>} : memref<2x128xi32, #tpu.memory_space<vmem>>, vector<1x16xi32>,
    %get3A_28 = vector.shape_cast %get3A_27 : vector<1x16xi32> to vector<16xi32>
    %swap3A = arith.constant 0 : index
    %swap3A_29 = tpu.vector_load %arg11[%swap3A] {strides = array<i32>} : memref<128xi32, #tpu.memory_space<vmem>>, vector<16xi32>,
    %swap3A_30 = vector.shape_cast %swap3A_29 : vector<16xi32> to vector<16xi32>
    %swap3A_31 = vector.shape_cast %get3A_28 : vector<16xi32> to vector<16xi32>
    tpu.vector_store %arg11[%swap3A], %swap3A_31 {strides = array<i32>} : memref<128xi32, #tpu.memory_space<vmem>>, vector<16xi32>,
    %get3A_32 = arith.constant 1 : i32
    %get3A_33 = arith.index_cast %get3A_32 : i32 to index
    %get3A_34 = arith.constant 0 : index
    %get3A_35 = tpu.vector_load %arg9[%get3A_33, %get3A_34] {strides = array<i32>} : memref<2x128xi32, #tpu.memory_space<vmem>>, vector<1x16xi32>,
    %get3A_36 = vector.shape_cast %get3A_35 : vector<1x16xi32> to vector<16xi32>
    %swap3A_37 = arith.constant 0 : index
    %swap3A_38 = tpu.vector_load %arg12[%swap3A_37] {strides = array<i32>} : memref<128xi32, #tpu.memory_space<vmem>>, vector<16xi32>,
    %swap3A_39 = vector.shape_cast %swap3A_38 : vector<16xi32> to vector<16xi32>
    %swap3A_40 = vector.shape_cast %get3A_36 : vector<16xi32> to vector<16xi32>
    tpu.vector_store %arg12[%swap3A_37], %swap3A_40 {strides = array<i32>} : memref<128xi32, #tpu.memory_space<vmem>>, vector<16xi32>,
    %get3A_41 = arith.constant 0 : i32
    %get3A_42 = arith.index_cast %get3A_41 : i32 to index
    %get3A_43 = arith.constant 16 : index
    %get3A_44 = tpu.vector_load %arg9[%get3A_42, %get3A_43] {strides = array<i32>} : memref<2x128xi32, #tpu.memory_space<vmem>>, vector<1x16xi32>,
    %get3A_45 = vector.shape_cast %get3A_44 : vector<1x16xi32> to vector<16xi32>
    %swap3A_46 = arith.constant 16 : index
    %swap3A_47 = tpu.vector_load %arg11[%swap3A_46] {strides = array<i32>} : memref<128xi32, #tpu.memory_space<vmem>>, vector<16xi32>,
    %swap3A_48 = vector.shape_cast %swap3A_47 : vector<16xi32> to vector<16xi32>
    %swap3A_49 = vector.shape_cast %get3A_45 : vector<16xi32> to vector<16xi32>
    tpu.vector_store %arg11[%swap3A_46], %swap3A_49 {strides = array<i32>} : memref<128xi32, #tpu.memory_space<vmem>>, vector<16xi32>,
    %get3A_50 = arith.constant 1 : i32
    %get3A_51 = arith.index_cast %get3A_50 : i32 to index
    %get3A_52 = arith.constant 16 : index
    %get3A_53 = tpu.vector_load %arg9[%get3A_51, %get3A_52] {strides = array<i32>} : memref<2x128xi32, #tpu.memory_space<vmem>>, vector<1x16xi32>,
    %get3A_54 = vector.shape_cast %get3A_53 : vector<1x16xi32> to vector<16xi32>
    %swap3A_55 = arith.constant 16 : index
    %swap3A_56 = tpu.vector_load %arg12[%swap3A_55] {strides = array<i32>} : memref<128xi32, #tpu.memory_space<vmem>>, vector<16xi32>,
    %swap3A_57 = vector.shape_cast %swap3A_56 : vector<16xi32> to vector<16xi32>
    %swap3A_58 = vector.shape_cast %get3A_54 : vector<16xi32> to vector<16xi32>
    tpu.vector_store %arg12[%swap3A_55], %swap3A_58 {strides = array<i32>} : memref<128xi32, #tpu.memory_space<vmem>>, vector<16xi32>,
    %get3A_59 = arith.constant 0 : i32
    %get3A_60 = arith.index_cast %get3A_59 : i32 to index
    %get3A_61 = arith.constant 32 : index
    %get3A_62 = tpu.vector_load %arg9[%get3A_60, %get3A_61] {strides = array<i32>} : memref<2x128xi32, #tpu.memory_space<vmem>>, vector<1x16xi32>,
    %get3A_63 = vector.shape_cast %get3A_62 : vector<1x16xi32> to vector<16xi32>
    %swap3A_64 = arith.constant 32 : index
    %swap3A_65 = tpu.vector_load %arg11[%swap3A_64] {strides = array<i32>} : memref<128xi32, #tpu.memory_space<vmem>>, vector<16xi32>,
    %swap3A_66 = vector.shape_cast %swap3A_65 : vector<16xi32> to vector<16xi32>
    %swap3A_67 = vector.shape_cast %get3A_63 : vector<16xi32> to vector<16xi32>
    tpu.vector_store %arg11[%swap3A_64], %swap3A_67 {strides = array<i32>} : memref<128xi32, #tpu.memory_space<vmem>>, vector<16xi32>,
    %get3A_68 = arith.constant 1 : i32
    %get3A_69 = arith.index_cast %get3A_68 : i32 to index
    %get3A_70 = arith.constant 32 : index
    %get3A_71 = tpu.vector_load %arg9[%get3A_69, %get3A_70] {strides = array<i32>} : memref<2x128xi32, #tpu.memory_space<vmem>>, vector<1x16xi32>,
    %get3A_72 = vector.shape_cast %get3A_71 : vector<1x16xi32> to vector<16xi32>
    %swap3A_73 = arith.constant 32 : index
    %swap3A_74 = tpu.vector_load %arg12[%swap3A_73] {strides = array<i32>} : memref<128xi32, #tpu.memory_space<vmem>>, vector<16xi32>,
    %swap3A_75 = vector.shape_cast %swap3A_74 : vector<16xi32> to vector<16xi32>
    %swap3A_76 = vector.shape_cast %get3A_72 : vector<16xi32> to vector<16xi32>
    tpu.vector_store %arg12[%swap3A_73], %swap3A_76 {strides = array<i32>} : memref<128xi32, #tpu.memory_space<vmem>>, vector<16xi32>,
    %get3A_77 = arith.constant 0 : i32
    %get3A_78 = arith.index_cast %get3A_77 : i32 to index
    %get3A_79 = arith.constant 48 : index
    %get3A_80 = tpu.vector_load %arg9[%get3A_78, %get3A_79] {strides = array<i32>} : memref<2x128xi32, #tpu.memory_space<vmem>>, vector<1x16xi32>,
    %get3A_81 = vector.shape_cast %get3A_80 : vector<1x16xi32> to vector<16xi32>
    %swap3A_82 = arith.constant 48 : index
    %swap3A_83 = tpu.vector_load %arg11[%swap3A_82] {strides = array<i32>} : memref<128xi32, #tpu.memory_space<vmem>>, vector<16xi32>,
    %swap3A_84 = vector.shape_cast %swap3A_83 : vector<16xi32> to vector<16xi32>
    %swap3A_85 = vector.shape_cast %get3A_81 : vector<16xi32> to vector<16xi32>
    tpu.vector_store %arg11[%swap3A_82], %swap3A_85 {strides = array<i32>} : memref<128xi32, #tpu.memory_space<vmem>>, vector<16xi32>,
    %get3A_86 = arith.constant 1 : i32
    %get3A_87 = arith.index_cast %get3A_86 : i32 to index
    %get3A_88 = arith.constant 48 : index
    %get3A_89 = tpu.vector_load %arg9[%get3A_87, %get3A_88] {strides = array<i32>} : memref<2x128xi32, #tpu.memory_space<vmem>>, vector<1x16xi32>,
    %get3A_90 = vector.shape_cast %get3A_89 : vector<1x16xi32> to vector<16xi32>
    %swap3A_91 = arith.constant 48 : index
    %swap3A_92 = tpu.vector_load %arg12[%swap3A_91] {strides = array<i32>} : memref<128xi32, #tpu.memory_space<vmem>>, vector<16xi32>,
    %swap3A_93 = vector.shape_cast %swap3A_92 : vector<16xi32> to vector<16xi32>
    %swap3A_94 = vector.shape_cast %get3A_90 : vector<16xi32> to vector<16xi32>
    tpu.vector_store %arg12[%swap3A_91], %swap3A_94 {strides = array<i32>} : memref<128xi32, #tpu.memory_space<vmem>>, vector<16xi32>,
    %get3A_95 = arith.constant 0 : i32
    %get3A_96 = arith.index_cast %get3A_95 : i32 to index
    %get3A_97 = arith.constant 64 : index
    %get3A_98 = tpu.vector_load %arg9[%get3A_96, %get3A_97] {strides = array<i32>} : memref<2x128xi32, #tpu.memory_space<vmem>>, vector<1x16xi32>,
    %get3A_99 = vector.shape_cast %get3A_98 : vector<1x16xi32> to vector<16xi32>
    %swap3A_100 = arith.constant 64 : index
    %swap3A_101 = tpu.vector_load %arg11[%swap3A_100] {strides = array<i32>} : memref<128xi32, #tpu.memory_space<vmem>>, vector<16xi32>,
    %swap3A_102 = vector.shape_cast %swap3A_101 : vector<16xi32> to vector<16xi32>
    %swap3A_103 = vector.shape_cast %get3A_99 : vector<16xi32> to vector<16xi32>
    tpu.vector_store %arg11[%swap3A_100], %swap3A_103 {strides = array<i32>} : memref<128xi32, #tpu.memory_space<vmem>>, vector<16xi32>,
    %get3A_104 = arith.constant 1 : i32
    %get3A_105 = arith.index_cast %get3A_104 : i32 to index
    %get3A_106 = arith.constant 64 : index
    %get3A_107 = tpu.vector_load %arg9[%get3A_105, %get3A_106] {strides = array<i32>} : memref<2x128xi32, #tpu.memory_space<vmem>>, vector<1x16xi32>,
    %get3A_108 = vector.shape_cast %get3A_107 : vector<1x16xi32> to vector<16xi32>
    %swap3A_109 = arith.constant 64 : index
    %swap3A_110 = tpu.vector_load %arg12[%swap3A_109] {strides = array<i32>} : memref<128xi32, #tpu.memory_space<vmem>>, vector<16xi32>,
    %swap3A_111 = vector.shape_cast %swap3A_110 : vector<16xi32> to vector<16xi32>
    %swap3A_112 = vector.shape_cast %get3A_108 : vector<16xi32> to vector<16xi32>
    tpu.vector_store %arg12[%swap3A_109], %swap3A_112 {strides = array<i32>} : memref<128xi32, #tpu.memory_space<vmem>>, vector<16xi32>,
    %get3A_113 = arith.constant 0 : i32
    %get3A_114 = arith.index_cast %get3A_113 : i32 to index
    %get3A_115 = arith.constant 80 : index
    %get3A_116 = tpu.vector_load %arg9[%get3A_114, %get3A_115] {strides = array<i32>} : memref<2x128xi32, #tpu.memory_space<vmem>>, vector<1x16xi32>,
    %get3A_117 = vector.shape_cast %get3A_116 : vector<1x16xi32> to vector<16xi32>
    %swap3A_118 = arith.constant 80 : index
    %swap3A_119 = tpu.vector_load %arg11[%swap3A_118] {strides = array<i32>} : memref<128xi32, #tpu.memory_space<vmem>>, vector<16xi32>,
    %swap3A_120 = vector.shape_cast %swap3A_119 : vector<16xi32> to vector<16xi32>
    %swap3A_121 = vector.shape_cast %get3A_117 : vector<16xi32> to vector<16xi32>
    tpu.vector_store %arg11[%swap3A_118], %swap3A_121 {strides = array<i32>} : memref<128xi32, #tpu.memory_space<vmem>>, vector<16xi32>,
    %get3A_122 = arith.constant 1 : i32
    %get3A_123 = arith.index_cast %get3A_122 : i32 to index
    %get3A_124 = arith.constant 80 : index
    %get3A_125 = tpu.vector_load %arg9[%get3A_123, %get3A_124] {strides = array<i32>} : memref<2x128xi32, #tpu.memory_space<vmem>>, vector<1x16xi32>,
    %get3A_126 = vector.shape_cast %get3A_125 : vector<1x16xi32> to vector<16xi32>
    %swap3A_127 = arith.constant 80 : index
    %swap3A_128 = tpu.vector_load %arg12[%swap3A_127] {strides = array<i32>} : memref<128xi32, #tpu.memory_space<vmem>>, vector<16xi32>,
    %swap3A_129 = vector.shape_cast %swap3A_128 : vector<16xi32> to vector<16xi32>
    %swap3A_130 = vector.shape_cast %get3A_126 : vector<16xi32> to vector<16xi32>
    tpu.vector_store %arg12[%swap3A_127], %swap3A_130 {strides = array<i32>} : memref<128xi32, #tpu.memory_space<vmem>>, vector<16xi32>,
    %get3A_131 = arith.constant 0 : i32
    %get3A_132 = arith.index_cast %get3A_131 : i32 to index
    %get3A_133 = arith.constant 96 : index
    %get3A_134 = tpu.vector_load %arg9[%get3A_132, %get3A_133] {strides = array<i32>} : memref<2x128xi32, #tpu.memory_space<vmem>>, vector<1x16xi32>,
    %get3A_135 = vector.shape_cast %get3A_134 : vector<1x16xi32> to vector<16xi32>
    %swap3A_136 = arith.constant 96 : index
    %swap3A_137 = tpu.vector_load %arg11[%swap3A_136] {strides = array<i32>} : memref<128xi32, #tpu.memory_space<vmem>>, vector<16xi32>,
    %swap3A_138 = vector.shape_cast %swap3A_137 : vector<16xi32> to vector<16xi32>
    %swap3A_139 = vector.shape_cast %get3A_135 : vector<16xi32> to vector<16xi32>
    tpu.vector_store %arg11[%swap3A_136], %swap3A_139 {strides = array<i32>} : memref<128xi32, #tpu.memory_space<vmem>>, vector<16xi32>,
    %get3A_140 = arith.constant 1 : i32
    %get3A_141 = arith.index_cast %get3A_140 : i32 to index
    %get3A_142 = arith.constant 96 : index
    %get3A_143 = tpu.vector_load %arg9[%get3A_141, %get3A_142] {strides = array<i32>} : memref<2x128xi32, #tpu.memory_space<vmem>>, vector<1x16xi32>,
    %get3A_144 = vector.shape_cast %get3A_143 : vector<1x16xi32> to vector<16xi32>
    %swap3A_145 = arith.constant 96 : index
    %swap3A_146 = tpu.vector_load %arg12[%swap3A_145] {strides = array<i32>} : memref<128xi32, #tpu.memory_space<vmem>>, vector<16xi32>,
    %swap3A_147 = vector.shape_cast %swap3A_146 : vector<16xi32> to vector<16xi32>
    %swap3A_148 = vector.shape_cast %get3A_144 : vector<16xi32> to vector<16xi32>
    tpu.vector_store %arg12[%swap3A_145], %swap3A_148 {strides = array<i32>} : memref<128xi32, #tpu.memory_space<vmem>>, vector<16xi32>,
    %get3A_149 = arith.constant 0 : i32
    %get3A_150 = arith.index_cast %get3A_149 : i32 to index
    %get3A_151 = arith.constant 112 : index
    %get3A_152 = tpu.vector_load %arg9[%get3A_150, %get3A_151] {strides = array<i32>} : memref<2x128xi32, #tpu.memory_space<vmem>>, vector<1x16xi32>,
    %get3A_153 = vector.shape_cast %get3A_152 : vector<1x16xi32> to vector<16xi32>
    %swap3A_154 = arith.constant 112 : index
    %swap3A_155 = tpu.vector_load %arg11[%swap3A_154] {strides = array<i32>} : memref<128xi32, #tpu.memory_space<vmem>>, vector<16xi32>,
    %swap3A_156 = vector.shape_cast %swap3A_155 : vector<16xi32> to vector<16xi32>
    %swap3A_157 = vector.shape_cast %get3A_153 : vector<16xi32> to vector<16xi32>
    tpu.vector_store %arg11[%swap3A_154], %swap3A_157 {strides = array<i32>} : memref<128xi32, #tpu.memory_space<vmem>>, vector<16xi32>,
    %get3A_158 = arith.constant 1 : i32
    %get3A_159 = arith.index_cast %get3A_158 : i32 to index
    %get3A_160 = arith.constant 112 : index
    %get3A_161 = tpu.vector_load %arg9[%get3A_159, %get3A_160] {strides = array<i32>} : memref<2x128xi32, #tpu.memory_space<vmem>>, vector<1x16xi32>,
    %get3A_162 = vector.shape_cast %get3A_161 : vector<1x16xi32> to vector<16xi32>
    %swap3A_163 = arith.constant 112 : index
    %swap3A_164 = tpu.vector_load %arg12[%swap3A_163] {strides = array<i32>} : memref<128xi32, #tpu.memory_space<vmem>>, vector<16xi32>,
    %swap3A_165 = vector.shape_cast %swap3A_164 : vector<16xi32> to vector<16xi32>
    %swap3A_166 = vector.shape_cast %get3A_162 : vector<16xi32> to vector<16xi32>
    tpu.vector_store %arg12[%swap3A_163], %swap3A_166 {strides = array<i32>} : memref<128xi32, #tpu.memory_space<vmem>>, vector<16xi32>,
    %dma_start3A_167 = arith.constant 0 : i32
    %dma_start3A_168 = arith.constant 0 : i32
    %dma_start3A_169 = tpu.memref_slice %arg3[%dma_start3A_167, %dma_start3A_168] : memref<10240x128xf32, #tpu.memory_space<hbm>> -> memref<10240x128xf32, #tpu.memory_space<hbm>>
    tpu.enqueue_indirect_dma source(%dma_start3A_169 : memref<10240x128xf32, #tpu.memory_space<hbm>>) target(%arg17 : memref<128x128xf32, #tpu.memory_space<vmem>>) offsets(%arg11 : memref<128xi32, #tpu.memory_space<vmem>>) semaphore(%arg25 : memref<!tpu.dma_semaphore, #tpu.memory_space<semaphore_mem>>)
    %dma_start3A_170 = arith.constant 0 : i32
    %dma_start3A_171 = tpu.memref_slice %arg20[%dma_start3A_170] : memref<10240xf32, #tpu.memory_space<vmem_shared>> -> memref<10240xf32, #tpu.memory_space<vmem_shared>>
    tpu.enqueue_indirect_dma source(%dma_start3A_171 : memref<10240xf32, #tpu.memory_space<vmem_shared>>) target(%arg15 : memref<128xf32, #tpu.memory_space<vmem>>) offsets(%arg12 : memref<128xi32, #tpu.memory_space<vmem>>) semaphore(%arg27 : memref<!tpu.dma_semaphore, #tpu.memory_space<semaphore_mem>>)
    %add3A_172 = arith.constant 128 : i32
    %add3A_173 = arith.addi %mul3A_2, %add3A_172 : i32
    %dma_start3A_174 = arith.constant 0 : i32
    %dma_start3A_175 = tpu.memref_slice %arg2[%dma_start3A_174, %add3A_173] : memref<2x327680xi32, #tpu.memory_space<hbm>> -> memref<2x128xi32, #tpu.memory_space<hbm>>
    %dma_start3A_176 = arith.constant 0 : i32
    %dma_start3A_177 = tpu.memref_slice %arg2[%dma_start3A_176, %add3A_173] : memref<2x327680xi32, #tpu.memory_space<hbm>> -> memref<2x128xi32, #tpu.memory_space<hbm>>
    tpu.enqueue_dma source(%dma_start3A_177 : memref<2x128xi32, #tpu.memory_space<hbm>>) target(%arg10 : memref<2x128xi32, #tpu.memory_space<vmem>>) target_semaphore(%arg24 : memref<!tpu.dma_semaphore, #tpu.memory_space<semaphore_mem>>)
    %scan3A = arith.constant 0 : i32
    %scan3A_178 = arith.constant 0 : i32
    %scan3A_179 = arith.constant 39 : i32
    %scan3A_180 = arith.addi %scan3A_178, %scan3A_179 : i32
    %scan3A_181 = arith.constant 1 : i32
    scf.for %scan3A_357 = %scan3A_178 to %scan3A_180 step %scan3A_181  : i32 {
      %mul3A_358 = arith.constant 2 : i32
      %mul3A_359 = arith.muli %mul3A_358, %scan3A_357 : i32
      %dma_wait3A_360 = arith.constant 0 : i32
      %dma_wait3A_361 = arith.constant 0 : i32
      %dma_wait3A_362 = tpu.memref_slice %arg2[%dma_wait3A_360, %dma_wait3A_361] : memref<2x327680xi32, #tpu.memory_space<hbm>> -> memref<2x128xi32, #tpu.memory_space<hbm>>
      %dma_wait3A_363 = arith.constant 0 : i32
      %dma_wait3A_364 = arith.constant 0 : i32
      %dma_wait3A_365 = tpu.memref_slice %arg2[%dma_wait3A_363, %dma_wait3A_364] : memref<2x327680xi32, #tpu.memory_space<hbm>> -> memref<2x128xi32, #tpu.memory_space<hbm>>
      tpu.wait_dma2 semaphore(%arg24 : memref<!tpu.dma_semaphore, #tpu.memory_space<semaphore_mem>>) src(%dma_wait3A_365 : memref<2x128xi32, #tpu.memory_space<hbm>>) dst(%arg10 : memref<2x128xi32, #tpu.memory_space<vmem>>)
      %get3A_366 = arith.constant 0 : i32
      %get3A_367 = arith.index_cast %get3A_366 : i32 to index
      %get3A_368 = arith.constant 0 : index
      %get3A_369 = tpu.vector_load %arg10[%get3A_367, %get3A_368] {strides = array<i32>} : memref<2x128xi32, #tpu.memory_space<vmem>>, vector<1x16xi32>,
      %get3A_370 = vector.shape_cast %get3A_369 : vector<1x16xi32> to vector<16xi32>
      %swap3A_371 = arith.constant 0 : index
      %swap3A_372 = tpu.vector_load %arg13[%swap3A_371] {strides = array<i32>} : memref<128xi32, #tpu.memory_space<vmem>>, vector<16xi32>,
      %swap3A_373 = vector.shape_cast %swap3A_372 : vector<16xi32> to vector<16xi32>
      %swap3A_374 = vector.shape_cast %get3A_370 : vector<16xi32> to vector<16xi32>
      tpu.vector_store %arg13[%swap3A_371], %swap3A_374 {strides = array<i32>} : memref<128xi32, #tpu.memory_space<vmem>>, vector<16xi32>,
      %get3A_375 = arith.constant 1 : i32
      %get3A_376 = arith.index_cast %get3A_375 : i32 to index
      %get3A_377 = arith.constant 0 : index
      %get3A_378 = tpu.vector_load %arg10[%get3A_376, %get3A_377] {strides = array<i32>} : memref<2x128xi32, #tpu.memory_space<vmem>>, vector<1x16xi32>,
      %get3A_379 = vector.shape_cast %get3A_378 : vector<1x16xi32> to vector<16xi32>
      %swap3A_380 = arith.constant 0 : index
      %swap3A_381 = tpu.vector_load %arg14[%swap3A_380] {strides = array<i32>} : memref<128xi32, #tpu.memory_space<vmem>>, vector<16xi32>,
      %swap3A_382 = vector.shape_cast %swap3A_381 : vector<16xi32> to vector<16xi32>
      %swap3A_383 = vector.shape_cast %get3A_379 : vector<16xi32> to vector<16xi32>
      tpu.vector_store %arg14[%swap3A_380], %swap3A_383 {strides = array<i32>} : memref<128xi32, #tpu.memory_space<vmem>>, vector<16xi32>,
      %get3A_384 = arith.constant 0 : i32
      %get3A_385 = arith.index_cast %get3A_384 : i32 to index
      %get3A_386 = arith.constant 16 : index
      %get3A_387 = tpu.vector_load %arg10[%get3A_385, %get3A_386] {strides = array<i32>} : memref<2x128xi32, #tpu.memory_space<vmem>>, vector<1x16xi32>,
      %get3A_388 = vector.shape_cast %get3A_387 : vector<1x16xi32> to vector<16xi32>
      %swap3A_389 = arith.constant 16 : index
      %swap3A_390 = tpu.vector_load %arg13[%swap3A_389] {strides = array<i32>} : memref<128xi32, #tpu.memory_space<vmem>>, vector<16xi32>,
      %swap3A_391 = vector.shape_cast %swap3A_390 : vector<16xi32> to vector<16xi32>
      %swap3A_392 = vector.shape_cast %get3A_388 : vector<16xi32> to vector<16xi32>
      tpu.vector_store %arg13[%swap3A_389], %swap3A_392 {strides = array<i32>} : memref<128xi32, #tpu.memory_space<vmem>>, vector<16xi32>,
      %get3A_393 = arith.constant 1 : i32
      %get3A_394 = arith.index_cast %get3A_393 : i32 to index
      %get3A_395 = arith.constant 16 : index
      %get3A_396 = tpu.vector_load %arg10[%get3A_394, %get3A_395] {strides = array<i32>} : memref<2x128xi32, #tpu.memory_space<vmem>>, vector<1x16xi32>,
      %get3A_397 = vector.shape_cast %get3A_396 : vector<1x16xi32> to vector<16xi32>
      %swap3A_398 = arith.constant 16 : index
      %swap3A_399 = tpu.vector_load %arg14[%swap3A_398] {strides = array<i32>} : memref<128xi32, #tpu.memory_space<vmem>>, vector<16xi32>,
      %swap3A_400 = vector.shape_cast %swap3A_399 : vector<16xi32> to vector<16xi32>
      %swap3A_401 = vector.shape_cast %get3A_397 : vector<16xi32> to vector<16xi32>
      tpu.vector_store %arg14[%swap3A_398], %swap3A_401 {strides = array<i32>} : memref<128xi32, #tpu.memory_space<vmem>>, vector<16xi32>,
      %get3A_402 = arith.constant 0 : i32
      %get3A_403 = arith.index_cast %get3A_402 : i32 to index
      %get3A_404 = arith.constant 32 : index
      %get3A_405 = tpu.vector_load %arg10[%get3A_403, %get3A_404] {strides = array<i32>} : memref<2x128xi32, #tpu.memory_space<vmem>>, vector<1x16xi32>,
      %get3A_406 = vector.shape_cast %get3A_405 : vector<1x16xi32> to vector<16xi32>
      %swap3A_407 = arith.constant 32 : index
      %swap3A_408 = tpu.vector_load %arg13[%swap3A_407] {strides = array<i32>} : memref<128xi32, #tpu.memory_space<vmem>>, vector<16xi32>,
      %swap3A_409 = vector.shape_cast %swap3A_408 : vector<16xi32> to vector<16xi32>
      %swap3A_410 = vector.shape_cast %get3A_406 : vector<16xi32> to vector<16xi32>
      tpu.vector_store %arg13[%swap3A_407], %swap3A_410 {strides = array<i32>} : memref<128xi32, #tpu.memory_space<vmem>>, vector<16xi32>,
      %get3A_411 = arith.constant 1 : i32
      %get3A_412 = arith.index_cast %get3A_411 : i32 to index
      %get3A_413 = arith.constant 32 : index
      %get3A_414 = tpu.vector_load %arg10[%get3A_412, %get3A_413] {strides = array<i32>} : memref<2x128xi32, #tpu.memory_space<vmem>>, vector<1x16xi32>,
      %get3A_415 = vector.shape_cast %get3A_414 : vector<1x16xi32> to vector<16xi32>
      %swap3A_416 = arith.constant 32 : index
      %swap3A_417 = tpu.vector_load %arg14[%swap3A_416] {strides = array<i32>} : memref<128xi32, #tpu.memory_space<vmem>>, vector<16xi32>,
      %swap3A_418 = vector.shape_cast %swap3A_417 : vector<16xi32> to vector<16xi32>
      %swap3A_419 = vector.shape_cast %get3A_415 : vector<16xi32> to vector<16xi32>
      tpu.vector_store %arg14[%swap3A_416], %swap3A_419 {strides = array<i32>} : memref<128xi32, #tpu.memory_space<vmem>>, vector<16xi32>,
      %get3A_420 = arith.constant 0 : i32
      %get3A_421 = arith.index_cast %get3A_420 : i32 to index
      %get3A_422 = arith.constant 48 : index
      %get3A_423 = tpu.vector_load %arg10[%get3A_421, %get3A_422] {strides = array<i32>} : memref<2x128xi32, #tpu.memory_space<vmem>>, vector<1x16xi32>,
      %get3A_424 = vector.shape_cast %get3A_423 : vector<1x16xi32> to vector<16xi32>
      %swap3A_425 = arith.constant 48 : index
      %swap3A_426 = tpu.vector_load %arg13[%swap3A_425] {strides = array<i32>} : memref<128xi32, #tpu.memory_space<vmem>>, vector<16xi32>,
      %swap3A_427 = vector.shape_cast %swap3A_426 : vector<16xi32> to vector<16xi32>
      %swap3A_428 = vector.shape_cast %get3A_424 : vector<16xi32> to vector<16xi32>
      tpu.vector_store %arg13[%swap3A_425], %swap3A_428 {strides = array<i32>} : memref<128xi32, #tpu.memory_space<vmem>>, vector<16xi32>,
      %get3A_429 = arith.constant 1 : i32
      %get3A_430 = arith.index_cast %get3A_429 : i32 to index
      %get3A_431 = arith.constant 48 : index
      %get3A_432 = tpu.vector_load %arg10[%get3A_430, %get3A_431] {strides = array<i32>} : memref<2x128xi32, #tpu.memory_space<vmem>>, vector<1x16xi32>,
      %get3A_433 = vector.shape_cast %get3A_432 : vector<1x16xi32> to vector<16xi32>
      %swap3A_434 = arith.constant 48 : index
      %swap3A_435 = tpu.vector_load %arg14[%swap3A_434] {strides = array<i32>} : memref<128xi32, #tpu.memory_space<vmem>>, vector<16xi32>,
      %swap3A_436 = vector.shape_cast %swap3A_435 : vector<16xi32> to vector<16xi32>
      %swap3A_437 = vector.shape_cast %get3A_433 : vector<16xi32> to vector<16xi32>
      tpu.vector_store %arg14[%swap3A_434], %swap3A_437 {strides = array<i32>} : memref<128xi32, #tpu.memory_space<vmem>>, vector<16xi32>,
      %get3A_438 = arith.constant 0 : i32
      %get3A_439 = arith.index_cast %get3A_438 : i32 to index
      %get3A_440 = arith.constant 64 : index
      %get3A_441 = tpu.vector_load %arg10[%get3A_439, %get3A_440] {strides = array<i32>} : memref<2x128xi32, #tpu.memory_space<vmem>>, vector<1x16xi32>,
      %get3A_442 = vector.shape_cast %get3A_441 : vector<1x16xi32> to vector<16xi32>
      %swap3A_443 = arith.constant 64 : index
      %swap3A_444 = tpu.vector_load %arg13[%swap3A_443] {strides = array<i32>} : memref<128xi32, #tpu.memory_space<vmem>>, vector<16xi32>,
      %swap3A_445 = vector.shape_cast %swap3A_444 : vector<16xi32> to vector<16xi32>
      %swap3A_446 = vector.shape_cast %get3A_442 : vector<16xi32> to vector<16xi32>
      tpu.vector_store %arg13[%swap3A_443], %swap3A_446 {strides = array<i32>} : memref<128xi32, #tpu.memory_space<vmem>>, vector<16xi32>,
      %get3A_447 = arith.constant 1 : i32
      %get3A_448 = arith.index_cast %get3A_447 : i32 to index
      %get3A_449 = arith.constant 64 : index
      %get3A_450 = tpu.vector_load %arg10[%get3A_448, %get3A_449] {strides = array<i32>} : memref<2x128xi32, #tpu.memory_space<vmem>>, vector<1x16xi32>,
      %get3A_451 = vector.shape_cast %get3A_450 : vector<1x16xi32> to vector<16xi32>
      %swap3A_452 = arith.constant 64 : index
      %swap3A_453 = tpu.vector_load %arg14[%swap3A_452] {strides = array<i32>} : memref<128xi32, #tpu.memory_space<vmem>>, vector<16xi32>,
      %swap3A_454 = vector.shape_cast %swap3A_453 : vector<16xi32> to vector<16xi32>
      %swap3A_455 = vector.shape_cast %get3A_451 : vector<16xi32> to vector<16xi32>
      tpu.vector_store %arg14[%swap3A_452], %swap3A_455 {strides = array<i32>} : memref<128xi32, #tpu.memory_space<vmem>>, vector<16xi32>,
      %get3A_456 = arith.constant 0 : i32
      %get3A_457 = arith.index_cast %get3A_456 : i32 to index
      %get3A_458 = arith.constant 80 : index
      %get3A_459 = tpu.vector_load %arg10[%get3A_457, %get3A_458] {strides = array<i32>} : memref<2x128xi32, #tpu.memory_space<vmem>>, vector<1x16xi32>,
      %get3A_460 = vector.shape_cast %get3A_459 : vector<1x16xi32> to vector<16xi32>
      %swap3A_461 = arith.constant 80 : index
      %swap3A_462 = tpu.vector_load %arg13[%swap3A_461] {strides = array<i32>} : memref<128xi32, #tpu.memory_space<vmem>>, vector<16xi32>,
      %swap3A_463 = vector.shape_cast %swap3A_462 : vector<16xi32> to vector<16xi32>
      %swap3A_464 = vector.shape_cast %get3A_460 : vector<16xi32> to vector<16xi32>
      tpu.vector_store %arg13[%swap3A_461], %swap3A_464 {strides = array<i32>} : memref<128xi32, #tpu.memory_space<vmem>>, vector<16xi32>,
      %get3A_465 = arith.constant 1 : i32
      %get3A_466 = arith.index_cast %get3A_465 : i32 to index
      %get3A_467 = arith.constant 80 : index
      %get3A_468 = tpu.vector_load %arg10[%get3A_466, %get3A_467] {strides = array<i32>} : memref<2x128xi32, #tpu.memory_space<vmem>>, vector<1x16xi32>,
      %get3A_469 = vector.shape_cast %get3A_468 : vector<1x16xi32> to vector<16xi32>
      %swap3A_470 = arith.constant 80 : index
      %swap3A_471 = tpu.vector_load %arg14[%swap3A_470] {strides = array<i32>} : memref<128xi32, #tpu.memory_space<vmem>>, vector<16xi32>,
      %swap3A_472 = vector.shape_cast %swap3A_471 : vector<16xi32> to vector<16xi32>
      %swap3A_473 = vector.shape_cast %get3A_469 : vector<16xi32> to vector<16xi32>
      tpu.vector_store %arg14[%swap3A_470], %swap3A_473 {strides = array<i32>} : memref<128xi32, #tpu.memory_space<vmem>>, vector<16xi32>,
      %get3A_474 = arith.constant 0 : i32
      %get3A_475 = arith.index_cast %get3A_474 : i32 to index
      %get3A_476 = arith.constant 96 : index
      %get3A_477 = tpu.vector_load %arg10[%get3A_475, %get3A_476] {strides = array<i32>} : memref<2x128xi32, #tpu.memory_space<vmem>>, vector<1x16xi32>,
      %get3A_478 = vector.shape_cast %get3A_477 : vector<1x16xi32> to vector<16xi32>
      %swap3A_479 = arith.constant 96 : index
      %swap3A_480 = tpu.vector_load %arg13[%swap3A_479] {strides = array<i32>} : memref<128xi32, #tpu.memory_space<vmem>>, vector<16xi32>,
      %swap3A_481 = vector.shape_cast %swap3A_480 : vector<16xi32> to vector<16xi32>
      %swap3A_482 = vector.shape_cast %get3A_478 : vector<16xi32> to vector<16xi32>
      tpu.vector_store %arg13[%swap3A_479], %swap3A_482 {strides = array<i32>} : memref<128xi32, #tpu.memory_space<vmem>>, vector<16xi32>,
      %get3A_483 = arith.constant 1 : i32
      %get3A_484 = arith.index_cast %get3A_483 : i32 to index
      %get3A_485 = arith.constant 96 : index
      %get3A_486 = tpu.vector_load %arg10[%get3A_484, %get3A_485] {strides = array<i32>} : memref<2x128xi32, #tpu.memory_space<vmem>>, vector<1x16xi32>,
      %get3A_487 = vector.shape_cast %get3A_486 : vector<1x16xi32> to vector<16xi32>
      %swap3A_488 = arith.constant 96 : index
      %swap3A_489 = tpu.vector_load %arg14[%swap3A_488] {strides = array<i32>} : memref<128xi32, #tpu.memory_space<vmem>>, vector<16xi32>,
      %swap3A_490 = vector.shape_cast %swap3A_489 : vector<16xi32> to vector<16xi32>
      %swap3A_491 = vector.shape_cast %get3A_487 : vector<16xi32> to vector<16xi32>
      tpu.vector_store %arg14[%swap3A_488], %swap3A_491 {strides = array<i32>} : memref<128xi32, #tpu.memory_space<vmem>>, vector<16xi32>,
      %get3A_492 = arith.constant 0 : i32
      %get3A_493 = arith.index_cast %get3A_492 : i32 to index
      %get3A_494 = arith.constant 112 : index
      %get3A_495 = tpu.vector_load %arg10[%get3A_493, %get3A_494] {strides = array<i32>} : memref<2x128xi32, #tpu.memory_space<vmem>>, vector<1x16xi32>,
      %get3A_496 = vector.shape_cast %get3A_495 : vector<1x16xi32> to vector<16xi32>
      %swap3A_497 = arith.constant 112 : index
      %swap3A_498 = tpu.vector_load %arg13[%swap3A_497] {strides = array<i32>} : memref<128xi32, #tpu.memory_space<vmem>>, vector<16xi32>,
      %swap3A_499 = vector.shape_cast %swap3A_498 : vector<16xi32> to vector<16xi32>
      %swap3A_500 = vector.shape_cast %get3A_496 : vector<16xi32> to vector<16xi32>
      tpu.vector_store %arg13[%swap3A_497], %swap3A_500 {strides = array<i32>} : memref<128xi32, #tpu.memory_space<vmem>>, vector<16xi32>,
      %get3A_501 = arith.constant 1 : i32
      %get3A_502 = arith.index_cast %get3A_501 : i32 to index
      %get3A_503 = arith.constant 112 : index
      %get3A_504 = tpu.vector_load %arg10[%get3A_502, %get3A_503] {strides = array<i32>} : memref<2x128xi32, #tpu.memory_space<vmem>>, vector<1x16xi32>,
      %get3A_505 = vector.shape_cast %get3A_504 : vector<1x16xi32> to vector<16xi32>
      %swap3A_506 = arith.constant 112 : index
      %swap3A_507 = tpu.vector_load %arg14[%swap3A_506] {strides = array<i32>} : memref<128xi32, #tpu.memory_space<vmem>>, vector<16xi32>,
      %swap3A_508 = vector.shape_cast %swap3A_507 : vector<16xi32> to vector<16xi32>
      %swap3A_509 = vector.shape_cast %get3A_505 : vector<16xi32> to vector<16xi32>
      tpu.vector_store %arg14[%swap3A_506], %swap3A_509 {strides = array<i32>} : memref<128xi32, #tpu.memory_space<vmem>>, vector<16xi32>,
      %dma_start3A_510 = arith.constant 0 : i32
      %dma_start3A_511 = arith.constant 0 : i32
      %dma_start3A_512 = tpu.memref_slice %arg3[%dma_start3A_510, %dma_start3A_511] : memref<10240x128xf32, #tpu.memory_space<hbm>> -> memref<10240x128xf32, #tpu.memory_space<hbm>>
      tpu.enqueue_indirect_dma source(%dma_start3A_512 : memref<10240x128xf32, #tpu.memory_space<hbm>>) target(%arg18 : memref<128x128xf32, #tpu.memory_space<vmem>>) offsets(%arg13 : memref<128xi32, #tpu.memory_space<vmem>>) semaphore(%arg26 : memref<!tpu.dma_semaphore, #tpu.memory_space<semaphore_mem>>)
      %dma_start3A_513 = arith.constant 0 : i32
      %dma_start3A_514 = tpu.memref_slice %arg20[%dma_start3A_513] : memref<10240xf32, #tpu.memory_space<vmem_shared>> -> memref<10240xf32, #tpu.memory_space<vmem_shared>>
      tpu.enqueue_indirect_dma source(%dma_start3A_514 : memref<10240xf32, #tpu.memory_space<vmem_shared>>) target(%arg16 : memref<128xf32, #tpu.memory_space<vmem>>) offsets(%arg14 : memref<128xi32, #tpu.memory_space<vmem>>) semaphore(%arg28 : memref<!tpu.dma_semaphore, #tpu.memory_space<semaphore_mem>>)
      %dma_wait3A_515 = arith.constant 0 : i32
      %dma_wait3A_516 = tpu.memref_slice %arg20[%dma_wait3A_515] : memref<10240xf32, #tpu.memory_space<vmem_shared>> -> memref<10240xf32, #tpu.memory_space<vmem_shared>>
      tpu.wait_indirect_dma semaphore(%arg27 : memref<!tpu.dma_semaphore, #tpu.memory_space<semaphore_mem>>) src(%dma_wait3A_516 : memref<10240xf32, #tpu.memory_space<vmem_shared>>) dst(%arg15 : memref<128xf32, #tpu.memory_space<vmem>>)
      %dma_start3A_517 = arith.constant 0 : i32
      %dma_start3A_518 = tpu.memref_slice %arg22[%dma_start3A_517] : memref<10240xf32, #tpu.memory_space<vmem_shared>> -> memref<10240xf32, #tpu.memory_space<vmem_shared>>
      tpu.enqueue_indirect_dma source(%arg15 : memref<128xf32, #tpu.memory_space<vmem>>) target(%dma_start3A_518 : memref<10240xf32, #tpu.memory_space<vmem_shared>>) offsets(%arg11 : memref<128xi32, #tpu.memory_space<vmem>>) semaphore(%arg29 : memref<!tpu.dma_semaphore, #tpu.memory_space<semaphore_mem>>) {add = true}
      %dma_wait3A_519 = arith.constant 0 : i32
      %dma_wait3A_520 = arith.constant 0 : i32
      %dma_wait3A_521 = tpu.memref_slice %arg3[%dma_wait3A_519, %dma_wait3A_520] : memref<10240x128xf32, #tpu.memory_space<hbm>> -> memref<10240x128xf32, #tpu.memory_space<hbm>>
      tpu.wait_indirect_dma semaphore(%arg25 : memref<!tpu.dma_semaphore, #tpu.memory_space<semaphore_mem>>) src(%dma_wait3A_521 : memref<10240x128xf32, #tpu.memory_space<hbm>>) dst(%arg17 : memref<128x128xf32, #tpu.memory_space<vmem>>)
      "tpu.region"() ({
        %run_scoped3A = tpu.sem_alloc : memref<!tpu.dma_semaphore, #tpu.memory_space<semaphore_mem>>
        %dma_start3A_701 = arith.constant 0 : i32
        %dma_start3A_702 = arith.constant 0 : i32
        %dma_start3A_703 = tpu.memref_slice %arg21[%dma_start3A_701, %dma_start3A_702] : memref<10240x128xf32, #tpu.memory_space<vmem_shared>> -> memref<10240x128xf32, #tpu.memory_space<vmem_shared>>
        tpu.enqueue_indirect_dma source(%arg17 : memref<128x128xf32, #tpu.memory_space<vmem>>) target(%dma_start3A_703 : memref<10240x128xf32, #tpu.memory_space<vmem_shared>>) offsets(%arg12 : memref<128xi32, #tpu.memory_space<vmem>>) semaphore(%run_scoped3A : memref<!tpu.dma_semaphore, #tpu.memory_space<semaphore_mem>>) {add = true}
        %dma_wait3A_704 = arith.constant 0 : i32
        %dma_wait3A_705 = arith.constant 0 : i32
        %dma_wait3A_706 = tpu.memref_slice %arg21[%dma_wait3A_704, %dma_wait3A_705] : memref<10240x128xf32, #tpu.memory_space<vmem_shared>> -> memref<10240x128xf32, #tpu.memory_space<vmem_shared>>
        tpu.wait_indirect_dma semaphore(%run_scoped3A : memref<!tpu.dma_semaphore, #tpu.memory_space<semaphore_mem>>) src(%arg17 : memref<128x128xf32, #tpu.memory_space<vmem>>) dst(%dma_wait3A_706 : memref<10240x128xf32, #tpu.memory_space<vmem_shared>>)
        tpu.yield
      }) : () -> ()
      %dma_wait3A_522 = arith.constant 0 : i32
      %dma_wait3A_523 = tpu.memref_slice %arg22[%dma_wait3A_522] : memref<10240xf32, #tpu.memory_space<vmem_shared>> -> memref<10240xf32, #tpu.memory_space<vmem_shared>>
      tpu.wait_indirect_dma semaphore(%arg29 : memref<!tpu.dma_semaphore, #tpu.memory_space<semaphore_mem>>) src(%arg15 : memref<128xf32, #tpu.memory_space<vmem>>) dst(%dma_wait3A_523 : memref<10240xf32, #tpu.memory_space<vmem_shared>>)
      %add3A_524 = arith.constant 2 : i32
      %add3A_525 = arith.addi %mul3A_359, %add3A_524 : i32
      %lt3A = arith.constant 80 : i32
      %lt3A_526 = arith.cmpi slt, %add3A_525, %lt3A : i32
      %convert_element_type3A = arith.extui %lt3A_526 : i1 to i32
      %cond3A = arith.constant 0 : i32
      %cond3A_527 = arith.cmpi ne, %convert_element_type3A, %cond3A : i32
      scf.if %cond3A_527 {
        %add3A_701 = arith.constant 2 : i32
        %add3A_702 = arith.addi %mul3A_359, %add3A_701 : i32
        %mul3A_703 = arith.constant 128 : i32
        %mul3A_704 = arith.muli %add3A_702, %mul3A_703 : i32
        %add3A_705 = arith.addi %mul3A_2, %mul3A_704 : i32
        %dma_start3A_706 = arith.constant 0 : i32
        %dma_start3A_707 = tpu.memref_slice %arg2[%dma_start3A_706, %add3A_705] : memref<2x327680xi32, #tpu.memory_space<hbm>> -> memref<2x128xi32, #tpu.memory_space<hbm>>
        %dma_start3A_708 = arith.constant 0 : i32
        %dma_start3A_709 = tpu.memref_slice %arg2[%dma_start3A_708, %add3A_705] : memref<2x327680xi32, #tpu.memory_space<hbm>> -> memref<2x128xi32, #tpu.memory_space<hbm>>
        tpu.enqueue_dma source(%dma_start3A_709 : memref<2x128xi32, #tpu.memory_space<hbm>>) target(%arg9 : memref<2x128xi32, #tpu.memory_space<vmem>>) target_semaphore(%arg23 : memref<!tpu.dma_semaphore, #tpu.memory_space<semaphore_mem>>)
      } else {
      }
      %add3A_528 = arith.constant 1 : i32
      %add3A_529 = arith.addi %mul3A_359, %add3A_528 : i32
      %dma_wait3A_530 = arith.constant 0 : i32
      %dma_wait3A_531 = arith.constant 0 : i32
      %dma_wait3A_532 = tpu.memref_slice %arg2[%dma_wait3A_530, %dma_wait3A_531] : memref<2x327680xi32, #tpu.memory_space<hbm>> -> memref<2x128xi32, #tpu.memory_space<hbm>>
      %dma_wait3A_533 = arith.constant 0 : i32
      %dma_wait3A_534 = arith.constant 0 : i32
      %dma_wait3A_535 = tpu.memref_slice %arg2[%dma_wait3A_533, %dma_wait3A_534] : memref<2x327680xi32, #tpu.memory_space<hbm>> -> memref<2x128xi32, #tpu.memory_space<hbm>>
      tpu.wait_dma2 semaphore(%arg23 : memref<!tpu.dma_semaphore, #tpu.memory_space<semaphore_mem>>) src(%dma_wait3A_535 : memref<2x128xi32, #tpu.memory_space<hbm>>) dst(%arg9 : memref<2x128xi32, #tpu.memory_space<vmem>>)
      %get3A_536 = arith.constant 0 : i32
      %get3A_537 = arith.index_cast %get3A_536 : i32 to index
      %get3A_538 = arith.constant 0 : index
      %get3A_539 = tpu.vector_load %arg9[%get3A_537, %get3A_538] {strides = array<i32>} : memref<2x128xi32, #tpu.memory_space<vmem>>, vector<1x16xi32>,
      %get3A_540 = vector.shape_cast %get3A_539 : vector<1x16xi32> to vector<16xi32>
      %swap3A_541 = arith.constant 0 : index
      %swap3A_542 = tpu.vector_load %arg11[%swap3A_541] {strides = array<i32>} : memref<128xi32, #tpu.memory_space<vmem>>, vector<16xi32>,
      %swap3A_543 = vector.shape_cast %swap3A_542 : vector<16xi32> to vector<16xi32>
      %swap3A_544 = vector.shape_cast %get3A_540 : vector<16xi32> to vector<16xi32>
      tpu.vector_store %arg11[%swap3A_541], %swap3A_544 {strides = array<i32>} : memref<128xi32, #tpu.memory_space<vmem>>, vector<16xi32>,
      %get3A_545 = arith.constant 1 : i32
      %get3A_546 = arith.index_cast %get3A_545 : i32 to index
      %get3A_547 = arith.constant 0 : index
      %get3A_548 = tpu.vector_load %arg9[%get3A_546, %get3A_547] {strides = array<i32>} : memref<2x128xi32, #tpu.memory_space<vmem>>, vector<1x16xi32>,
      %get3A_549 = vector.shape_cast %get3A_548 : vector<1x16xi32> to vector<16xi32>
      %swap3A_550 = arith.constant 0 : index
      %swap3A_551 = tpu.vector_load %arg12[%swap3A_550] {strides = array<i32>} : memref<128xi32, #tpu.memory_space<vmem>>, vector<16xi32>,
      %swap3A_552 = vector.shape_cast %swap3A_551 : vector<16xi32> to vector<16xi32>
      %swap3A_553 = vector.shape_cast %get3A_549 : vector<16xi32> to vector<16xi32>
      tpu.vector_store %arg12[%swap3A_550], %swap3A_553 {strides = array<i32>} : memref<128xi32, #tpu.memory_space<vmem>>, vector<16xi32>,
      %get3A_554 = arith.constant 0 : i32
      %get3A_555 = arith.index_cast %get3A_554 : i32 to index
      %get3A_556 = arith.constant 16 : index
      %get3A_557 = tpu.vector_load %arg9[%get3A_555, %get3A_556] {strides = array<i32>} : memref<2x128xi32, #tpu.memory_space<vmem>>, vector<1x16xi32>,
      %get3A_558 = vector.shape_cast %get3A_557 : vector<1x16xi32> to vector<16xi32>
      %swap3A_559 = arith.constant 16 : index
      %swap3A_560 = tpu.vector_load %arg11[%swap3A_559] {strides = array<i32>} : memref<128xi32, #tpu.memory_space<vmem>>, vector<16xi32>,
      %swap3A_561 = vector.shape_cast %swap3A_560 : vector<16xi32> to vector<16xi32>
      %swap3A_562 = vector.shape_cast %get3A_558 : vector<16xi32> to vector<16xi32>
      tpu.vector_store %arg11[%swap3A_559], %swap3A_562 {strides = array<i32>} : memref<128xi32, #tpu.memory_space<vmem>>, vector<16xi32>,
      %get3A_563 = arith.constant 1 : i32
      %get3A_564 = arith.index_cast %get3A_563 : i32 to index
      %get3A_565 = arith.constant 16 : index
      %get3A_566 = tpu.vector_load %arg9[%get3A_564, %get3A_565] {strides = array<i32>} : memref<2x128xi32, #tpu.memory_space<vmem>>, vector<1x16xi32>,
      %get3A_567 = vector.shape_cast %get3A_566 : vector<1x16xi32> to vector<16xi32>
      %swap3A_568 = arith.constant 16 : index
      %swap3A_569 = tpu.vector_load %arg12[%swap3A_568] {strides = array<i32>} : memref<128xi32, #tpu.memory_space<vmem>>, vector<16xi32>,
      %swap3A_570 = vector.shape_cast %swap3A_569 : vector<16xi32> to vector<16xi32>
      %swap3A_571 = vector.shape_cast %get3A_567 : vector<16xi32> to vector<16xi32>
      tpu.vector_store %arg12[%swap3A_568], %swap3A_571 {strides = array<i32>} : memref<128xi32, #tpu.memory_space<vmem>>, vector<16xi32>,
      %get3A_572 = arith.constant 0 : i32
      %get3A_573 = arith.index_cast %get3A_572 : i32 to index
      %get3A_574 = arith.constant 32 : index
      %get3A_575 = tpu.vector_load %arg9[%get3A_573, %get3A_574] {strides = array<i32>} : memref<2x128xi32, #tpu.memory_space<vmem>>, vector<1x16xi32>,
      %get3A_576 = vector.shape_cast %get3A_575 : vector<1x16xi32> to vector<16xi32>
      %swap3A_577 = arith.constant 32 : index
      %swap3A_578 = tpu.vector_load %arg11[%swap3A_577] {strides = array<i32>} : memref<128xi32, #tpu.memory_space<vmem>>, vector<16xi32>,
      %swap3A_579 = vector.shape_cast %swap3A_578 : vector<16xi32> to vector<16xi32>
      %swap3A_580 = vector.shape_cast %get3A_576 : vector<16xi32> to vector<16xi32>
      tpu.vector_store %arg11[%swap3A_577], %swap3A_580 {strides = array<i32>} : memref<128xi32, #tpu.memory_space<vmem>>, vector<16xi32>,
      %get3A_581 = arith.constant 1 : i32
      %get3A_582 = arith.index_cast %get3A_581 : i32 to index
      %get3A_583 = arith.constant 32 : index
      %get3A_584 = tpu.vector_load %arg9[%get3A_582, %get3A_583] {strides = array<i32>} : memref<2x128xi32, #tpu.memory_space<vmem>>, vector<1x16xi32>,
      %get3A_585 = vector.shape_cast %get3A_584 : vector<1x16xi32> to vector<16xi32>
      %swap3A_586 = arith.constant 32 : index
      %swap3A_587 = tpu.vector_load %arg12[%swap3A_586] {strides = array<i32>} : memref<128xi32, #tpu.memory_space<vmem>>, vector<16xi32>,
      %swap3A_588 = vector.shape_cast %swap3A_587 : vector<16xi32> to vector<16xi32>
      %swap3A_589 = vector.shape_cast %get3A_585 : vector<16xi32> to vector<16xi32>
      tpu.vector_store %arg12[%swap3A_586], %swap3A_589 {strides = array<i32>} : memref<128xi32, #tpu.memory_space<vmem>>, vector<16xi32>,
      %get3A_590 = arith.constant 0 : i32
      %get3A_591 = arith.index_cast %get3A_590 : i32 to index
      %get3A_592 = arith.constant 48 : index
      %get3A_593 = tpu.vector_load %arg9[%get3A_591, %get3A_592] {strides = array<i32>} : memref<2x128xi32, #tpu.memory_space<vmem>>, vector<1x16xi32>,
      %get3A_594 = vector.shape_cast %get3A_593 : vector<1x16xi32> to vector<16xi32>
      %swap3A_595 = arith.constant 48 : index
      %swap3A_596 = tpu.vector_load %arg11[%swap3A_595] {strides = array<i32>} : memref<128xi32, #tpu.memory_space<vmem>>, vector<16xi32>,
      %swap3A_597 = vector.shape_cast %swap3A_596 : vector<16xi32> to vector<16xi32>
      %swap3A_598 = vector.shape_cast %get3A_594 : vector<16xi32> to vector<16xi32>
      tpu.vector_store %arg11[%swap3A_595], %swap3A_598 {strides = array<i32>} : memref<128xi32, #tpu.memory_space<vmem>>, vector<16xi32>,
      %get3A_599 = arith.constant 1 : i32
      %get3A_600 = arith.index_cast %get3A_599 : i32 to index
      %get3A_601 = arith.constant 48 : index
      %get3A_602 = tpu.vector_load %arg9[%get3A_600, %get3A_601] {strides = array<i32>} : memref<2x128xi32, #tpu.memory_space<vmem>>, vector<1x16xi32>,
      %get3A_603 = vector.shape_cast %get3A_602 : vector<1x16xi32> to vector<16xi32>
      %swap3A_604 = arith.constant 48 : index
      %swap3A_605 = tpu.vector_load %arg12[%swap3A_604] {strides = array<i32>} : memref<128xi32, #tpu.memory_space<vmem>>, vector<16xi32>,
      %swap3A_606 = vector.shape_cast %swap3A_605 : vector<16xi32> to vector<16xi32>
      %swap3A_607 = vector.shape_cast %get3A_603 : vector<16xi32> to vector<16xi32>
      tpu.vector_store %arg12[%swap3A_604], %swap3A_607 {strides = array<i32>} : memref<128xi32, #tpu.memory_space<vmem>>, vector<16xi32>,
      %get3A_608 = arith.constant 0 : i32
      %get3A_609 = arith.index_cast %get3A_608 : i32 to index
      %get3A_610 = arith.constant 64 : index
      %get3A_611 = tpu.vector_load %arg9[%get3A_609, %get3A_610] {strides = array<i32>} : memref<2x128xi32, #tpu.memory_space<vmem>>, vector<1x16xi32>,
      %get3A_612 = vector.shape_cast %get3A_611 : vector<1x16xi32> to vector<16xi32>
      %swap3A_613 = arith.constant 64 : index
      %swap3A_614 = tpu.vector_load %arg11[%swap3A_613] {strides = array<i32>} : memref<128xi32, #tpu.memory_space<vmem>>, vector<16xi32>,
      %swap3A_615 = vector.shape_cast %swap3A_614 : vector<16xi32> to vector<16xi32>
      %swap3A_616 = vector.shape_cast %get3A_612 : vector<16xi32> to vector<16xi32>
      tpu.vector_store %arg11[%swap3A_613], %swap3A_616 {strides = array<i32>} : memref<128xi32, #tpu.memory_space<vmem>>, vector<16xi32>,
      %get3A_617 = arith.constant 1 : i32
      %get3A_618 = arith.index_cast %get3A_617 : i32 to index
      %get3A_619 = arith.constant 64 : index
      %get3A_620 = tpu.vector_load %arg9[%get3A_618, %get3A_619] {strides = array<i32>} : memref<2x128xi32, #tpu.memory_space<vmem>>, vector<1x16xi32>,
      %get3A_621 = vector.shape_cast %get3A_620 : vector<1x16xi32> to vector<16xi32>
      %swap3A_622 = arith.constant 64 : index
      %swap3A_623 = tpu.vector_load %arg12[%swap3A_622] {strides = array<i32>} : memref<128xi32, #tpu.memory_space<vmem>>, vector<16xi32>,
      %swap3A_624 = vector.shape_cast %swap3A_623 : vector<16xi32> to vector<16xi32>
      %swap3A_625 = vector.shape_cast %get3A_621 : vector<16xi32> to vector<16xi32>
      tpu.vector_store %arg12[%swap3A_622], %swap3A_625 {strides = array<i32>} : memref<128xi32, #tpu.memory_space<vmem>>, vector<16xi32>,
      %get3A_626 = arith.constant 0 : i32
      %get3A_627 = arith.index_cast %get3A_626 : i32 to index
      %get3A_628 = arith.constant 80 : index
      %get3A_629 = tpu.vector_load %arg9[%get3A_627, %get3A_628] {strides = array<i32>} : memref<2x128xi32, #tpu.memory_space<vmem>>, vector<1x16xi32>,
      %get3A_630 = vector.shape_cast %get3A_629 : vector<1x16xi32> to vector<16xi32>
      %swap3A_631 = arith.constant 80 : index
      %swap3A_632 = tpu.vector_load %arg11[%swap3A_631] {strides = array<i32>} : memref<128xi32, #tpu.memory_space<vmem>>, vector<16xi32>,
      %swap3A_633 = vector.shape_cast %swap3A_632 : vector<16xi32> to vector<16xi32>
      %swap3A_634 = vector.shape_cast %get3A_630 : vector<16xi32> to vector<16xi32>
      tpu.vector_store %arg11[%swap3A_631], %swap3A_634 {strides = array<i32>} : memref<128xi32, #tpu.memory_space<vmem>>, vector<16xi32>,
      %get3A_635 = arith.constant 1 : i32
      %get3A_636 = arith.index_cast %get3A_635 : i32 to index
      %get3A_637 = arith.constant 80 : index
      %get3A_638 = tpu.vector_load %arg9[%get3A_636, %get3A_637] {strides = array<i32>} : memref<2x128xi32, #tpu.memory_space<vmem>>, vector<1x16xi32>,
      %get3A_639 = vector.shape_cast %get3A_638 : vector<1x16xi32> to vector<16xi32>
      %swap3A_640 = arith.constant 80 : index
      %swap3A_641 = tpu.vector_load %arg12[%swap3A_640] {strides = array<i32>} : memref<128xi32, #tpu.memory_space<vmem>>, vector<16xi32>,
      %swap3A_642 = vector.shape_cast %swap3A_641 : vector<16xi32> to vector<16xi32>
      %swap3A_643 = vector.shape_cast %get3A_639 : vector<16xi32> to vector<16xi32>
      tpu.vector_store %arg12[%swap3A_640], %swap3A_643 {strides = array<i32>} : memref<128xi32, #tpu.memory_space<vmem>>, vector<16xi32>,
      %get3A_644 = arith.constant 0 : i32
      %get3A_645 = arith.index_cast %get3A_644 : i32 to index
      %get3A_646 = arith.constant 96 : index
      %get3A_647 = tpu.vector_load %arg9[%get3A_645, %get3A_646] {strides = array<i32>} : memref<2x128xi32, #tpu.memory_space<vmem>>, vector<1x16xi32>,
      %get3A_648 = vector.shape_cast %get3A_647 : vector<1x16xi32> to vector<16xi32>
      %swap3A_649 = arith.constant 96 : index
      %swap3A_650 = tpu.vector_load %arg11[%swap3A_649] {strides = array<i32>} : memref<128xi32, #tpu.memory_space<vmem>>, vector<16xi32>,
      %swap3A_651 = vector.shape_cast %swap3A_650 : vector<16xi32> to vector<16xi32>
      %swap3A_652 = vector.shape_cast %get3A_648 : vector<16xi32> to vector<16xi32>
      tpu.vector_store %arg11[%swap3A_649], %swap3A_652 {strides = array<i32>} : memref<128xi32, #tpu.memory_space<vmem>>, vector<16xi32>,
      %get3A_653 = arith.constant 1 : i32
      %get3A_654 = arith.index_cast %get3A_653 : i32 to index
      %get3A_655 = arith.constant 96 : index
      %get3A_656 = tpu.vector_load %arg9[%get3A_654, %get3A_655] {strides = array<i32>} : memref<2x128xi32, #tpu.memory_space<vmem>>, vector<1x16xi32>,
      %get3A_657 = vector.shape_cast %get3A_656 : vector<1x16xi32> to vector<16xi32>
      %swap3A_658 = arith.constant 96 : index
      %swap3A_659 = tpu.vector_load %arg12[%swap3A_658] {strides = array<i32>} : memref<128xi32, #tpu.memory_space<vmem>>, vector<16xi32>,
      %swap3A_660 = vector.shape_cast %swap3A_659 : vector<16xi32> to vector<16xi32>
      %swap3A_661 = vector.shape_cast %get3A_657 : vector<16xi32> to vector<16xi32>
      tpu.vector_store %arg12[%swap3A_658], %swap3A_661 {strides = array<i32>} : memref<128xi32, #tpu.memory_space<vmem>>, vector<16xi32>,
      %get3A_662 = arith.constant 0 : i32
      %get3A_663 = arith.index_cast %get3A_662 : i32 to index
      %get3A_664 = arith.constant 112 : index
      %get3A_665 = tpu.vector_load %arg9[%get3A_663, %get3A_664] {strides = array<i32>} : memref<2x128xi32, #tpu.memory_space<vmem>>, vector<1x16xi32>,
      %get3A_666 = vector.shape_cast %get3A_665 : vector<1x16xi32> to vector<16xi32>
      %swap3A_667 = arith.constant 112 : index
      %swap3A_668 = tpu.vector_load %arg11[%swap3A_667] {strides = array<i32>} : memref<128xi32, #tpu.memory_space<vmem>>, vector<16xi32>,
      %swap3A_669 = vector.shape_cast %swap3A_668 : vector<16xi32> to vector<16xi32>
      %swap3A_670 = vector.shape_cast %get3A_666 : vector<16xi32> to vector<16xi32>
      tpu.vector_store %arg11[%swap3A_667], %swap3A_670 {strides = array<i32>} : memref<128xi32, #tpu.memory_space<vmem>>, vector<16xi32>,
      %get3A_671 = arith.constant 1 : i32
      %get3A_672 = arith.index_cast %get3A_671 : i32 to index
      %get3A_673 = arith.constant 112 : index
      %get3A_674 = tpu.vector_load %arg9[%get3A_672, %get3A_673] {strides = array<i32>} : memref<2x128xi32, #tpu.memory_space<vmem>>, vector<1x16xi32>,
      %get3A_675 = vector.shape_cast %get3A_674 : vector<1x16xi32> to vector<16xi32>
      %swap3A_676 = arith.constant 112 : index
      %swap3A_677 = tpu.vector_load %arg12[%swap3A_676] {strides = array<i32>} : memref<128xi32, #tpu.memory_space<vmem>>, vector<16xi32>,
      %swap3A_678 = vector.shape_cast %swap3A_677 : vector<16xi32> to vector<16xi32>
      %swap3A_679 = vector.shape_cast %get3A_675 : vector<16xi32> to vector<16xi32>
      tpu.vector_store %arg12[%swap3A_676], %swap3A_679 {strides = array<i32>} : memref<128xi32, #tpu.memory_space<vmem>>, vector<16xi32>,
      %dma_start3A_680 = arith.constant 0 : i32
      %dma_start3A_681 = arith.constant 0 : i32
      %dma_start3A_682 = tpu.memref_slice %arg3[%dma_start3A_680, %dma_start3A_681] : memref<10240x128xf32, #tpu.memory_space<hbm>> -> memref<10240x128xf32, #tpu.memory_space<hbm>>
      tpu.enqueue_indirect_dma source(%dma_start3A_682 : memref<10240x128xf32, #tpu.memory_space<hbm>>) target(%arg17 : memref<128x128xf32, #tpu.memory_space<vmem>>) offsets(%arg11 : memref<128xi32, #tpu.memory_space<vmem>>) semaphore(%arg25 : memref<!tpu.dma_semaphore, #tpu.memory_space<semaphore_mem>>)
      %dma_start3A_683 = arith.constant 0 : i32
      %dma_start3A_684 = tpu.memref_slice %arg20[%dma_start3A_683] : memref<10240xf32, #tpu.memory_space<vmem_shared>> -> memref<10240xf32, #tpu.memory_space<vmem_shared>>
      tpu.enqueue_indirect_dma source(%dma_start3A_684 : memref<10240xf32, #tpu.memory_space<vmem_shared>>) target(%arg15 : memref<128xf32, #tpu.memory_space<vmem>>) offsets(%arg12 : memref<128xi32, #tpu.memory_space<vmem>>) semaphore(%arg27 : memref<!tpu.dma_semaphore, #tpu.memory_space<semaphore_mem>>)
      %dma_wait3A_685 = arith.constant 0 : i32
      %dma_wait3A_686 = tpu.memref_slice %arg20[%dma_wait3A_685] : memref<10240xf32, #tpu.memory_space<vmem_shared>> -> memref<10240xf32, #tpu.memory_space<vmem_shared>>
      tpu.wait_indirect_dma semaphore(%arg28 : memref<!tpu.dma_semaphore, #tpu.memory_space<semaphore_mem>>) src(%dma_wait3A_686 : memref<10240xf32, #tpu.memory_space<vmem_shared>>) dst(%arg16 : memref<128xf32, #tpu.memory_space<vmem>>)
      %dma_start3A_687 = arith.constant 0 : i32
      %dma_start3A_688 = tpu.memref_slice %arg22[%dma_start3A_687] : memref<10240xf32, #tpu.memory_space<vmem_shared>> -> memref<10240xf32, #tpu.memory_space<vmem_shared>>
      tpu.enqueue_indirect_dma source(%arg16 : memref<128xf32, #tpu.memory_space<vmem>>) target(%dma_start3A_688 : memref<10240xf32, #tpu.memory_space<vmem_shared>>) offsets(%arg13 : memref<128xi32, #tpu.memory_space<vmem>>) semaphore(%arg30 : memref<!tpu.dma_semaphore, #tpu.memory_space<semaphore_mem>>) {add = true}
      %dma_wait3A_689 = arith.constant 0 : i32
      %dma_wait3A_690 = arith.constant 0 : i32
      %dma_wait3A_691 = tpu.memref_slice %arg3[%dma_wait3A_689, %dma_wait3A_690] : memref<10240x128xf32, #tpu.memory_space<hbm>> -> memref<10240x128xf32, #tpu.memory_space<hbm>>
      tpu.wait_indirect_dma semaphore(%arg26 : memref<!tpu.dma_semaphore, #tpu.memory_space<semaphore_mem>>) src(%dma_wait3A_691 : memref<10240x128xf32, #tpu.memory_space<hbm>>) dst(%arg18 : memref<128x128xf32, #tpu.memory_space<vmem>>)
      "tpu.region"() ({
        %run_scoped3A = tpu.sem_alloc : memref<!tpu.dma_semaphore, #tpu.memory_space<semaphore_mem>>
        %dma_start3A_701 = arith.constant 0 : i32
        %dma_start3A_702 = arith.constant 0 : i32
        %dma_start3A_703 = tpu.memref_slice %arg21[%dma_start3A_701, %dma_start3A_702] : memref<10240x128xf32, #tpu.memory_space<vmem_shared>> -> memref<10240x128xf32, #tpu.memory_space<vmem_shared>>
        tpu.enqueue_indirect_dma source(%arg18 : memref<128x128xf32, #tpu.memory_space<vmem>>) target(%dma_start3A_703 : memref<10240x128xf32, #tpu.memory_space<vmem_shared>>) offsets(%arg14 : memref<128xi32, #tpu.memory_space<vmem>>) semaphore(%run_scoped3A : memref<!tpu.dma_semaphore, #tpu.memory_space<semaphore_mem>>) {add = true}
        %dma_wait3A_704 = arith.constant 0 : i32
        %dma_wait3A_705 = arith.constant 0 : i32
        %dma_wait3A_706 = tpu.memref_slice %arg21[%dma_wait3A_704, %dma_wait3A_705] : memref<10240x128xf32, #tpu.memory_space<vmem_shared>> -> memref<10240x128xf32, #tpu.memory_space<vmem_shared>>
        tpu.wait_indirect_dma semaphore(%run_scoped3A : memref<!tpu.dma_semaphore, #tpu.memory_space<semaphore_mem>>) src(%arg18 : memref<128x128xf32, #tpu.memory_space<vmem>>) dst(%dma_wait3A_706 : memref<10240x128xf32, #tpu.memory_space<vmem_shared>>)
        tpu.yield
      }) : () -> ()
      %dma_wait3A_692 = arith.constant 0 : i32
      %dma_wait3A_693 = tpu.memref_slice %arg22[%dma_wait3A_692] : memref<10240xf32, #tpu.memory_space<vmem_shared>> -> memref<10240xf32, #tpu.memory_space<vmem_shared>>
      tpu.wait_indirect_dma semaphore(%arg30 : memref<!tpu.dma_semaphore, #tpu.memory_space<semaphore_mem>>) src(%arg16 : memref<128xf32, #tpu.memory_space<vmem>>) dst(%dma_wait3A_693 : memref<10240xf32, #tpu.memory_space<vmem_shared>>)
      %add3A_694 = arith.constant 2 : i32
      %add3A_695 = arith.addi %add3A_529, %add3A_694 : i32
      %lt3A_696 = arith.constant 80 : i32
      %lt3A_697 = arith.cmpi slt, %add3A_695, %lt3A_696 : i32
      %convert_element_type3A_698 = arith.extui %lt3A_697 : i1 to i32
      %cond3A_699 = arith.constant 0 : i32
      %cond3A_700 = arith.cmpi ne, %convert_element_type3A_698, %cond3A_699 : i32
      scf.if %cond3A_700 {
        %add3A_701 = arith.constant 2 : i32
        %add3A_702 = arith.addi %add3A_529, %add3A_701 : i32
        %mul3A_703 = arith.constant 128 : i32
        %mul3A_704 = arith.muli %add3A_702, %mul3A_703 : i32
        %add3A_705 = arith.addi %mul3A_2, %mul3A_704 : i32
        %dma_start3A_706 = arith.constant 0 : i32
        %dma_start3A_707 = tpu.memref_slice %arg2[%dma_start3A_706, %add3A_705] : memref<2x327680xi32, #tpu.memory_space<hbm>> -> memref<2x128xi32, #tpu.memory_space<hbm>>
        %dma_start3A_708 = arith.constant 0 : i32
        %dma_start3A_709 = tpu.memref_slice %arg2[%dma_start3A_708, %add3A_705] : memref<2x327680xi32, #tpu.memory_space<hbm>> -> memref<2x128xi32, #tpu.memory_space<hbm>>
        tpu.enqueue_dma source(%dma_start3A_709 : memref<2x128xi32, #tpu.memory_space<hbm>>) target(%arg10 : memref<2x128xi32, #tpu.memory_space<vmem>>) target_semaphore(%arg24 : memref<!tpu.dma_semaphore, #tpu.memory_space<semaphore_mem>>)
      } else {
      }
    }
    %scan3A_182 = arith.constant 39 : i32
    %dma_wait3A_183 = arith.constant 0 : i32
    %dma_wait3A_184 = arith.constant 0 : i32
    %dma_wait3A_185 = tpu.memref_slice %arg2[%dma_wait3A_183, %dma_wait3A_184] : memref<2x327680xi32, #tpu.memory_space<hbm>> -> memref<2x128xi32, #tpu.memory_space<hbm>>
    %dma_wait3A_186 = arith.constant 0 : i32
    %dma_wait3A_187 = arith.constant 0 : i32
    %dma_wait3A_188 = tpu.memref_slice %arg2[%dma_wait3A_186, %dma_wait3A_187] : memref<2x327680xi32, #tpu.memory_space<hbm>> -> memref<2x128xi32, #tpu.memory_space<hbm>>
    tpu.wait_dma2 semaphore(%arg24 : memref<!tpu.dma_semaphore, #tpu.memory_space<semaphore_mem>>) src(%dma_wait3A_188 : memref<2x128xi32, #tpu.memory_space<hbm>>) dst(%arg10 : memref<2x128xi32, #tpu.memory_space<vmem>>)
    %get3A_189 = arith.constant 0 : i32
    %get3A_190 = arith.index_cast %get3A_189 : i32 to index
    %get3A_191 = arith.constant 0 : index
    %get3A_192 = tpu.vector_load %arg10[%get3A_190, %get3A_191] {strides = array<i32>} : memref<2x128xi32, #tpu.memory_space<vmem>>, vector<1x16xi32>,
    %get3A_193 = vector.shape_cast %get3A_192 : vector<1x16xi32> to vector<16xi32>
    %swap3A_194 = arith.constant 0 : index
    %swap3A_195 = tpu.vector_load %arg13[%swap3A_194] {strides = array<i32>} : memref<128xi32, #tpu.memory_space<vmem>>, vector<16xi32>,
    %swap3A_196 = vector.shape_cast %swap3A_195 : vector<16xi32> to vector<16xi32>
    %swap3A_197 = vector.shape_cast %get3A_193 : vector<16xi32> to vector<16xi32>
    tpu.vector_store %arg13[%swap3A_194], %swap3A_197 {strides = array<i32>} : memref<128xi32, #tpu.memory_space<vmem>>, vector<16xi32>,
    %get3A_198 = arith.constant 1 : i32
    %get3A_199 = arith.index_cast %get3A_198 : i32 to index
    %get3A_200 = arith.constant 0 : index
    %get3A_201 = tpu.vector_load %arg10[%get3A_199, %get3A_200] {strides = array<i32>} : memref<2x128xi32, #tpu.memory_space<vmem>>, vector<1x16xi32>,
    %get3A_202 = vector.shape_cast %get3A_201 : vector<1x16xi32> to vector<16xi32>
    %swap3A_203 = arith.constant 0 : index
    %swap3A_204 = tpu.vector_load %arg14[%swap3A_203] {strides = array<i32>} : memref<128xi32, #tpu.memory_space<vmem>>, vector<16xi32>,
    %swap3A_205 = vector.shape_cast %swap3A_204 : vector<16xi32> to vector<16xi32>
    %swap3A_206 = vector.shape_cast %get3A_202 : vector<16xi32> to vector<16xi32>
    tpu.vector_store %arg14[%swap3A_203], %swap3A_206 {strides = array<i32>} : memref<128xi32, #tpu.memory_space<vmem>>, vector<16xi32>,
    %get3A_207 = arith.constant 0 : i32
    %get3A_208 = arith.index_cast %get3A_207 : i32 to index
    %get3A_209 = arith.constant 16 : index
    %get3A_210 = tpu.vector_load %arg10[%get3A_208, %get3A_209] {strides = array<i32>} : memref<2x128xi32, #tpu.memory_space<vmem>>, vector<1x16xi32>,
    %get3A_211 = vector.shape_cast %get3A_210 : vector<1x16xi32> to vector<16xi32>
    %swap3A_212 = arith.constant 16 : index
    %swap3A_213 = tpu.vector_load %arg13[%swap3A_212] {strides = array<i32>} : memref<128xi32, #tpu.memory_space<vmem>>, vector<16xi32>,
    %swap3A_214 = vector.shape_cast %swap3A_213 : vector<16xi32> to vector<16xi32>
    %swap3A_215 = vector.shape_cast %get3A_211 : vector<16xi32> to vector<16xi32>
    tpu.vector_store %arg13[%swap3A_212], %swap3A_215 {strides = array<i32>} : memref<128xi32, #tpu.memory_space<vmem>>, vector<16xi32>,
    %get3A_216 = arith.constant 1 : i32
    %get3A_217 = arith.index_cast %get3A_216 : i32 to index
    %get3A_218 = arith.constant 16 : index
    %get3A_219 = tpu.vector_load %arg10[%get3A_217, %get3A_218] {strides = array<i32>} : memref<2x128xi32, #tpu.memory_space<vmem>>, vector<1x16xi32>,
    %get3A_220 = vector.shape_cast %get3A_219 : vector<1x16xi32> to vector<16xi32>
    %swap3A_221 = arith.constant 16 : index
    %swap3A_222 = tpu.vector_load %arg14[%swap3A_221] {strides = array<i32>} : memref<128xi32, #tpu.memory_space<vmem>>, vector<16xi32>,
    %swap3A_223 = vector.shape_cast %swap3A_222 : vector<16xi32> to vector<16xi32>
    %swap3A_224 = vector.shape_cast %get3A_220 : vector<16xi32> to vector<16xi32>
    tpu.vector_store %arg14[%swap3A_221], %swap3A_224 {strides = array<i32>} : memref<128xi32, #tpu.memory_space<vmem>>, vector<16xi32>,
    %get3A_225 = arith.constant 0 : i32
    %get3A_226 = arith.index_cast %get3A_225 : i32 to index
    %get3A_227 = arith.constant 32 : index
    %get3A_228 = tpu.vector_load %arg10[%get3A_226, %get3A_227] {strides = array<i32>} : memref<2x128xi32, #tpu.memory_space<vmem>>, vector<1x16xi32>,
    %get3A_229 = vector.shape_cast %get3A_228 : vector<1x16xi32> to vector<16xi32>
    %swap3A_230 = arith.constant 32 : index
    %swap3A_231 = tpu.vector_load %arg13[%swap3A_230] {strides = array<i32>} : memref<128xi32, #tpu.memory_space<vmem>>, vector<16xi32>,
    %swap3A_232 = vector.shape_cast %swap3A_231 : vector<16xi32> to vector<16xi32>
    %swap3A_233 = vector.shape_cast %get3A_229 : vector<16xi32> to vector<16xi32>
    tpu.vector_store %arg13[%swap3A_230], %swap3A_233 {strides = array<i32>} : memref<128xi32, #tpu.memory_space<vmem>>, vector<16xi32>,
    %get3A_234 = arith.constant 1 : i32
    %get3A_235 = arith.index_cast %get3A_234 : i32 to index
    %get3A_236 = arith.constant 32 : index
    %get3A_237 = tpu.vector_load %arg10[%get3A_235, %get3A_236] {strides = array<i32>} : memref<2x128xi32, #tpu.memory_space<vmem>>, vector<1x16xi32>,
    %get3A_238 = vector.shape_cast %get3A_237 : vector<1x16xi32> to vector<16xi32>
    %swap3A_239 = arith.constant 32 : index
    %swap3A_240 = tpu.vector_load %arg14[%swap3A_239] {strides = array<i32>} : memref<128xi32, #tpu.memory_space<vmem>>, vector<16xi32>,
    %swap3A_241 = vector.shape_cast %swap3A_240 : vector<16xi32> to vector<16xi32>
    %swap3A_242 = vector.shape_cast %get3A_238 : vector<16xi32> to vector<16xi32>
    tpu.vector_store %arg14[%swap3A_239], %swap3A_242 {strides = array<i32>} : memref<128xi32, #tpu.memory_space<vmem>>, vector<16xi32>,
    %get3A_243 = arith.constant 0 : i32
    %get3A_244 = arith.index_cast %get3A_243 : i32 to index
    %get3A_245 = arith.constant 48 : index
    %get3A_246 = tpu.vector_load %arg10[%get3A_244, %get3A_245] {strides = array<i32>} : memref<2x128xi32, #tpu.memory_space<vmem>>, vector<1x16xi32>,
    %get3A_247 = vector.shape_cast %get3A_246 : vector<1x16xi32> to vector<16xi32>
    %swap3A_248 = arith.constant 48 : index
    %swap3A_249 = tpu.vector_load %arg13[%swap3A_248] {strides = array<i32>} : memref<128xi32, #tpu.memory_space<vmem>>, vector<16xi32>,
    %swap3A_250 = vector.shape_cast %swap3A_249 : vector<16xi32> to vector<16xi32>
    %swap3A_251 = vector.shape_cast %get3A_247 : vector<16xi32> to vector<16xi32>
    tpu.vector_store %arg13[%swap3A_248], %swap3A_251 {strides = array<i32>} : memref<128xi32, #tpu.memory_space<vmem>>, vector<16xi32>,
    %get3A_252 = arith.constant 1 : i32
    %get3A_253 = arith.index_cast %get3A_252 : i32 to index
    %get3A_254 = arith.constant 48 : index
    %get3A_255 = tpu.vector_load %arg10[%get3A_253, %get3A_254] {strides = array<i32>} : memref<2x128xi32, #tpu.memory_space<vmem>>, vector<1x16xi32>,
    %get3A_256 = vector.shape_cast %get3A_255 : vector<1x16xi32> to vector<16xi32>
    %swap3A_257 = arith.constant 48 : index
    %swap3A_258 = tpu.vector_load %arg14[%swap3A_257] {strides = array<i32>} : memref<128xi32, #tpu.memory_space<vmem>>, vector<16xi32>,
    %swap3A_259 = vector.shape_cast %swap3A_258 : vector<16xi32> to vector<16xi32>
    %swap3A_260 = vector.shape_cast %get3A_256 : vector<16xi32> to vector<16xi32>
    tpu.vector_store %arg14[%swap3A_257], %swap3A_260 {strides = array<i32>} : memref<128xi32, #tpu.memory_space<vmem>>, vector<16xi32>,
    %get3A_261 = arith.constant 0 : i32
    %get3A_262 = arith.index_cast %get3A_261 : i32 to index
    %get3A_263 = arith.constant 64 : index
    %get3A_264 = tpu.vector_load %arg10[%get3A_262, %get3A_263] {strides = array<i32>} : memref<2x128xi32, #tpu.memory_space<vmem>>, vector<1x16xi32>,
    %get3A_265 = vector.shape_cast %get3A_264 : vector<1x16xi32> to vector<16xi32>
    %swap3A_266 = arith.constant 64 : index
    %swap3A_267 = tpu.vector_load %arg13[%swap3A_266] {strides = array<i32>} : memref<128xi32, #tpu.memory_space<vmem>>, vector<16xi32>,
    %swap3A_268 = vector.shape_cast %swap3A_267 : vector<16xi32> to vector<16xi32>
    %swap3A_269 = vector.shape_cast %get3A_265 : vector<16xi32> to vector<16xi32>
    tpu.vector_store %arg13[%swap3A_266], %swap3A_269 {strides = array<i32>} : memref<128xi32, #tpu.memory_space<vmem>>, vector<16xi32>,
    %get3A_270 = arith.constant 1 : i32
    %get3A_271 = arith.index_cast %get3A_270 : i32 to index
    %get3A_272 = arith.constant 64 : index
    %get3A_273 = tpu.vector_load %arg10[%get3A_271, %get3A_272] {strides = array<i32>} : memref<2x128xi32, #tpu.memory_space<vmem>>, vector<1x16xi32>,
    %get3A_274 = vector.shape_cast %get3A_273 : vector<1x16xi32> to vector<16xi32>
    %swap3A_275 = arith.constant 64 : index
    %swap3A_276 = tpu.vector_load %arg14[%swap3A_275] {strides = array<i32>} : memref<128xi32, #tpu.memory_space<vmem>>, vector<16xi32>,
    %swap3A_277 = vector.shape_cast %swap3A_276 : vector<16xi32> to vector<16xi32>
    %swap3A_278 = vector.shape_cast %get3A_274 : vector<16xi32> to vector<16xi32>
    tpu.vector_store %arg14[%swap3A_275], %swap3A_278 {strides = array<i32>} : memref<128xi32, #tpu.memory_space<vmem>>, vector<16xi32>,
    %get3A_279 = arith.constant 0 : i32
    %get3A_280 = arith.index_cast %get3A_279 : i32 to index
    %get3A_281 = arith.constant 80 : index
    %get3A_282 = tpu.vector_load %arg10[%get3A_280, %get3A_281] {strides = array<i32>} : memref<2x128xi32, #tpu.memory_space<vmem>>, vector<1x16xi32>,
    %get3A_283 = vector.shape_cast %get3A_282 : vector<1x16xi32> to vector<16xi32>
    %swap3A_284 = arith.constant 80 : index
    %swap3A_285 = tpu.vector_load %arg13[%swap3A_284] {strides = array<i32>} : memref<128xi32, #tpu.memory_space<vmem>>, vector<16xi32>,
    %swap3A_286 = vector.shape_cast %swap3A_285 : vector<16xi32> to vector<16xi32>
    %swap3A_287 = vector.shape_cast %get3A_283 : vector<16xi32> to vector<16xi32>
    tpu.vector_store %arg13[%swap3A_284], %swap3A_287 {strides = array<i32>} : memref<128xi32, #tpu.memory_space<vmem>>, vector<16xi32>,
    %get3A_288 = arith.constant 1 : i32
    %get3A_289 = arith.index_cast %get3A_288 : i32 to index
    %get3A_290 = arith.constant 80 : index
    %get3A_291 = tpu.vector_load %arg10[%get3A_289, %get3A_290] {strides = array<i32>} : memref<2x128xi32, #tpu.memory_space<vmem>>, vector<1x16xi32>,
    %get3A_292 = vector.shape_cast %get3A_291 : vector<1x16xi32> to vector<16xi32>
    %swap3A_293 = arith.constant 80 : index
    %swap3A_294 = tpu.vector_load %arg14[%swap3A_293] {strides = array<i32>} : memref<128xi32, #tpu.memory_space<vmem>>, vector<16xi32>,
    %swap3A_295 = vector.shape_cast %swap3A_294 : vector<16xi32> to vector<16xi32>
    %swap3A_296 = vector.shape_cast %get3A_292 : vector<16xi32> to vector<16xi32>
    tpu.vector_store %arg14[%swap3A_293], %swap3A_296 {strides = array<i32>} : memref<128xi32, #tpu.memory_space<vmem>>, vector<16xi32>,
    %get3A_297 = arith.constant 0 : i32
    %get3A_298 = arith.index_cast %get3A_297 : i32 to index
    %get3A_299 = arith.constant 96 : index
    %get3A_300 = tpu.vector_load %arg10[%get3A_298, %get3A_299] {strides = array<i32>} : memref<2x128xi32, #tpu.memory_space<vmem>>, vector<1x16xi32>,
    %get3A_301 = vector.shape_cast %get3A_300 : vector<1x16xi32> to vector<16xi32>
    %swap3A_302 = arith.constant 96 : index
    %swap3A_303 = tpu.vector_load %arg13[%swap3A_302] {strides = array<i32>} : memref<128xi32, #tpu.memory_space<vmem>>, vector<16xi32>,
    %swap3A_304 = vector.shape_cast %swap3A_303 : vector<16xi32> to vector<16xi32>
    %swap3A_305 = vector.shape_cast %get3A_301 : vector<16xi32> to vector<16xi32>
    tpu.vector_store %arg13[%swap3A_302], %swap3A_305 {strides = array<i32>} : memref<128xi32, #tpu.memory_space<vmem>>, vector<16xi32>,
    %get3A_306 = arith.constant 1 : i32
    %get3A_307 = arith.index_cast %get3A_306 : i32 to index
    %get3A_308 = arith.constant 96 : index
    %get3A_309 = tpu.vector_load %arg10[%get3A_307, %get3A_308] {strides = array<i32>} : memref<2x128xi32, #tpu.memory_space<vmem>>, vector<1x16xi32>,
    %get3A_310 = vector.shape_cast %get3A_309 : vector<1x16xi32> to vector<16xi32>
    %swap3A_311 = arith.constant 96 : index
    %swap3A_312 = tpu.vector_load %arg14[%swap3A_311] {strides = array<i32>} : memref<128xi32, #tpu.memory_space<vmem>>, vector<16xi32>,
    %swap3A_313 = vector.shape_cast %swap3A_312 : vector<16xi32> to vector<16xi32>
    %swap3A_314 = vector.shape_cast %get3A_310 : vector<16xi32> to vector<16xi32>
    tpu.vector_store %arg14[%swap3A_311], %swap3A_314 {strides = array<i32>} : memref<128xi32, #tpu.memory_space<vmem>>, vector<16xi32>,
    %get3A_315 = arith.constant 0 : i32
    %get3A_316 = arith.index_cast %get3A_315 : i32 to index
    %get3A_317 = arith.constant 112 : index
    %get3A_318 = tpu.vector_load %arg10[%get3A_316, %get3A_317] {strides = array<i32>} : memref<2x128xi32, #tpu.memory_space<vmem>>, vector<1x16xi32>,
    %get3A_319 = vector.shape_cast %get3A_318 : vector<1x16xi32> to vector<16xi32>
    %swap3A_320 = arith.constant 112 : index
    %swap3A_321 = tpu.vector_load %arg13[%swap3A_320] {strides = array<i32>} : memref<128xi32, #tpu.memory_space<vmem>>, vector<16xi32>,
    %swap3A_322 = vector.shape_cast %swap3A_321 : vector<16xi32> to vector<16xi32>
    %swap3A_323 = vector.shape_cast %get3A_319 : vector<16xi32> to vector<16xi32>
    tpu.vector_store %arg13[%swap3A_320], %swap3A_323 {strides = array<i32>} : memref<128xi32, #tpu.memory_space<vmem>>, vector<16xi32>,
    %get3A_324 = arith.constant 1 : i32
    %get3A_325 = arith.index_cast %get3A_324 : i32 to index
    %get3A_326 = arith.constant 112 : index
    %get3A_327 = tpu.vector_load %arg10[%get3A_325, %get3A_326] {strides = array<i32>} : memref<2x128xi32, #tpu.memory_space<vmem>>, vector<1x16xi32>,
    %get3A_328 = vector.shape_cast %get3A_327 : vector<1x16xi32> to vector<16xi32>
    %swap3A_329 = arith.constant 112 : index
    %swap3A_330 = tpu.vector_load %arg14[%swap3A_329] {strides = array<i32>} : memref<128xi32, #tpu.memory_space<vmem>>, vector<16xi32>,
    %swap3A_331 = vector.shape_cast %swap3A_330 : vector<16xi32> to vector<16xi32>
    %swap3A_332 = vector.shape_cast %get3A_328 : vector<16xi32> to vector<16xi32>
    tpu.vector_store %arg14[%swap3A_329], %swap3A_332 {strides = array<i32>} : memref<128xi32, #tpu.memory_space<vmem>>, vector<16xi32>,
    %dma_start3A_333 = arith.constant 0 : i32
    %dma_start3A_334 = arith.constant 0 : i32
    %dma_start3A_335 = tpu.memref_slice %arg3[%dma_start3A_333, %dma_start3A_334] : memref<10240x128xf32, #tpu.memory_space<hbm>> -> memref<10240x128xf32, #tpu.memory_space<hbm>>
    tpu.enqueue_indirect_dma source(%dma_start3A_335 : memref<10240x128xf32, #tpu.memory_space<hbm>>) target(%arg18 : memref<128x128xf32, #tpu.memory_space<vmem>>) offsets(%arg13 : memref<128xi32, #tpu.memory_space<vmem>>) semaphore(%arg26 : memref<!tpu.dma_semaphore, #tpu.memory_space<semaphore_mem>>)
    %dma_start3A_336 = arith.constant 0 : i32
    %dma_start3A_337 = tpu.memref_slice %arg20[%dma_start3A_336] : memref<10240xf32, #tpu.memory_space<vmem_shared>> -> memref<10240xf32, #tpu.memory_space<vmem_shared>>
    tpu.enqueue_indirect_dma source(%dma_start3A_337 : memref<10240xf32, #tpu.memory_space<vmem_shared>>) target(%arg16 : memref<128xf32, #tpu.memory_space<vmem>>) offsets(%arg14 : memref<128xi32, #tpu.memory_space<vmem>>) semaphore(%arg28 : memref<!tpu.dma_semaphore, #tpu.memory_space<semaphore_mem>>)
    %dma_wait3A_338 = arith.constant 0 : i32
    %dma_wait3A_339 = tpu.memref_slice %arg20[%dma_wait3A_338] : memref<10240xf32, #tpu.memory_space<vmem_shared>> -> memref<10240xf32, #tpu.memory_space<vmem_shared>>
    tpu.wait_indirect_dma semaphore(%arg27 : memref<!tpu.dma_semaphore, #tpu.memory_space<semaphore_mem>>) src(%dma_wait3A_339 : memref<10240xf32, #tpu.memory_space<vmem_shared>>) dst(%arg15 : memref<128xf32, #tpu.memory_space<vmem>>)
    %dma_start3A_340 = arith.constant 0 : i32
    %dma_start3A_341 = tpu.memref_slice %arg22[%dma_start3A_340] : memref<10240xf32, #tpu.memory_space<vmem_shared>> -> memref<10240xf32, #tpu.memory_space<vmem_shared>>
    tpu.enqueue_indirect_dma source(%arg15 : memref<128xf32, #tpu.memory_space<vmem>>) target(%dma_start3A_341 : memref<10240xf32, #tpu.memory_space<vmem_shared>>) offsets(%arg11 : memref<128xi32, #tpu.memory_space<vmem>>) semaphore(%arg29 : memref<!tpu.dma_semaphore, #tpu.memory_space<semaphore_mem>>) {add = true}
    %dma_wait3A_342 = arith.constant 0 : i32
    %dma_wait3A_343 = arith.constant 0 : i32
    %dma_wait3A_344 = tpu.memref_slice %arg3[%dma_wait3A_342, %dma_wait3A_343] : memref<10240x128xf32, #tpu.memory_space<hbm>> -> memref<10240x128xf32, #tpu.memory_space<hbm>>
    tpu.wait_indirect_dma semaphore(%arg25 : memref<!tpu.dma_semaphore, #tpu.memory_space<semaphore_mem>>) src(%dma_wait3A_344 : memref<10240x128xf32, #tpu.memory_space<hbm>>) dst(%arg17 : memref<128x128xf32, #tpu.memory_space<vmem>>)
    "tpu.region"() ({
      %run_scoped3A = tpu.sem_alloc : memref<!tpu.dma_semaphore, #tpu.memory_space<semaphore_mem>>
      %dma_start3A_357 = arith.constant 0 : i32
      %dma_start3A_358 = arith.constant 0 : i32
      %dma_start3A_359 = tpu.memref_slice %arg21[%dma_start3A_357, %dma_start3A_358] : memref<10240x128xf32, #tpu.memory_space<vmem_shared>> -> memref<10240x128xf32, #tpu.memory_space<vmem_shared>>
      tpu.enqueue_indirect_dma source(%arg17 : memref<128x128xf32, #tpu.memory_space<vmem>>) target(%dma_start3A_359 : memref<10240x128xf32, #tpu.memory_space<vmem_shared>>) offsets(%arg12 : memref<128xi32, #tpu.memory_space<vmem>>) semaphore(%run_scoped3A : memref<!tpu.dma_semaphore, #tpu.memory_space<semaphore_mem>>) {add = true}
      %dma_wait3A_360 = arith.constant 0 : i32
      %dma_wait3A_361 = arith.constant 0 : i32
      %dma_wait3A_362 = tpu.memref_slice %arg21[%dma_wait3A_360, %dma_wait3A_361] : memref<10240x128xf32, #tpu.memory_space<vmem_shared>> -> memref<10240x128xf32, #tpu.memory_space<vmem_shared>>
      tpu.wait_indirect_dma semaphore(%run_scoped3A : memref<!tpu.dma_semaphore, #tpu.memory_space<semaphore_mem>>) src(%arg17 : memref<128x128xf32, #tpu.memory_space<vmem>>) dst(%dma_wait3A_362 : memref<10240x128xf32, #tpu.memory_space<vmem_shared>>)
      tpu.yield
    }) : () -> ()
    %dma_wait3A_345 = arith.constant 0 : i32
    %dma_wait3A_346 = tpu.memref_slice %arg22[%dma_wait3A_345] : memref<10240xf32, #tpu.memory_space<vmem_shared>> -> memref<10240xf32, #tpu.memory_space<vmem_shared>>
    tpu.wait_indirect_dma semaphore(%arg29 : memref<!tpu.dma_semaphore, #tpu.memory_space<semaphore_mem>>) src(%arg15 : memref<128xf32, #tpu.memory_space<vmem>>) dst(%dma_wait3A_346 : memref<10240xf32, #tpu.memory_space<vmem_shared>>)
    %dma_wait3A_347 = arith.constant 0 : i32
    %dma_wait3A_348 = tpu.memref_slice %arg20[%dma_wait3A_347] : memref<10240xf32, #tpu.memory_space<vmem_shared>> -> memref<10240xf32, #tpu.memory_space<vmem_shared>>
    tpu.wait_indirect_dma semaphore(%arg28 : memref<!tpu.dma_semaphore, #tpu.memory_space<semaphore_mem>>) src(%dma_wait3A_348 : memref<10240xf32, #tpu.memory_space<vmem_shared>>) dst(%arg16 : memref<128xf32, #tpu.memory_space<vmem>>)
    %dma_start3A_349 = arith.constant 0 : i32
    %dma_start3A_350 = tpu.memref_slice %arg22[%dma_start3A_349] : memref<10240xf32, #tpu.memory_space<vmem_shared>> -> memref<10240xf32, #tpu.memory_space<vmem_shared>>
    tpu.enqueue_indirect_dma source(%arg16 : memref<128xf32, #tpu.memory_space<vmem>>) target(%dma_start3A_350 : memref<10240xf32, #tpu.memory_space<vmem_shared>>) offsets(%arg13 : memref<128xi32, #tpu.memory_space<vmem>>) semaphore(%arg30 : memref<!tpu.dma_semaphore, #tpu.memory_space<semaphore_mem>>) {add = true}
    %dma_wait3A_351 = arith.constant 0 : i32
    %dma_wait3A_352 = arith.constant 0 : i32
    %dma_wait3A_353 = tpu.memref_slice %arg3[%dma_wait3A_351, %dma_wait3A_352] : memref<10240x128xf32, #tpu.memory_space<hbm>> -> memref<10240x128xf32, #tpu.memory_space<hbm>>
    tpu.wait_indirect_dma semaphore(%arg26 : memref<!tpu.dma_semaphore, #tpu.memory_space<semaphore_mem>>) src(%dma_wait3A_353 : memref<10240x128xf32, #tpu.memory_space<hbm>>) dst(%arg18 : memref<128x128xf32, #tpu.memory_space<vmem>>)
    "tpu.region"() ({
      %run_scoped3A = tpu.sem_alloc : memref<!tpu.dma_semaphore, #tpu.memory_space<semaphore_mem>>
      %dma_start3A_357 = arith.constant 0 : i32
      %dma_start3A_358 = arith.constant 0 : i32
      %dma_start3A_359 = tpu.memref_slice %arg21[%dma_start3A_357, %dma_start3A_358] : memref<10240x128xf32, #tpu.memory_space<vmem_shared>> -> memref<10240x128xf32, #tpu.memory_space<vmem_shared>>
      tpu.enqueue_indirect_dma source(%arg18 : memref<128x128xf32, #tpu.memory_space<vmem>>) target(%dma_start3A_359 : memref<10240x128xf32, #tpu.memory_space<vmem_shared>>) offsets(%arg14 : memref<128xi32, #tpu.memory_space<vmem>>) semaphore(%run_scoped3A : memref<!tpu.dma_semaphore, #tpu.memory_space<semaphore_mem>>) {add = true}
      %dma_wait3A_360 = arith.constant 0 : i32
      %dma_wait3A_361 = arith.constant 0 : i32
      %dma_wait3A_362 = tpu.memref_slice %arg21[%dma_wait3A_360, %dma_wait3A_361] : memref<10240x128xf32, #tpu.memory_space<vmem_shared>> -> memref<10240x128xf32, #tpu.memory_space<vmem_shared>>
      tpu.wait_indirect_dma semaphore(%run_scoped3A : memref<!tpu.dma_semaphore, #tpu.memory_space<semaphore_mem>>) src(%arg18 : memref<128x128xf32, #tpu.memory_space<vmem>>) dst(%dma_wait3A_362 : memref<10240x128xf32, #tpu.memory_space<vmem_shared>>)
      tpu.yield
    }) : () -> ()
    %dma_wait3A_354 = arith.constant 0 : i32
    %dma_wait3A_355 = tpu.memref_slice %arg22[%dma_wait3A_354] : memref<10240xf32, #tpu.memory_space<vmem_shared>> -> memref<10240xf32, #tpu.memory_space<vmem_shared>>
    tpu.wait_indirect_dma semaphore(%arg30 : memref<!tpu.dma_semaphore, #tpu.memory_space<semaphore_mem>>) src(%arg16 : memref<128xf32, #tpu.memory_space<vmem>>) dst(%dma_wait3A_355 : memref<10240xf32, #tpu.memory_space<vmem_shared>>)
    %barrier3A_356 = arith.constant 0 : index
    tpu.barrier barrier_id(%barrier3A_356)
    "tpu.region"() ({
      %run_scoped3A = tpu.sem_alloc : memref<!tpu.dma_semaphore, #tpu.memory_space<semaphore_mem>>
      %dma_start3A_357 = arith.constant 0 : i32
      %dma_start3A_358 = tpu.memref_slice %arg7[%arg0, %mul3A_4, %dma_start3A_357] : memref<2x10240x128xf32, #tpu.memory_space<hbm>> -> memref<1x640x128xf32, #tpu.memory_space<hbm>>
      %dma_start3A_359 = tpu.memref_squeeze %dma_start3A_358 : memref<1x640x128xf32, #tpu.memory_space<hbm>> -> memref<640x128xf32, #tpu.memory_space<hbm>>
      %dma_start3A_360 = arith.constant 0 : i32
      %dma_start3A_361 = tpu.memref_slice %arg21[%mul3A_4, %dma_start3A_360] : memref<10240x128xf32, #tpu.memory_space<vmem_shared>> -> memref<640x128xf32, #tpu.memory_space<vmem_shared>>
      tpu.enqueue_dma source(%dma_start3A_361 : memref<640x128xf32, #tpu.memory_space<vmem_shared>>) target(%dma_start3A_359 : memref<640x128xf32, #tpu.memory_space<hbm>>) target_semaphore(%run_scoped3A : memref<!tpu.dma_semaphore, #tpu.memory_space<semaphore_mem>>)
      %dma_wait3A_362 = arith.constant 0 : i32
      %dma_wait3A_363 = tpu.memref_slice %arg7[%arg0, %mul3A_4, %dma_wait3A_362] : memref<2x10240x128xf32, #tpu.memory_space<hbm>> -> memref<1x640x128xf32, #tpu.memory_space<hbm>>
      %dma_wait3A_364 = tpu.memref_squeeze %dma_wait3A_363 : memref<1x640x128xf32, #tpu.memory_space<hbm>> -> memref<640x128xf32, #tpu.memory_space<hbm>>
      %dma_wait3A_365 = arith.constant 0 : i32
      %dma_wait3A_366 = tpu.memref_slice %arg21[%mul3A_4, %dma_wait3A_365] : memref<10240x128xf32, #tpu.memory_space<vmem_shared>> -> memref<640x128xf32, #tpu.memory_space<vmem_shared>>
      tpu.wait_dma2 semaphore(%run_scoped3A : memref<!tpu.dma_semaphore, #tpu.memory_space<semaphore_mem>>) src(%dma_wait3A_366 : memref<640x128xf32, #tpu.memory_space<vmem_shared>>) dst(%dma_wait3A_364 : memref<640x128xf32, #tpu.memory_space<hbm>>)
      tpu.yield
    }) : () -> ()
    "tpu.region"() ({
      %run_scoped3A = tpu.sem_alloc : memref<!tpu.dma_semaphore, #tpu.memory_space<semaphore_mem>>
      %dma_start3A_357 = tpu.memref_slice %arg8[%arg0, %mul3A_4] : memref<2x10240xf32, #tpu.memory_space<hbm>> -> memref<1x640xf32, #tpu.memory_space<hbm>>
      %dma_start3A_358 = tpu.memref_squeeze %dma_start3A_357 : memref<1x640xf32, #tpu.memory_space<hbm>> -> memref<640xf32, #tpu.memory_space<hbm>>
      %dma_start3A_359 = tpu.memref_slice %arg22[%mul3A_4] : memref<10240xf32, #tpu.memory_space<vmem_shared>> -> memref<640xf32, #tpu.memory_space<vmem_shared>>
      tpu.enqueue_dma source(%dma_start3A_359 : memref<640xf32, #tpu.memory_space<vmem_shared>>) target(%dma_start3A_358 : memref<640xf32, #tpu.memory_space<hbm>>) target_semaphore(%run_scoped3A : memref<!tpu.dma_semaphore, #tpu.memory_space<semaphore_mem>>)
      %dma_wait3A_360 = tpu.memref_slice %arg8[%arg0, %mul3A_4] : memref<2x10240xf32, #tpu.memory_space<hbm>> -> memref<1x640xf32, #tpu.memory_space<hbm>>
      %dma_wait3A_361 = tpu.memref_squeeze %dma_wait3A_360 : memref<1x640xf32, #tpu.memory_space<hbm>> -> memref<640xf32, #tpu.memory_space<hbm>>
      %dma_wait3A_362 = tpu.memref_slice %arg22[%mul3A_4] : memref<10240xf32, #tpu.memory_space<vmem_shared>> -> memref<640xf32, #tpu.memory_space<vmem_shared>>
      tpu.wait_dma2 semaphore(%run_scoped3A : memref<!tpu.dma_semaphore, #tpu.memory_space<semaphore_mem>>) src(%dma_wait3A_362 : memref<640xf32, #tpu.memory_space<vmem_shared>>) dst(%dma_wait3A_361 : memref<640xf32, #tpu.memory_space<hbm>>)
      tpu.yield
    }) : () -> ()
    return
  }
}

module attributes {stable_mosaic.version = 14 : i64} {
  func.func @_prep_body(%arg0: i32, %arg1: memref<2048x2xf32, #tpu.memory_space<vmem>>, %arg2: memref<2048x128xf32, #tpu.memory_space<vmem>>, %arg3: memref<2048x1xf32, #tpu.memory_space<vmem>>, %arg4: memref<2048x128xf32, #tpu.memory_space<vmem>>) attributes {dimension_semantics = [#tpu.dimension_semantics<arbitrary>], iteration_bounds = array<i64: 5>, scalar_prefetch = 0 : i64, scratch_operands = 0 : i64, tpu.core_type = #tpu.core_type<tc>, window_params = [{transform_indices = @transform_0, window_bounds = array<i64: 2048, 2>}, {transform_indices = @transform_1, window_bounds = array<i64: 2048, 128>}, {transform_indices = @transform_2, window_bounds = array<i64: 2048, 1>}, {transform_indices = @transform_3, window_bounds = array<i64: 2048, 128>}]} {
    %get3A = arith.constant 0 : index
    %get3A_0 = arith.constant 0 : index
    %get3A_1 = vector.load %arg1[%get3A, %get3A_0] : memref<2048x2xf32, #tpu.memory_space<vmem>>, vector<2048x1xf32>
    %get3A_2 = arith.constant 0 : index
    %get3A_3 = arith.constant 1 : index
    %get3A_4 = vector.load %arg1[%get3A_2, %get3A_3] : memref<2048x2xf32, #tpu.memory_space<vmem>>, vector<2048x1xf32>
    %add3A = arith.addf %get3A_1, %get3A_4 : vector<2048x1xf32>
    %add3A_5 = arith.constant 1.000000e+00 : f32
    %add3A_6 = vector.broadcast %add3A_5 : f32 to vector<2048x1xf32>
    %add3A_7 = arith.addf %add3A, %add3A_6 : vector<2048x1xf32>
    %rsqrt3A = math.rsqrt %add3A_7 : vector<2048x1xf32>
    %swap3A = arith.constant 0 : index
    %swap3A_8 = arith.constant 0 : index
    %swap3A_9 = vector.load %arg3[%swap3A, %swap3A_8] : memref<2048x1xf32, #tpu.memory_space<vmem>>, vector<2048x1xf32>
    tpu.vector_store %arg3[%swap3A, %swap3A_8], %rsqrt3A {strides = array<i32>} : memref<2048x1xf32, #tpu.memory_space<vmem>>, vector<2048x1xf32>,
    %get3A_10 = arith.constant 0 : index
    %get3A_11 = arith.constant 0 : index
    %get3A_12 = vector.load %arg2[%get3A_10, %get3A_11] : memref<2048x128xf32, #tpu.memory_space<vmem>>, vector<2048x128xf32>
    %mul3A = vector.broadcast %rsqrt3A : vector<2048x1xf32> to vector<2048x128xf32>
    %mul3A_13 = arith.mulf %get3A_12, %mul3A : vector<2048x128xf32>
    %swap3A_14 = arith.constant 0 : index
    %swap3A_15 = arith.constant 0 : index
    %swap3A_16 = vector.load %arg4[%swap3A_14, %swap3A_15] : memref<2048x128xf32, #tpu.memory_space<vmem>>, vector<2048x128xf32>
    tpu.vector_store %arg4[%swap3A_14, %swap3A_15], %mul3A_13 {strides = array<i32>} : memref<2048x128xf32, #tpu.memory_space<vmem>>, vector<2048x128xf32>,
    return
  }
  func.func @transform_0(%arg0: i32) -> (i32, i32) {
    %c0_i32 = arith.constant 0 : i32
    %c0_i32_0 = arith.constant 0 : i32
    return %arg0, %c0_i32 : i32, i32
  }
  func.func @transform_1(%arg0: i32) -> (i32, i32) {
    %c0_i32 = arith.constant 0 : i32
    %c0_i32_0 = arith.constant 0 : i32
    return %arg0, %c0_i32 : i32, i32
  }
  func.func @transform_2(%arg0: i32) -> (i32, i32) {
    %c0_i32 = arith.constant 0 : i32
    %c0_i32_0 = arith.constant 0 : i32
    return %arg0, %c0_i32 : i32, i32
  }
  func.func @transform_3(%arg0: i32) -> (i32, i32) {
    %c0_i32 = arith.constant 0 : i32
    %c0_i32_0 = arith.constant 0 : i32
    return %arg0, %c0_i32 : i32, i32
  }
}

module attributes {stable_mosaic.version = 14 : i64} {
  func.func @_head_body(%arg0: memref<1xi32, #tpu.memory_space<smem>>, %arg1: memref<1x256xf32, #tpu.memory_space<vmem>>, %arg2: memref<256x256xf32, #tpu.memory_space<vmem>>, %arg3: memref<1x256xf32, #tpu.memory_space<vmem>>, %arg4: memref<256x256xf32, #tpu.memory_space<vmem>>, %arg5: memref<1x256xf32, #tpu.memory_space<vmem>>, %arg6: memref<256x2048xf32, #tpu.memory_space<vmem>>, %arg7: memref<1x2048xf32, #tpu.memory_space<vmem>>, %arg8: memref<256x256xf32, #tpu.memory_space<vmem>>, %arg9: memref<1x256xf32, #tpu.memory_space<vmem>>, %arg10: memref<256x256xf32, #tpu.memory_space<vmem>>, %arg11: memref<1x256xf32, #tpu.memory_space<vmem>>, %arg12: memref<1x2048xf32, #tpu.memory_space<vmem>>, %arg13: memref<1x256xf32, #tpu.memory_space<vmem>>) attributes {dimension_semantics = [], scalar_prefetch = 0 : i64, scratch_operands = 0 : i64, tpu.core_type = #tpu.core_type<tc>} {
    %get3A = arith.constant 0 : index
    %get3A_0 = arith.constant 0 : index
    %get3A_1 = vector.load %arg1[%get3A, %get3A_0] : memref<1x256xf32, #tpu.memory_space<vmem>>, vector<1x256xf32>
    %get3A_2 = arith.constant 0 : index
    %get3A_3 = arith.constant 0 : index
    %get3A_4 = vector.load %arg2[%get3A_2, %get3A_3] : memref<256x256xf32, #tpu.memory_space<vmem>>, vector<256x256xf32>
    %dot_general3A = arith.constant dense<0.000000e+00> : vector<1x256xf32>
    %dot_general3A_5 = tpu.matmul %get3A_1, %get3A_4, %dot_general3A {dimension_numbers = #tpu.dot_dimension_numbers<[1], [0], [0], [1], [0, 0, 1, 1], [], []>, transpose_lhs_hint = false} : vector<1x256xf32>, vector<256x256xf32>, vector<1x256xf32> -> vector<1x256xf32>
    %mul3A = arith.constant 9.99999974E-5 : f32
    %mul3A_6 = vector.broadcast %mul3A : f32 to vector<1x256xf32>
    %mul3A_7 = arith.mulf %dot_general3A_5, %mul3A_6 : vector<1x256xf32>
    %get3A_8 = arith.constant 0 : index
    %get3A_9 = arith.constant 0 : index
    %get3A_10 = vector.load %arg3[%get3A_8, %get3A_9] : memref<1x256xf32, #tpu.memory_space<vmem>>, vector<1x256xf32>
    %add3A = arith.addf %mul3A_7, %get3A_10 : vector<1x256xf32>
    %get3A_11 = arith.constant 0 : index
    %get3A_12 = arith.constant 0 : index
    %get3A_13 = vector.load %arg4[%get3A_11, %get3A_12] : memref<256x256xf32, #tpu.memory_space<vmem>>, vector<256x256xf32>
    %dot_general3A_14 = arith.constant dense<0.000000e+00> : vector<1x256xf32>
    %dot_general3A_15 = tpu.matmul %add3A, %get3A_13, %dot_general3A_14 {dimension_numbers = #tpu.dot_dimension_numbers<[1], [0], [0], [1], [0, 0, 1, 1], [], []>, transpose_lhs_hint = false} : vector<1x256xf32>, vector<256x256xf32>, vector<1x256xf32> -> vector<1x256xf32>
    %get3A_16 = arith.constant 0 : index
    %get3A_17 = arith.constant 0 : index
    %get3A_18 = vector.load %arg5[%get3A_16, %get3A_17] : memref<1x256xf32, #tpu.memory_space<vmem>>, vector<1x256xf32>
    %add3A_19 = arith.addf %dot_general3A_15, %get3A_18 : vector<1x256xf32>
    %max3A = arith.constant 0.000000e+00 : f32
    %max3A_20 = vector.broadcast %max3A : f32 to vector<1x256xf32>
    %max3A_21 = arith.maximumf %add3A_19, %max3A_20 : vector<1x256xf32>
    %get3A_22 = arith.constant 0 : index
    %get3A_23 = arith.constant 0 : index
    %get3A_24 = vector.load %arg6[%get3A_22, %get3A_23] : memref<256x2048xf32, #tpu.memory_space<vmem>>, vector<256x2048xf32>
    %dot_general3A_25 = arith.constant dense<0.000000e+00> : vector<1x2048xf32>
    %dot_general3A_26 = tpu.matmul %max3A_21, %get3A_24, %dot_general3A_25 {dimension_numbers = #tpu.dot_dimension_numbers<[1], [0], [0], [1], [0, 0, 1, 1], [], []>, transpose_lhs_hint = false} : vector<1x256xf32>, vector<256x2048xf32>, vector<1x2048xf32> -> vector<1x2048xf32>
    %get3A_27 = arith.constant 0 : index
    %get3A_28 = arith.constant 0 : index
    %get3A_29 = vector.load %arg7[%get3A_27, %get3A_28] : memref<1x2048xf32, #tpu.memory_space<vmem>>, vector<1x2048xf32>
    %add3A_30 = arith.addf %dot_general3A_26, %get3A_29 : vector<1x2048xf32>
    %swap3A = arith.constant 0 : index
    %swap3A_31 = arith.constant 0 : index
    %swap3A_32 = vector.load %arg12[%swap3A, %swap3A_31] : memref<1x2048xf32, #tpu.memory_space<vmem>>, vector<1x2048xf32>
    tpu.vector_store %arg12[%swap3A, %swap3A_31], %add3A_30 {strides = array<i32>} : memref<1x2048xf32, #tpu.memory_space<vmem>>, vector<1x2048xf32>,
    %get3A_33 = arith.constant 0 : index
    %get3A_34 = arith.constant 0 : index
    %get3A_35 = vector.load %arg8[%get3A_33, %get3A_34] : memref<256x256xf32, #tpu.memory_space<vmem>>, vector<256x256xf32>
    %dot_general3A_36 = arith.constant dense<0.000000e+00> : vector<1x256xf32>
    %dot_general3A_37 = tpu.matmul %add3A, %get3A_35, %dot_general3A_36 {dimension_numbers = #tpu.dot_dimension_numbers<[1], [0], [0], [1], [0, 0, 1, 1], [], []>, transpose_lhs_hint = false} : vector<1x256xf32>, vector<256x256xf32>, vector<1x256xf32> -> vector<1x256xf32>
    %get3A_38 = arith.constant 0 : index
    %get3A_39 = arith.constant 0 : index
    %get3A_40 = vector.load %arg9[%get3A_38, %get3A_39] : memref<1x256xf32, #tpu.memory_space<vmem>>, vector<1x256xf32>
    %add3A_41 = arith.addf %dot_general3A_37, %get3A_40 : vector<1x256xf32>
    %max3A_42 = arith.constant 0.000000e+00 : f32
    %max3A_43 = vector.broadcast %max3A_42 : f32 to vector<1x256xf32>
    %max3A_44 = arith.maximumf %add3A_41, %max3A_43 : vector<1x256xf32>
    %get3A_45 = arith.constant 0 : index
    %get3A_46 = arith.constant 0 : index
    %get3A_47 = vector.load %arg10[%get3A_45, %get3A_46] : memref<256x256xf32, #tpu.memory_space<vmem>>, vector<256x256xf32>
    %dot_general3A_48 = arith.constant dense<0.000000e+00> : vector<1x256xf32>
    %dot_general3A_49 = tpu.matmul %max3A_44, %get3A_47, %dot_general3A_48 {dimension_numbers = #tpu.dot_dimension_numbers<[1], [0], [0], [1], [0, 0, 1, 1], [], []>, transpose_lhs_hint = false} : vector<1x256xf32>, vector<256x256xf32>, vector<1x256xf32> -> vector<1x256xf32>
    %get3A_50 = arith.constant 0 : index
    %get3A_51 = arith.constant 0 : index
    %get3A_52 = vector.load %arg11[%get3A_50, %get3A_51] : memref<1x256xf32, #tpu.memory_space<vmem>>, vector<1x256xf32>
    %add3A_53 = arith.addf %dot_general3A_49, %get3A_52 : vector<1x256xf32>
    %logistic3A = arith.negf %add3A_53 : vector<1x256xf32>
    %logistic3A_54 = math.exp %logistic3A : vector<1x256xf32>
    %logistic3A_55 = arith.constant 1.000000e+00 : f32
    %logistic3A_56 = vector.broadcast %logistic3A_55 : f32 to vector<1x256xf32>
    %logistic3A_57 = arith.addf %logistic3A_56, %logistic3A_54 : vector<1x256xf32>
    %logistic3A_58 = arith.divf %logistic3A_56, %logistic3A_57 : vector<1x256xf32>
    %iota3A = tpu.iota {dimensions = array<i32: 1>} : vector<1x256xi32>
    %jit3A = arith.constant 16 : i32
    %div3A = vector.broadcast %jit3A : i32 to vector<1x256xi32>
    %div3A_59 = arith.divsi %iota3A, %div3A : vector<1x256xi32>
    %sign3A = arith.constant 0 : i32
    %sign3A_60 = vector.broadcast %sign3A : i32 to vector<1x256xi32>
    %sign3A_61 = arith.cmpi sgt, %iota3A, %sign3A_60 : vector<1x256xi32>
    %sign3A_62 = arith.extui %sign3A_61 : vector<1x256xi1> to vector<1x256xi32>
    %sign3A_63 = arith.constant 0 : i32
    %sign3A_64 = vector.broadcast %sign3A_63 : i32 to vector<1x256xi32>
    %sign3A_65 = arith.cmpi slt, %iota3A, %sign3A_64 : vector<1x256xi32>
    %sign3A_66 = arith.extui %sign3A_65 : vector<1x256xi1> to vector<1x256xi32>
    %sign3A_67 = arith.subi %sign3A_62, %sign3A_66 : vector<1x256xi32>
    %sign3A_68 = arith.constant 0 : i32
    %sign3A_69 = arith.cmpi sgt, %jit3A, %sign3A_68 : i32
    %sign3A_70 = arith.extui %sign3A_69 : i1 to i32
    %sign3A_71 = arith.constant 0 : i32
    %sign3A_72 = arith.cmpi slt, %jit3A, %sign3A_71 : i32
    %sign3A_73 = arith.extui %sign3A_72 : i1 to i32
    %sign3A_74 = arith.subi %sign3A_70, %sign3A_73 : i32
    %ne3A = vector.broadcast %sign3A_74 : i32 to vector<1x256xi32>
    %ne3A_75 = arith.cmpi ne, %sign3A_67, %ne3A : vector<1x256xi32>
    %rem3A = vector.broadcast %jit3A : i32 to vector<1x256xi32>
    %rem3A_76 = arith.remsi %iota3A, %rem3A : vector<1x256xi32>
    %ne3A_77 = arith.constant 0 : i32
    %ne3A_78 = vector.broadcast %ne3A_77 : i32 to vector<1x256xi32>
    %ne3A_79 = arith.cmpi ne, %rem3A_76, %ne3A_78 : vector<1x256xi32>
    %and3A = arith.andi %ne3A_75, %ne3A_79 : vector<1x256xi1>
    %sub3A = arith.constant 1 : i32
    %sub3A_80 = vector.broadcast %sub3A : i32 to vector<1x256xi32>
    %sub3A_81 = arith.subi %div3A_59, %sub3A_80 : vector<1x256xi32>
    %select_n3A = arith.select %and3A, %sub3A_81, %div3A_59 : vector<1x256xi1>, vector<1x256xi32>
    %mul3A_82 = arith.constant 16 : i32
    %mul3A_83 = vector.broadcast %mul3A_82 : i32 to vector<1x256xi32>
    %mul3A_84 = arith.muli %select_n3A, %mul3A_83 : vector<1x256xi32>
    %sub3A_85 = arith.subi %iota3A, %mul3A_84 : vector<1x256xi32>
    %get3A_86 = arith.constant 0 : index
    %get3A_87 = memref.load %arg0[%get3A_86] : memref<1xi32, #tpu.memory_space<smem>>
    %eq3A = vector.broadcast %get3A_87 : i32 to vector<1x256xi32>
    %eq3A_88 = arith.cmpi eq, %select_n3A, %eq3A : vector<1x256xi32>
    %eq3A_89 = vector.broadcast %get3A_87 : i32 to vector<1x256xi32>
    %eq3A_90 = arith.cmpi eq, %sub3A_85, %eq3A_89 : vector<1x256xi32>
    %or3A = arith.ori %eq3A_88, %eq3A_90 : vector<1x256xi1>
    %jit3A_91 = arith.constant 1.000000e+00 : f32
    %broadcast_in_dim3A = vector.broadcast %jit3A_91 : f32 to vector<1x256xf32>
    %select_n3A_92 = arith.select %or3A, %broadcast_in_dim3A, %logistic3A_58 : vector<1x256xi1>, vector<1x256xf32>
    %eq3A_93 = arith.cmpi eq, %select_n3A, %sub3A_85 : vector<1x256xi32>
    %jit3A_94 = arith.constant 0.000000e+00 : f32
    %broadcast_in_dim3A_95 = vector.broadcast %jit3A_94 : f32 to vector<1x256xf32>
    %select_n3A_96 = arith.select %eq3A_93, %broadcast_in_dim3A_95, %select_n3A_92 : vector<1x256xi1>, vector<1x256xf32>
    %swap3A_97 = arith.constant 0 : index
    %swap3A_98 = arith.constant 0 : index
    %swap3A_99 = vector.load %arg13[%swap3A_97, %swap3A_98] : memref<1x256xf32, #tpu.memory_space<vmem>>, vector<1x256xf32>
    tpu.vector_store %arg13[%swap3A_97, %swap3A_98], %select_n3A_96 {strides = array<i32>} : memref<1x256xf32, #tpu.memory_space<vmem>>, vector<1x256xf32>,
    return
  }
}

module attributes {stable_mosaic.version = 14 : i64} {
  func.func @_red_body(%arg0: i32, %arg1: memref<2x1024x128xf32, #tpu.memory_space<vmem>>, %arg2: memref<1024x2xf32, #tpu.memory_space<vmem>>, %arg3: memref<1024x1xf32, #tpu.memory_space<vmem>>, %arg4: memref<1024x128xf32, #tpu.memory_space<vmem>>, %arg5: memref<128x256xf32, #tpu.memory_space<vmem>>, %arg6: memref<1x256xf32, #tpu.memory_space<vmem>>, %arg7: memref<1x256xf32, #tpu.memory_space<vmem>>) attributes {dimension_semantics = [#tpu.dimension_semantics<arbitrary>], iteration_bounds = array<i64: 10>, scalar_prefetch = 0 : i64, scratch_operands = 0 : i64, tpu.core_type = #tpu.core_type<tc>, window_params = [{transform_indices = @transform_0, window_bounds = array<i64: 2, 1024, 128>}, {transform_indices = @transform_1, window_bounds = array<i64: 1024, 2>}, {transform_indices = @transform_2, window_bounds = array<i64: 1024, 1>}, {transform_indices = @transform_3, window_bounds = array<i64: 1024, 128>}, {pipeline_mode = #tpu.pipeline_mode<synchronous>, transform_indices = @transform_4, window_bounds = array<i64: 128, 256>}, {pipeline_mode = #tpu.pipeline_mode<synchronous>, transform_indices = @transform_5, window_bounds = array<i64: 1, 256>}, {pipeline_mode = #tpu.pipeline_mode<synchronous>, transform_indices = @transform_6, window_bounds = array<i64: 1, 256>}]} {
    %get3A = arith.constant 0 : index
    %get3A_0 = arith.constant 0 : index
    %get3A_1 = vector.load %arg3[%get3A, %get3A_0] : memref<1024x1xf32, #tpu.memory_space<vmem>>, vector<1024x1xf32>
    %get3A_2 = arith.constant 0 : index
    %get3A_3 = arith.constant 0 : index
    %get3A_4 = arith.constant 0 : index
    %get3A_5 = vector.load %arg1[%get3A_2, %get3A_3, %get3A_4] : memref<2x1024x128xf32, #tpu.memory_space<vmem>>, vector<1x1024x128xf32>
    %get3A_6 = vector.shape_cast %get3A_5 : vector<1x1024x128xf32> to vector<1024x128xf32>
    %get3A_7 = arith.constant 1 : index
    %get3A_8 = arith.constant 0 : index
    %get3A_9 = arith.constant 0 : index
    %get3A_10 = vector.load %arg1[%get3A_7, %get3A_8, %get3A_9] : memref<2x1024x128xf32, #tpu.memory_space<vmem>>, vector<1x1024x128xf32>
    %get3A_11 = vector.shape_cast %get3A_10 : vector<1x1024x128xf32> to vector<1024x128xf32>
    %add3A = arith.addf %get3A_6, %get3A_11 : vector<1024x128xf32>
    %mul3A = vector.broadcast %get3A_1 : vector<1024x1xf32> to vector<1024x128xf32>
    %mul3A_12 = arith.mulf %mul3A, %add3A : vector<1024x128xf32>
    %mul3A_13 = arith.mulf %get3A_1, %get3A_1 : vector<1024x1xf32>
    %get3A_14 = arith.constant 0 : index
    %get3A_15 = arith.constant 0 : index
    %get3A_16 = vector.load %arg4[%get3A_14, %get3A_15] : memref<1024x128xf32, #tpu.memory_space<vmem>>, vector<1024x128xf32>
    %mul3A_17 = vector.broadcast %mul3A_13 : vector<1024x1xf32> to vector<1024x128xf32>
    %mul3A_18 = arith.mulf %mul3A_17, %get3A_16 : vector<1024x128xf32>
    %add3A_19 = arith.addf %mul3A_12, %mul3A_18 : vector<1024x128xf32>
    %get3A_20 = arith.constant 0 : index
    %get3A_21 = arith.constant 0 : index
    %get3A_22 = vector.load %arg5[%get3A_20, %get3A_21] : memref<128x256xf32, #tpu.memory_space<vmem>>, vector<128x256xf32>
    %dot_general3A = arith.constant dense<0.000000e+00> : vector<1024x256xf32>
    %dot_general3A_23 = tpu.matmul %add3A_19, %get3A_22, %dot_general3A {dimension_numbers = #tpu.dot_dimension_numbers<[1], [0], [0], [1], [0, 0, 1, 1], [], []>, transpose_lhs_hint = false} : vector<1024x128xf32>, vector<128x256xf32>, vector<1024x256xf32> -> vector<1024x256xf32>
    %get3A_24 = arith.constant 0 : index
    %get3A_25 = arith.constant 0 : index
    %get3A_26 = vector.load %arg6[%get3A_24, %get3A_25] : memref<1x256xf32, #tpu.memory_space<vmem>>, vector<1x256xf32>
    %add3A_27 = vector.broadcast %get3A_26 : vector<1x256xf32> to vector<1024x256xf32>
    %add3A_28 = arith.addf %dot_general3A_23, %add3A_27 : vector<1024x256xf32>
    %ge3A = arith.constant 0.000000e+00 : f32
    %ge3A_29 = vector.broadcast %ge3A : f32 to vector<1024x256xf32>
    %ge3A_30 = arith.cmpf oge, %add3A_28, %ge3A_29 : vector<1024x256xf32>
    %mul3A_31 = arith.constant 0.00999999977 : f32
    %mul3A_32 = vector.broadcast %mul3A_31 : f32 to vector<1024x256xf32>
    %mul3A_33 = arith.mulf %mul3A_32, %add3A_28 : vector<1024x256xf32>
    %select_n3A = arith.select %ge3A_30, %add3A_28, %mul3A_33 : vector<1024x256xi1>, vector<1024x256xf32>
    %get3A_34 = arith.constant 0 : index
    %get3A_35 = arith.constant 0 : index
    %get3A_36 = vector.load %arg2[%get3A_34, %get3A_35] : memref<1024x2xf32, #tpu.memory_space<vmem>>, vector<1024x1xf32>
    %get3A_37 = arith.constant 0 : index
    %get3A_38 = arith.constant 1 : index
    %get3A_39 = vector.load %arg2[%get3A_37, %get3A_38] : memref<1024x2xf32, #tpu.memory_space<vmem>>, vector<1024x1xf32>
    %add3A_40 = arith.addf %get3A_36, %get3A_39 : vector<1024x1xf32>
    %add3A_41 = arith.addf %add3A_40, %get3A_1 : vector<1024x1xf32>
    %mul3A_42 = arith.mulf %get3A_1, %add3A_41 : vector<1024x1xf32>
    %mul3A_43 = arith.constant 1024 : i32
    %mul3A_44 = arith.muli %arg0, %mul3A_43 : i32
    %iota3A = tpu.iota {dimensions = array<i32: 0>} : vector<1024x1xi32>
    %add3A_45 = vector.broadcast %mul3A_44 : i32 to vector<1024x1xi32>
    %add3A_46 = arith.addi %add3A_45, %iota3A : vector<1024x1xi32>
    %lt3A = arith.constant 10000 : i32
    %lt3A_47 = vector.broadcast %lt3A : i32 to vector<1024x1xi32>
    %lt3A_48 = arith.cmpi slt, %add3A_46, %lt3A_47 : vector<1024x1xi32>
    %jit3A = arith.constant 0.000000e+00 : f32
    %broadcast_in_dim3A = vector.broadcast %jit3A : f32 to vector<1024x1xf32>
    %select_n3A_49 = arith.select %lt3A_48, %mul3A_42, %broadcast_in_dim3A : vector<1024x1xi1>, vector<1024x1xf32>
    %mul3A_50 = vector.broadcast %select_n3A_49 : vector<1024x1xf32> to vector<1024x256xf32>
    %mul3A_51 = arith.mulf %mul3A_50, %select_n3A : vector<1024x256xf32>
    %reduce_sum3A = arith.constant dense<0.000000e+00> : vector<256xf32>
    %reduce_sum3A_52 = vector.multi_reduction <add>, %mul3A_51, %reduce_sum3A [0] : vector<1024x256xf32> to vector<256xf32>
    %broadcast_in_dim3A_53 = vector.shape_cast %reduce_sum3A_52 : vector<256xf32> to vector<1x256xf32>
    %eq3A = arith.constant 0 : i32
    %eq3A_54 = arith.cmpi eq, %arg0, %eq3A : i32
    %convert_element_type3A = arith.extui %eq3A_54 : i1 to i32
    %cond3A = arith.constant 0 : i32
    %cond3A_55 = arith.cmpi ne, %convert_element_type3A, %cond3A : i32
    scf.if %cond3A_55 {
      %swap3A = arith.constant 0 : index
      %swap3A_60 = arith.constant 0 : index
      %swap3A_61 = vector.load %arg7[%swap3A, %swap3A_60] : memref<1x256xf32, #tpu.memory_space<vmem>>, vector<1x256xf32>
      tpu.vector_store %arg7[%swap3A, %swap3A_60], %broadcast_in_dim3A_53 {strides = array<i32>} : memref<1x256xf32, #tpu.memory_space<vmem>>, vector<1x256xf32>,
    } else {
    }
    %gt3A = arith.constant 0 : i32
    %gt3A_56 = arith.cmpi sgt, %arg0, %gt3A : i32
    %convert_element_type3A_57 = arith.extui %gt3A_56 : i1 to i32
    %cond3A_58 = arith.constant 0 : i32
    %cond3A_59 = arith.cmpi ne, %convert_element_type3A_57, %cond3A_58 : i32
    scf.if %cond3A_59 {
      %get3A_60 = arith.constant 0 : index
      %get3A_61 = arith.constant 0 : index
      %get3A_62 = vector.load %arg7[%get3A_60, %get3A_61] : memref<1x256xf32, #tpu.memory_space<vmem>>, vector<1x256xf32>
      %add3A_63 = arith.addf %get3A_62, %broadcast_in_dim3A_53 : vector<1x256xf32>
      %swap3A = arith.constant 0 : index
      %swap3A_64 = arith.constant 0 : index
      %swap3A_65 = vector.load %arg7[%swap3A, %swap3A_64] : memref<1x256xf32, #tpu.memory_space<vmem>>, vector<1x256xf32>
      tpu.vector_store %arg7[%swap3A, %swap3A_64], %add3A_63 {strides = array<i32>} : memref<1x256xf32, #tpu.memory_space<vmem>>, vector<1x256xf32>,
    } else {
    }
    return
  }
  func.func @transform_0(%arg0: i32) -> (i32, i32, i32) {
    %c0_i32 = arith.constant 0 : i32
    %c0_i32_0 = arith.constant 0 : i32
    %c0_i32_1 = arith.constant 0 : i32
    return %c0_i32, %arg0, %c0_i32_0 : i32, i32, i32
  }
  func.func @transform_1(%arg0: i32) -> (i32, i32) {
    %c0_i32 = arith.constant 0 : i32
    %c0_i32_0 = arith.constant 0 : i32
    return %arg0, %c0_i32 : i32, i32
  }
  func.func @transform_2(%arg0: i32) -> (i32, i32) {
    %c0_i32 = arith.constant 0 : i32
    %c0_i32_0 = arith.constant 0 : i32
    return %arg0, %c0_i32 : i32, i32
  }
  func.func @transform_3(%arg0: i32) -> (i32, i32) {
    %c0_i32 = arith.constant 0 : i32
    %c0_i32_0 = arith.constant 0 : i32
    return %arg0, %c0_i32 : i32, i32
  }
  func.func @transform_4(%arg0: i32) -> (i32, i32) {
    %c0_i32 = arith.constant 0 : i32
    %c0_i32_0 = arith.constant 0 : i32
    %c0_i32_1 = arith.constant 0 : i32
    return %c0_i32, %c0_i32_0 : i32, i32
  }
  func.func @transform_5(%arg0: i32) -> (i32, i32) {
    %c0_i32 = arith.constant 0 : i32
    %c0_i32_0 = arith.constant 0 : i32
    %c0_i32_1 = arith.constant 0 : i32
    return %c0_i32, %c0_i32_0 : i32, i32
  }
  func.func @transform_6(%arg0: i32) -> (i32, i32) {
    %c0_i32 = arith.constant 0 : i32
    %c0_i32_0 = arith.constant 0 : i32
    %c0_i32_1 = arith.constant 0 : i32
    return %c0_i32, %c0_i32_0 : i32, i32
  }
}

</mosaic_0001>

<sc_bundles>
// kernel: kernel.10.cloned.1.call-start
scs
__scs_entry_jumppad:
0x0: {  	(pc) =	sbr.rel $0x88, $3  }
0x1: {  	(tag) =	ssettag $0x0;
	lr =	simm.s32 $0x1  }
0x2: {  	[smem:$0x3F91] =	sst lr;
	_ =	strace $0xD0000000  }
0x3: {  	_ = 	snop  }
0x4: {  	_ = 	snop  }
0x5: {  	_ = 	snop  }
0x6: {  	_ = 	snop  }
0x7: {  	_ = 	snop  }
__scs_overlays_trampoline_lowered:
0x8: {  	[smem:$0x3FA0] =	sst s0  }
0x9: {  	[smem:$0x3FA1] =	sst s1  }
0xa: {  	[smem:$0x3FA2] =	sst s2  }
0xb: {  	[smem:$0x3FA3] =	sst s3  }
0xc: {  	[smem:$0x3FA4] =	sst s4  }
0xd: {  	[smem:$0x3FA5] =	sst s5  }
0xe: {  	[smem:$0x3FA6] =	sst s6  }
0xf: {  	[smem:$0x3FA7] =	sst s7  }
0x10: {  	[smem:$0x3FA8] =	sst s8  }
0x11: {  	[smem:$0x3FA9] =	sst s9;
	s0 =	simm.s32 @!p0 $0x0  }
0x12: {  	s1 =	sld [smem:$0x3F8F];
	s0 =	simm.s32 @p0 $0x1  }
0x13: {  	[smem:$0x3FAA] =	sst s0;
	s0 =	simm.s32 @!p1 $0x0  }
0x14: {  	s2 =	sld [smem:$0x3F8E];
	s0 =	simm.s32 @p1 $0x1  }
0x15: {  	[smem:$0x3FAB] =	sst s0;
	s0 =	simm.s32 @!p2 $0x0  }
0x16: {  	s3 =	sld [smem:$0x3FDB];
	s0 =	simm.s32 @p2 $0x1  }
0x17: {  	s4 =	simm.s32 $0x1BF5;
	[smem:$0x3FAD] =	sst s0  }
0x18: {  	s0 =	sld [smem:$0x3F90];
	_ =	swait.ge [sflag:s4], $0x0  }
0x19: {  	s7 =	sld [smem:$0x3F91]  }
0x1a: {  	s8 =	sadd.s32 $0xFFFFE003, lr  }
0x1b: {  	s9 =	sadd.s32 $0xFFFFFEF7, lr;
	s5 =	simm.s32 $0xFFFFFFFF;
	p2 =	slt.u32 s8, $0xFFFFF086  }
0x1c: {  	p1 =	slt.u32 s9, $0xF7A;
	s5 =	simm.s32 @!p2 $0x0  }
0x1d: {  	s5 =	simm.s32 @p1 $0x1;
	p0 =	seq.s32 s7, s2  }
0x1e: {  	s7 =	smul.u32 @!p0 $0xF7A, s2;
	p2 =	seq.s32 @!p0 s5, $0x0  }
0x1f: {  	s9 =	smul.u32 $0xF7A, s1;
	s8 =	simm.s32 @!p0 $0x1BF5;
	p2 =	por !p2, p0  }
0x20: {  	[sflag:s8] =	ssyncset.s32 @!p0 $0xFFFFF086;
	s6 =	sadd.s32 @!p0 s3, s7;
	s7 =	simm.s32 @!p0 $0x108  }
0x21: {  	s3 =	sadd.s32 s3, s9;
	s6 =	sadd.s32 @!p0 $0x88, s6;
	s7 =	simm.s32 @p2 $0x1082  }
0x22: {  	[simem:s7], [sflag:s8] =	dma.local @!p0 [hbm:s6], $0xF7A  }
0x23: {  	s9 =	sor.u32 $0xD0000000, s2;
	s6 =	simm.s32 $0x108;
	_ =	swait.ge @!p0 [sflag:s8], $0x0  }
0x24: {  	s3 =	sadd.s32 $0x88, s3;
	s6 =	simm.s32 @!p1 $0x1082;
	[sflag:s4] =	ssyncset.s32 $0xFFFFF086  }
0x25: {  	[simem:s6], [sflag:s4] =	dma.local [hbm:s3], $0xF7A  }
0x26: {  	[smem:$0x3F91] =	sst s1;
	(tag) =	ssettag s2;
	_ =	strace s9  }
0x27: {  	s1 =	sld [smem:$0x3FA1]  }
0x28: {  	s2 =	sld [smem:$0x3FA2]  }
0x29: {  	s4 =	sld [smem:$0x3FA4]  }
0x2a: {  	p0 =	seq.s32 s5, $0x0;
	s5 =	sld [smem:$0x3FA5]  }
0x2b: {  	s6 =	sld [smem:$0x3FA6]  }
0x2c: {  	s7 =	sld [smem:$0x3FA7]  }
0x2d: {  	s3 =	simm.s32 $0x108;
	s8 =	sld [smem:$0x3FA8]  }
0x2e: {  	s3 =	simm.s32 @!p0 $0x1082;
	s9 =	sld [smem:$0x3FA9]  }
0x2f: {  	lr =	sadd.s32 s0, s3;
	s0 =	sld [smem:$0x3FA0]  }
0x30: {  	s3 =	sld [smem:$0x3FA3]  }
0x31: {  	[smem:$0x3FAC] =	sst s10  }
0x32: {  	s10 =	sld [smem:$0x3FAA];
	_ =	sdelay $0x3  }
0x33: {  	p0 =	seq.s32 s10, $0x1;
	s10 =	sld [smem:$0x3FAC];
	_ =	sdelay $0x3  }
0x34: {  	[smem:$0x3FAC] =	sst s10  }
0x35: {  	s10 =	sld [smem:$0x3FAB];
	_ =	sdelay $0x3  }
0x36: {  	p1 =	seq.s32 s10, $0x1;
	s10 =	sld [smem:$0x3FAC];
	_ =	sdelay $0x3  }
0x37: {  	[smem:$0x3FAC] =	sst s10  }
0x38: {  	s10 =	sld [smem:$0x3FAD]  }
0x39: {  	_ = 	snop;
	(pc) =	sbr.ind lr, $3  }
0x3a: {  	_ = 	snop  }
0x3b: {  	_ = 	snop  }
0x3c: {  	p2 =	seq.s32 s10, $0x1;
	s10 =	sld [smem:$0x3FAC]  }
0x3d: {  	_ =	shalt  }
0x3e: {  	_ =	shalt  }
0x3f: {  	_ =	shalt  }
0x40: {  	_ =	shalt  }
0x41: {  	_ =	shalt  }
0x42: {  	_ =	shalt  }
0x43: {  	_ =	shalt  }
0x44: {  	_ =	shalt  }
0x45: {  	_ =	shalt  }
0x46: {  	_ =	shalt  }
0x47: {  	_ =	shalt  }
0x48: {  	_ =	shalt  }
0x49: {  	_ =	shalt  }
0x4a: {  	_ =	shalt  }
0x4b: {  	_ =	shalt  }
0x4c: {  	_ =	shalt  }
0x4d: {  	_ =	shalt  }
0x4e: {  	_ =	shalt  }
0x4f: {  	_ =	shalt  }
0x50: {  	_ =	shalt  }
0x51: {  	_ =	shalt  }
0x52: {  	_ =	shalt  }
0x53: {  	_ =	shalt  }
0x54: {  	_ =	shalt  }
0x55: {  	_ =	shalt  }
0x56: {  	_ =	shalt  }
0x57: {  	_ =	shalt  }
0x58: {  	_ =	shalt  }
0x59: {  	_ =	shalt  }
0x5a: {  	_ =	shalt  }
0x5b: {  	_ =	shalt  }
0x5c: {  	_ =	shalt  }
0x5d: {  	_ =	shalt  }
0x5e: {  	_ =	shalt  }
0x5f: {  	_ =	shalt  }
0x60: {  	_ =	shalt  }
0x61: {  	_ =	shalt  }
0x62: {  	_ =	shalt  }
0x63: {  	_ =	shalt  }
0x64: {  	_ =	shalt  }
0x65: {  	_ =	shalt  }
0x66: {  	_ =	shalt  }
0x67: {  	_ =	shalt  }
0x68: {  	_ =	shalt  }
0x69: {  	_ =	shalt  }
0x6a: {  	_ =	shalt  }
0x6b: {  	_ =	shalt  }
0x6c: {  	_ =	shalt  }
0x6d: {  	_ =	shalt  }
0x6e: {  	_ =	shalt  }
0x6f: {  	_ =	shalt  }
0x70: {  	_ =	shalt  }
0x71: {  	_ =	shalt  }
0x72: {  	_ =	shalt  }
0x73: {  	_ =	shalt  }
0x74: {  	_ =	shalt  }
0x75: {  	_ =	shalt  }
0x76: {  	_ =	shalt  }
0x77: {  	_ =	shalt  }
0x78: {  	_ =	shalt  }
0x79: {  	_ =	shalt  }
0x7a: {  	_ =	shalt  }
0x7b: {  	_ =	shalt  }
0x7c: {  	_ =	shalt  }
0x7d: {  	_ =	shalt  }
0x7e: {  	_ =	shalt  }
0x7f: {  	_ =	shalt  }
0x80: {  	_ =	shalt  }
0x81: {  	_ =	shalt  }
0x82: {  	_ =	shalt  }
0x83: {  	_ =	shalt  }
0x84: {  	_ =	shalt  }
0x85: {  	_ =	shalt  }
0x86: {  	_ =	shalt  }
0x87: {  	_ =	shalt  }
.Lfunc_end0:
.L_simem_size_0:
called_computation.1_lowered:
.L_overlay_start_0:
0x88: {  	s2 =	sld [smem:$0x3FD9]  }
0x89: {  	s3 =	sld [smem:$0x3FFE];
	_ =	sdelay $0x1  }
0x8a: {  	s1 =	srdreg.scid  }
0x8b: {  	s0 =	sand.u32 $0x1, s1  }
0x8c: {  	s14 =	sshll.u32 s0, $0xA;
	s2 =	sadd.s32 s3, s2  }
0x8d: {  	s2 =	sadd.s32 s2, s14  }
0x8e: {  	[smem:$0x3FB8] =	sst s2  }
0x8f: {  	_ = 	snop  }
0x90: {  	s2 =	sld [smem:$0x3FD0];
	_ =	sdelay $0x2  }
0x91: {  	s15 =	simm.s32 $0xA;
	s4 =	simm.s32 $0x10  }
0x92: {  	[smem:s4], [sflag:s15] =	dma.local [hbm:s2], $0x1  }
0x93: {  	_ =	swait.eq [sflag:s15], $0x1  }
0x94: {  	[sflag:s15] =	ssyncset.done $0x0  }
0x95: {  	[sflag:s15] =	ssyncadd.s32 $0xFFFFFFFF  }
0x96: {  	s16 =	sld [smem:$0x10];
	(tm) =	ssettm $0x1  }
0x97: {  	s17 =	sld [smem:$0x3FFB];
	_ =	sdelay $0x3  }
0x98: {  	_ =	strace s17  }
0x99: {  	s3 =	sld [smem:$0x3FFC];
	_ =	sdelay $0x3  }
0x9a: {  	_ =	strace s3  }
0x9b: {  	s3 =	sld [smem:$0x3FFD];
	_ =	sdelay $0x3  }
0x9c: {  	_ =	strace s3  }
0x9d: {  	_ =	strace $0x8FFFFFFF  }
0x9e: {  	s18 =	sld [smem:$0x3FDB];
	_ =	sdelay $0x1  }
0x9f: {  	s19 =	simm.s32 $_scs_section_size  }
0xa0: {  	s5 =	simm.s32 $_size__tile_overlayer_lowered;
	s6 =	simm.s32 $_tile_overlayer_lowered  }
0xa1: {  	s22 =	simm.s32 $0x1BFF;
	s21 =	sshll.u32 s6, $0x1;
	s3 =	sadd.s32 s19, s18  }
0xa2: {  	s7 =	simm.s32 $0x0;
	s20 =	sshll.u32 s5, $0x1;
	s5 =	sadd.s32 s21, s3  }
0xa3: {  	[timem:s7], [sflag:s22] =	dma.local [hbm:s5], s20  }
0xa4: {  	_ =	swait.ge [sflag:s22], s20  }
0xa5: {  	s4 =	ssub.s32 $0x0, s20;
	[sflag:s22] =	ssyncset.done $0x0  }
0xa6: {  	[sflag:s22] =	ssyncadd.s32 s4;
	_ =	sdelay $0x1  }
0xa7: {  	s23 =	simm.s32 $0x1B8B  }
0xa8: {  	_ =	swait.ge [sflag:s23], $0x1  }
0xa9: {  	[sflag:s23] =	ssyncset.done $0x0  }
0xaa: {  	s25 =	simm.s32 $0x1B8E;
	s24 =	sld [smem:$0x3FFE];
	[sflag:s23] =	ssyncadd.s32 $0xFFFFFFFF  }
0xab: {  	s26 =	simm.s32 $execute0_lowered;
	[smem:$0x3FD2] =	sst s25  }
0xac: {  	s5 =	sshll.u32 s26, $0x1;
	_ =	strace $0x80000049;
	[dreg:$0x1] =	wrdreg $0xFFFFFFFF  }
0xad: {  	s28 =	simm.s32 $_size_execute0_lowered;
	s3 =	sadd.s32 s3, s5;
	[dreg:$0x0] =	wrdreg $0x0  }
0xae: {  	s5 =	sshll.u32 s28, $0x1;
	[dreg:$0x2] =	wrdreg s3  }
0xaf: {  	[dreg:$0x3] =	wrdreg s5  }
0xb0: {  	[dreg:$0x4] =	wrdreg $0xC0  }
0xb1: {  	_ =	task [dreg:s7], $0x5FFFF  }
0xb2: {  	[dreg:$0x1] =	wrdreg $0xFFFFFFFF  }
0xb3: {  	[dreg:$0x0] =	wrdreg $0x60  }
0xb4: {  	[dreg:$0x2] =	wrdreg s16  }
0xb5: {  	[dreg:$0x3] =	wrdreg s24  }
0xb6: {  	[dreg:$0x4] =	wrdreg $0x8A000  }
0xb7: {  	[dreg:$0x5] =	wrdreg $0x87800  }
0xb8: {  	[dreg:$0x6] =	wrdreg $0x1CA000  }
0xb9: {  	[dreg:$0x7] =	wrdreg $0x9  }
0xba: {  	_ =	task.clear_ibuf [dreg:s7], $0x8FFFF;
	_ =	strace $0x90000049  }
0xbb: {  	s29 =	simm.s32 $0x9;
	_ =	strace $0x8000004B  }
0xbc: {  	_ =	swait.ge [sflag:s29], $0x1  }
0xbd: {  	[sflag:s29] =	ssyncadd.s32 $0xFFFFFFFF  }
0xbe: {  	_ =	strace $0x9000004B  }
0xbf: {  	_ =	sfence  }
0xc0: {  	s30 =	sld [smem:$0x0];
	_ =	sdelay $0x2  }
0xc1: {  	s31 =	sshll.u32 s1, $0xD;
	s1 =	sshrl.u32 s1, $0x2  }
0xc2: {  	s3 =	sand.u32 $0x4000, s31;
	s1 =	sadd.s32 s1, s30  }
0xc3: {  	s0 =	sor.u32 s3, s0;
	s1 =	sshll.u32 s1, $0x11  }
0xc4: {  	s0 =	sor.u32 s1, s0  }
0xc5: {  	s0 =	sadd.s32 $0x8F2B, s0  }
0xc6: {  	[sflag:s0] =	ssyncadd.remote.s32 $0x1  }
0xc7: {  	_ =	sfence.sel $0xFFFF  }
0xc8: {  	[dreg:$0x0] =	wrdreg $0xFFFFFFFF;
	(pc) =	sbr.abs _section_cstart, $3  }
0xc9: {  	[dreg:$0x1] =	wrdreg $0xFFFFFFFF  }
0xca: {  	_ =	task.clear_ibuf [dreg:s7], $0x2FFFF;
	_ =	strace $0x9FFFFFFF  }
0xcb: {  	(tm) =	ssettm $0x7FFFFFFF  }
tec
execute0_lowered:
.L_overlay_start_1:
0x0: {  	(tag) =	ssettag $0x1  }
0x1: {  	s0 =	rddreg [dreg:$0x0]  }
0x2: {  	s1 =	rddreg [dreg:$0x1]  }
0x3: {  	s2 =	rddreg [dreg:$0x2]  }
0x4: {  	s3 =	rddreg [dreg:$0x3]  }
0x5: {  	s4 =	rddreg [dreg:$0x4]  }
0x6: {  	s15 =	stileid.u32;
	s6 =	srdreg.scid  }
0x7: {  	s5 =	simm.s32 $0x0;
	s29 =	simm.s32 $0x1;
	s30 =	simm.s32 $0x80  }
0x8: {  	s31 =	simm.s32 $0x200;
	s28 =	simm.s32 $0x4;
	s7 =	smul.u32 $0x280, s15  }
0x9: {  	s8 =	sand.u32 $0x1, s6;
	[smem:$0x7FF] =	sst s5;
	s11 =	smul.u32 $0x14000, s15  }
0xa: {  	s6 =	sadd.s32 $0x3A00, s1;
	s12 =	smul.u32 $0x500, s15;
	s13 =	sadd.s32 $0x2C000, s1  }
0xb: {  	s19 =	sadd.s32 $0x3800, s1;
	s24 =	smul.u32 $0x50000, s15;
	s25 =	sshll.u32 s15, $0x6  }
0xc: {  	s26 =	smul.u32 $0x50, s15;
	_ =	strace $0x8000004A;
	[dreg:$0x6] =	wrdreg s13  }
0xd: {  	s9 =	smul.u32 $0x140000, s8;
	s18 =	sshll.u32 s8, $0x7;
	[dreg:$0x7] =	wrdreg s19  }
0xe: {  	s20 =	ssub.s32 $0x2, s8;
	s22 =	sshll.u32 s8, $0x4;
	s8 =	smul.u32 $0x500, s8  }
0xf: {  	s10 =	sshrl.u32 s7, $0x3;
	s21 =	sshrl.u32 s20, $0x1;
	s23 =	sor.u32 s15, s22  }
0x10: {  	s14 =	sadd.s32 s7, s3;
	s13 =	sshrl.u32 s24, $0x2;
	s24 =	sor.u32 $0x1C09, s25  }
0x11: {  	s10 =	sadd.s32 s10, s1;
	s9 =	sadd.s32 s11, s9;
	s11 =	sor.u32 s18, s12  }
0x12: {  	s12 =	smul.u32 $0xA00, s23;
	s16 =	sadd.s32 s13, s2;
	s8 =	sadd.s32 s26, s8  }
0x13: {  	s26 =	sshrl.u32 s14, $0x3;
	s13 =	simm.s32 $0x380;
	[dreg:$0x9] =	wrdreg s24  }
0x14: {  	s14 =	simm.s32 $0x480;
	s9 =	sshrl.u32 s9, $0x3;
	[dreg:$0xa] =	wrdreg s16  }
0x15: {  	s11 =	sshrl.u32 s11, $0x3;
	s10 =	sadd.s32 $0x2BA00, s10;
	[dreg:$0x15] =	wrdreg s26  }
0x16: {  	s15 =	sadd.s32 $0x4000, s16;
	s17 =	sadd.s32 $0x8000, s16;
	[dreg:$0x8] =	wrdreg s10  }
0x17: {  	s18 =	sadd.s32 $0xC000, s16;
	s19 =	sadd.s32 $0x10000, s16;
	[dreg:$0xb] =	wrdreg s15  }
0x18: {  	s22 =	sshll.u32 s8, $0x5;
	s26 =	simm.s32 $0x500;
	[dreg:$0xc] =	wrdreg s17  }
0x19: {  	s8 =	simm.s32 $0x2;
	s9 =	sadd.s32 s9, s1;
	[dreg:$0xd] =	wrdreg s18  }
0x1a: {  	s1 =	sadd.s32 s11, s1;
	s11 =	ssub.s32 s20, s21;
	[dreg:$0xe] =	wrdreg s19  }
0x1b: {  	s20 =	sadd.s32 s0, s12;
	s17 =	sadd.s32 s7, s4;
	s0 =	sadd.s32 s22, s0  }
0x1c: {  	s7 =	simm.s32 $0x100;
	s12 =	simm.s32 $0x4500;
	s15 =	simm.s32 $0x5  }
0x1d: {  	s18 =	simm.s32 $0x3;
	s19 =	simm.s32 $0x7;
	[dreg:$0xf] =	wrdreg s20  }
0x1e: {  	s21 =	sadd.s32 $0x20, s20;
	s23 =	sadd.s32 $0x2D200, s9;
	[dreg:$0x10] =	wrdreg s17  }
0x1f: {  	s1 =	sadd.s32 $0x2C800, s1;
	s25 =	smax.u32 s11, $0x1;
	[dreg:$0x11] =	wrdreg s21  }
0x20: {  	s22 =	sadd.s32 $0x60, s0;
	s9 =	simm.s32 $0x300;
	[dreg:$0x12] =	wrdreg s23  }
0x21: {  	s20 =	simm.s32 $0x6;
	s11 =	simm.s32 $0x0;
	[dreg:$0x13] =	wrdreg s1  }
0x22: {  	[dreg:$0x14] =	wrdreg s25;
	s23 =	sadd.s32 $0x40, s0;
	s25 =	simm.s32 $0x9  }
0x23: {  	s0 =	simm.s32 $0x280;
	s1 =	simm.s32 $0x400;
	s21 =	simm.s32 $0x8  }
.LBB2_1:
0x24: {  	[dreg:$0x16] =	wrdreg s11  }
0x25: {  	s10 =	rddreg [dreg:$0x8]  }
0x26: {  	s24 =	smov.u32 s24;
	s16 =	rddreg [dreg:$0x15]  }
0x27: {  	[spmem:s16], [sflag:s24] =	dma.local [hbm:s10], $0x50  }
0x28: {  	_ =	swait.ge [sflag:s25], $0x50  }
0x29: {  	[sflag:s25] =	ssyncset.done $0x0  }
0x2a: {  	s16 =	rddreg [dreg:$0x6];
	[sflag:s25] =	ssyncadd.s32 $0xFFFFFFB0  }
0x2b: {  	[tilespmem:s26], [sflag:$0x9] =	stream.linear.gather [hbm4b:s16+s5], $0x4000, $0x38;
	[tilespmem:$0x1CC80] =	vst v63  }
0x2c: {  	_ =	swait.ge [sflag:s25], $0x4000  }
0x2d: {  	[sflag:s25] =	ssyncset.done $0x0  }
0x2e: {  	s16 =	simm.s32 $0x8500;
	s24 =	rddreg [dreg:$0x7];
	[sflag:s25] =	ssyncadd.s32 $0xFFFFC000  }
0x2f: {  	[tilespmem:s16], [sflag:$0x9] =	stream.linear.gather [hbm4b:s24+s5], $0x280, $0x38;
	[tilespmem:$0x1CC80] =	vst v63  }
0x30: {  	_ =	swait.ge [sflag:s25], $0x280  }
0x31: {  	[sflag:s25] =	ssyncset.done $0x0  }
0x32: {  	s11 =	rddreg [dreg:$0xa];
	[sflag:s25] =	ssyncadd.s32 $0xFFFFFD80  }
0x33: {  	[spmem:s11] =	stream.linear.scatter [tilespmem:s26], [sflag:$0x9], $0x4000, $0x38;
	[tilespmem:$0x1CC80] =	vst v63  }
0x34: {  	_ =	swait.ge [sflag:s25], $0x4000  }
0x35: {  	[sflag:s25] =	ssyncset.done $0x0  }
0x36: {  	s24 =	rddreg [dreg:$0xb];
	[sflag:s25] =	ssyncadd.s32 $0xFFFFC000  }
0x37: {  	[spmem:s24] =	stream.linear.scatter [tilespmem:s26], [sflag:$0x9], $0x4000, $0x38;
	[tilespmem:$0x1CC80] =	vst v63  }
0x38: {  	_ =	swait.ge [sflag:s25], $0x4000  }
0x39: {  	[sflag:s25] =	ssyncset.done $0x0  }
0x3a: {  	s11 =	rddreg [dreg:$0xc];
	[sflag:s25] =	ssyncadd.s32 $0xFFFFC000  }
0x3b: {  	[spmem:s11] =	stream.linear.scatter [tilespmem:s26], [sflag:$0x9], $0x4000, $0x38;
	[tilespmem:$0x1CC80] =	vst v63  }
0x3c: {  	_ =	swait.ge [sflag:s25], $0x4000  }
0x3d: {  	[sflag:s25] =	ssyncset.done $0x0  }
0x3e: {  	s24 =	rddreg [dreg:$0xd];
	[sflag:s25] =	ssyncadd.s32 $0xFFFFC000  }
0x3f: {  	[spmem:s24] =	stream.linear.scatter [tilespmem:s26], [sflag:$0x9], $0x4000, $0x38;
	[tilespmem:$0x1CC80] =	vst v63  }
0x40: {  	_ =	swait.ge [sflag:s25], $0x4000  }
0x41: {  	[sflag:s25] =	ssyncset.done $0x0  }
0x42: {  	s11 =	rddreg [dreg:$0xe];
	[sflag:s25] =	ssyncadd.s32 $0xFFFFC000  }
0x43: {  	[spmem:s11] =	stream.linear.scatter [tilespmem:s26], [sflag:$0x9], $0x4000, $0x38;
	[tilespmem:$0x1CC80] =	vst v63  }
0x44: {  	_ =	swait.ge [sflag:s25], $0x4000  }
0x45: {  	[sflag:s25] =	ssyncset.done $0x0  }
0x46: {  	[sflag:s25] =	ssyncadd.s32 $0xFFFFC000  }
0x47: {  	[spmem:s17] =	stream.linear.scatter [tilespmem:s16], [sflag:$0x9], $0x280, $0x38;
	[tilespmem:$0x1CC80] =	vst v63  }
0x48: {  	_ =	swait.ge [sflag:s25], $0x280  }
0x49: {  	[sflag:s25] =	ssyncset.done $0x0  }
0x4a: {  	[sflag:s25] =	ssyncadd.s32 $0xFFFFFD80  }
0x4b: {  	[bflag:$0x0] =	sbarrier.arrive $0xFFFF  }
0x4c: {  	s16 =	rddreg [dreg:$0xf]  }
0x4d: {  	[tilespmem:s5], [sflag:$0x1] =	stream.linear.gather [hbm4b:s16+s5], $0x100, $0x38;
	[tilespmem:$0x1CC80] =	vst v63  }
0x4e: {  	_ =	swait.ge [sflag:s29], $0x100  }
0x4f: {  	[sflag:s29] =	ssyncset.done $0x0  }
0x50: {  	[sflag:s29] =	ssyncadd.s32 $0xFFFFFF00  }
0x51: {  	v0 =	vld [tilespmem:$0x0]  }
0x52: {  	v1 =	vld [tilespmem:$0x80]  }
0x53: {  	v2 =	vld [tilespmem:$0x10]  }
0x54: {  	v3 =	vld [tilespmem:$0x90]  }
0x55: {  	v4 =	vld [tilespmem:$0x20]  }
0x56: {  	[tilespmem:$0x200] =	vst v0;
	v0 =	vld [tilespmem:$0xA0]  }
0x57: {  	[tilespmem:$0x280] =	vst v1;
	v1 =	vld [tilespmem:$0x30]  }
0x58: {  	[tilespmem:$0x210] =	vst v2;
	v2 =	vld [tilespmem:$0xB0]  }
0x59: {  	[tilespmem:$0x290] =	vst v3;
	v3 =	vld [tilespmem:$0x40]  }
0x5a: {  	[tilespmem:$0x220] =	vst v4;
	v4 =	vld [tilespmem:$0xC0]  }
0x5b: {  	[tilespmem:$0x2A0] =	vst v0;
	v0 =	vld [tilespmem:$0x50]  }
0x5c: {  	[tilespmem:$0x230] =	vst v1;
	v1 =	vld [tilespmem:$0xD0]  }
0x5d: {  	[tilespmem:$0x2B0] =	vst v2;
	v2 =	vld [tilespmem:$0x60]  }
0x5e: {  	[tilespmem:$0x240] =	vst v3;
	v3 =	vld [tilespmem:$0xE0]  }
0x5f: {  	[tilespmem:$0x2C0] =	vst v4;
	v4 =	vld [tilespmem:$0x70]  }
0x60: {  	[tilespmem:$0x250] =	vst v0;
	v0 =	vld [tilespmem:$0xF0]  }
0x61: {  	[tilespmem:$0x2D0] =	vst v1  }
0x62: {  	[tilespmem:$0x260] =	vst v2  }
0x63: {  	[tilespmem:$0x2E0] =	vst v3  }
0x64: {  	[tilespmem:$0x270] =	vst v4  }
0x65: {  	[tilespmem:$0x2F0] =	vst v0  }
0x66: {  	[tilespmem:s26], [sflag:$0x3] =	stream.indirect.gather [hbm4b:s6+s30], $0x80, s31, s30, $0xb8;
	[tilespmem:$0x1CC80] =	vst v63  }
0x67: {  	_ = 	snop  }
0x68: {  	[tilespmem:s1], [sflag:$0x5] =	stream.indirect.gather [spmem:s3], $0x1, s0, s30, $0xb8;
	[tilespmem:$0x1CC80] =	vst v63  }
0x69: {  	s17 =	rddreg [dreg:$0x11]  }
0x6a: {  	[tilespmem:s7], [sflag:$0x2] =	stream.linear.gather [hbm4b:s17+s5], $0x100, $0x38;
	[tilespmem:$0x1CC80] =	vst v63  }
0x6b: {  	_ =	swait.ge [sflag:s8], $0x100  }
0x6c: {  	[sflag:s8] =	ssyncset.done $0x0  }
0x6d: {  	[sflag:s8] =	ssyncadd.s32 $0xFFFFFF00  }
0x6e: {  	v0 =	vld [tilespmem:$0x1F0]  }
0x6f: {  	v1 =	vld [tilespmem:$0x1E0]  }
0x70: {  	v2 =	vld [tilespmem:$0x170]  }
0x71: {  	v3 =	vld [tilespmem:$0x1D0]  }
0x72: {  	v4 =	vld [tilespmem:$0x160]  }
0x73: {  	v5 =	vld [tilespmem:$0x1C0];
	[tilespmem:$0x3F0] =	vst v0  }
0x74: {  	v0 =	vld [tilespmem:$0x150];
	[tilespmem:$0x3E0] =	vst v1  }
0x75: {  	v1 =	vld [tilespmem:$0x1B0];
	[tilespmem:$0x370] =	vst v2  }
0x76: {  	v2 =	vld [tilespmem:$0x140];
	[tilespmem:$0x3D0] =	vst v3  }
0x77: {  	v3 =	vld [tilespmem:$0x1A0];
	[tilespmem:$0x360] =	vst v4  }
0x78: {  	v4 =	vld [tilespmem:$0x130];
	[tilespmem:$0x3C0] =	vst v5  }
0x79: {  	v5 =	vld [tilespmem:$0x190];
	[tilespmem:$0x350] =	vst v0  }
0x7a: {  	v0 =	vld [tilespmem:$0x120];
	[tilespmem:$0x3B0] =	vst v1  }
0x7b: {  	v1 =	vld [tilespmem:$0x100];
	[tilespmem:$0x340] =	vst v2  }
0x7c: {  	v2 =	vld [tilespmem:$0x110];
	[tilespmem:$0x3A0] =	vst v3  }
0x7d: {  	v3 =	vld [tilespmem:$0x180];
	[tilespmem:$0x330] =	vst v4  }
0x7e: {  	[tilespmem:$0x390] =	vst v5  }
0x7f: {  	[tilespmem:$0x320] =	vst v0  }
0x80: {  	[tilespmem:$0x300] =	vst v1  }
0x81: {  	[tilespmem:$0x310] =	vst v2  }
0x82: {  	[tilespmem:$0x380] =	vst v3  }
0x83: {  	[tilespmem:s12], [sflag:$0x4] =	stream.indirect.gather [hbm4b:s6+s30], $0x80, s9, s30, $0xb8;
	[tilespmem:$0x1CC80] =	vst v63  }
0x84: {  	_ = 	snop  }
0x85: {  	[tilespmem:s14], [sflag:$0x6] =	stream.indirect.gather [spmem:s3], $0x1, s13, s30, $0xb8;
	[tilespmem:$0x1CC80] =	vst v63  }
0x86: {  	_ =	swait.ge [sflag:s15], $0x80  }
0x87: {  	[sflag:s15] =	ssyncset.done $0x0  }
0x88: {  	[sflag:s15] =	ssyncadd.s32 $0xFFFFFF80  }
0x89: {  	[spmem:s4] =	stream.indirect.scatter.add.f32 [tilespmem:s1], [sflag:$0x7], $0x1, s31, s30, $0xb8;
	[tilespmem:$0x1CC80] =	vst v63  }
0x8a: {  	_ =	swait.ge [sflag:s18], $0x4000  }
0x8b: {  	[sflag:s18] =	ssyncset.done $0x0  }
0x8c: {  	[sflag:s18] =	ssyncadd.s32 $0xFFFFC000  }
0x8d: {  	[spmem:s2] =	stream.indirect.scatter.add.f32 [tilespmem:s26], [sflag:$0x9], $0x80, s0, s30, $0xb8;
	[tilespmem:$0x1CC80] =	vst v63  }
0x8e: {  	_ =	swait.ge [sflag:s25], $0x4000  }
0x8f: {  	[sflag:s25] =	ssyncset.done $0x0  }
0x90: {  	[sflag:s25] =	ssyncadd.s32 $0xFFFFC000  }
0x91: {  	_ =	swait.ge [sflag:s19], $0x80  }
0x92: {  	[sflag:s19] =	ssyncset.done $0x0  }
0x93: {  	s24 =	sadd.s32 $0x0, s23;
	[sflag:s19] =	ssyncadd.s32 $0xFFFFFF80  }
0x94: {  	[tilespmem:s5], [sflag:$0x1] =	stream.linear.gather [hbm4b:s24+s5], $0x100, $0x38;
	[tilespmem:$0x1CC80] =	vst v63  }
0x95: {  	_ =	swait.ge [sflag:s29], $0x100  }
0x96: {  	[sflag:s29] =	ssyncset.done $0x0  }
0x97: {  	[sflag:s29] =	ssyncadd.s32 $0xFFFFFF00  }
0x98: {  	v0 =	vld [tilespmem:$0x0]  }
0x99: {  	v2 =	vld [tilespmem:$0xF0]  }
0x9a: {  	v5 =	vld [tilespmem:$0xE0]  }
0x9b: {  	v4 =	vld [tilespmem:$0x60]  }
0x9c: {  	v3 =	vld [tilespmem:$0x20]  }
0x9d: {  	v1 =	vld [tilespmem:$0x50];
	[tilespmem:$0x200] =	vst v0  }
0x9e: {  	v0 =	vld [tilespmem:$0xD0];
	[tilespmem:$0x2F0] =	vst v2  }
0x9f: {  	s16 =	simm.s32 $0x0;
	s17 =	simm.s32 $0x40;
	v2 =	vld [tilespmem:$0x80];
	[tilespmem:$0x2E0] =	vst v5  }
.LBB2_2:
0xa0: {  	p0 =	sne.s32 s17, $0x980;
	v5 =	vld [tilespmem:$0xC0];
	[tilespmem:$0x260] =	vst v4;
	s11 =	smov.u32 s17;
	s17 =	sadd.s32 $0x40, s17  }
0xa1: {  	[tilespmem:$0x220] =	vst v3;
	v3 =	vld [tilespmem:$0x40]  }
0xa2: {  	v4 =	vld [tilespmem:$0x30];
	[tilespmem:$0x250] =	vst v1  }
0xa3: {  	v1 =	vld [tilespmem:$0x90];
	[tilespmem:$0x2D0] =	vst v0  }
0xa4: {  	[tilespmem:$0x280] =	vst v2;
	v0 =	vld [tilespmem:$0xA0]  }
0xa5: {  	v2 =	vld [tilespmem:$0x10];
	[tilespmem:$0x2C0] =	vst v5  }
0xa6: {  	v5 =	vld [tilespmem:$0xB0];
	[tilespmem:$0x240] =	vst v3  }
0xa7: {  	[tilespmem:$0x230] =	vst v4;
	v3 =	vld [tilespmem:$0x70]  }
0xa8: {  	[tilespmem:$0x290] =	vst v1  }
0xa9: {  	[tilespmem:$0x2A0] =	vst v0  }
0xaa: {  	[tilespmem:$0x210] =	vst v2  }
0xab: {  	[tilespmem:$0x2B0] =	vst v5  }
0xac: {  	[tilespmem:$0x270] =	vst v3  }
0xad: {  	[tilespmem:s26], [sflag:$0x3] =	stream.indirect.gather [hbm4b:s6+s30], $0x80, s31, s30, $0xb8;
	[tilespmem:$0x1CC80] =	vst v63  }
0xae: {  	_ = 	snop  }
0xaf: {  	[tilespmem:s1], [sflag:$0x5] =	stream.indirect.gather [spmem:s3], $0x1, s0, s30, $0xb8;
	[tilespmem:$0x1CC80] =	vst v63  }
0xb0: {  	_ =	swait.ge [sflag:s20], $0x80  }
0xb1: {  	[sflag:s20] =	ssyncset.done $0x0  }
0xb2: {  	[sflag:s20] =	ssyncadd.s32 $0xFFFFFF80  }
0xb3: {  	[spmem:s4] =	stream.indirect.scatter.add.f32 [tilespmem:s14], [sflag:$0x8], $0x1, s9, s30, $0xb8;
	[tilespmem:$0x1CC80] =	vst v63  }
0xb4: {  	_ =	swait.ge [sflag:s28], $0x4000  }
0xb5: {  	[sflag:s28] =	ssyncset.done $0x0  }
0xb6: {  	[sflag:s28] =	ssyncadd.s32 $0xFFFFC000  }
0xb7: {  	[spmem:s2] =	stream.indirect.scatter.add.f32 [tilespmem:s12], [sflag:$0x9], $0x80, s13, s30, $0xb8;
	[tilespmem:$0x1CC80] =	vst v63  }
0xb8: {  	_ =	swait.ge [sflag:s25], $0x4000  }
0xb9: {  	[sflag:s25] =	ssyncset.done $0x0  }
0xba: {  	[sflag:s25] =	ssyncadd.s32 $0xFFFFC000  }
0xbb: {  	_ =	swait.ge [sflag:s21], $0x80  }
0xbc: {  	[sflag:s21] =	ssyncset.done $0x0  }
0xbd: {  	s10 =	sadd.s32 s16, s22;
	s16 =	smov.u32 s11;
	[sflag:s21] =	ssyncadd.s32 $0xFFFFFF80  }
0xbe: {  	[tilespmem:s7], [sflag:$0x2] =	stream.linear.gather [hbm4b:s10+s5], $0x100, $0x38;
	[tilespmem:$0x1CC80] =	vst v63  }
0xbf: {  	_ =	swait.ge [sflag:s8], $0x100  }
0xc0: {  	[sflag:s8] =	ssyncset.done $0x0  }
0xc1: {  	[sflag:s8] =	ssyncadd.s32 $0xFFFFFF00  }
0xc2: {  	v0 =	vld [tilespmem:$0x1F0]  }
0xc3: {  	v1 =	vld [tilespmem:$0x1E0]  }
0xc4: {  	v2 =	vld [tilespmem:$0x170]  }
0xc5: {  	v3 =	vld [tilespmem:$0x1D0]  }
0xc6: {  	v4 =	vld [tilespmem:$0x160]  }
0xc7: {  	v5 =	vld [tilespmem:$0x1C0];
	[tilespmem:$0x3F0] =	vst v0  }
0xc8: {  	v0 =	vld [tilespmem:$0x150];
	[tilespmem:$0x3E0] =	vst v1  }
0xc9: {  	v1 =	vld [tilespmem:$0x1B0];
	[tilespmem:$0x370] =	vst v2  }
0xca: {  	v2 =	vld [tilespmem:$0x140];
	[tilespmem:$0x3D0] =	vst v3  }
0xcb: {  	v3 =	vld [tilespmem:$0x1A0];
	[tilespmem:$0x360] =	vst v4  }
0xcc: {  	v4 =	vld [tilespmem:$0x130];
	[tilespmem:$0x3C0] =	vst v5  }
0xcd: {  	v5 =	vld [tilespmem:$0x190];
	[tilespmem:$0x350] =	vst v0  }
0xce: {  	v0 =	vld [tilespmem:$0x120];
	[tilespmem:$0x3B0] =	vst v1  }
0xcf: {  	v1 =	vld [tilespmem:$0x100];
	[tilespmem:$0x340] =	vst v2  }
0xd0: {  	v2 =	vld [tilespmem:$0x110];
	[tilespmem:$0x3A0] =	vst v3  }
0xd1: {  	v3 =	vld [tilespmem:$0x180];
	[tilespmem:$0x330] =	vst v4  }
0xd2: {  	[tilespmem:$0x390] =	vst v5  }
0xd3: {  	[tilespmem:$0x320] =	vst v0  }
0xd4: {  	[tilespmem:$0x300] =	vst v1  }
0xd5: {  	[tilespmem:$0x310] =	vst v2  }
0xd6: {  	[tilespmem:$0x380] =	vst v3  }
0xd7: {  	[tilespmem:s12], [sflag:$0x4] =	stream.indirect.gather [hbm4b:s6+s30], $0x80, s9, s30, $0xb8;
	[tilespmem:$0x1CC80] =	vst v63  }
0xd8: {  	_ = 	snop  }
0xd9: {  	[tilespmem:s14], [sflag:$0x6] =	stream.indirect.gather [spmem:s3], $0x1, s13, s30, $0xb8;
	[tilespmem:$0x1CC80] =	vst v63  }
0xda: {  	_ =	swait.ge [sflag:s15], $0x80  }
0xdb: {  	[sflag:s15] =	ssyncset.done $0x0  }
0xdc: {  	[sflag:s15] =	ssyncadd.s32 $0xFFFFFF80  }
0xdd: {  	[spmem:s4] =	stream.indirect.scatter.add.f32 [tilespmem:s1], [sflag:$0x7], $0x1, s31, s30, $0xb8;
	[tilespmem:$0x1CC80] =	vst v63  }
0xde: {  	_ =	swait.ge [sflag:s18], $0x4000  }
0xdf: {  	[sflag:s18] =	ssyncset.done $0x0  }
0xe0: {  	[sflag:s18] =	ssyncadd.s32 $0xFFFFC000  }
0xe1: {  	[spmem:s2] =	stream.indirect.scatter.add.f32 [tilespmem:s26], [sflag:$0x9], $0x80, s0, s30, $0xb8;
	[tilespmem:$0x1CC80] =	vst v63  }
0xe2: {  	_ =	swait.ge [sflag:s25], $0x4000  }
0xe3: {  	[sflag:s25] =	ssyncset.done $0x0  }
0xe4: {  	[sflag:s25] =	ssyncadd.s32 $0xFFFFC000  }
0xe5: {  	_ =	swait.ge [sflag:s19], $0x80  }
0xe6: {  	[sflag:s19] =	ssyncset.done $0x0  }
0xe7: {  	s10 =	sadd.s32 s16, s23;
	[sflag:s19] =	ssyncadd.s32 $0xFFFFFF80  }
0xe8: {  	[tilespmem:s5], [sflag:$0x1] =	stream.linear.gather [hbm4b:s10+s5], $0x100, $0x38;
	[tilespmem:$0x1CC80] =	vst v63  }
0xe9: {  	_ =	swait.ge [sflag:s29], $0x100  }
0xea: {  	[sflag:s29] =	ssyncset.done $0x0  }
0xeb: {  	[sflag:s29] =	ssyncadd.s32 $0xFFFFFF00  }
0xec: {  	v0 =	vld [tilespmem:$0x0]  }
0xed: {  	v2 =	vld [tilespmem:$0xF0]  }
0xee: {  	v5 =	vld [tilespmem:$0xE0]  }
.Ltmp0:
0xef: {  	v4 =	vld [tilespmem:$0x60];
	(pc) =	sbr.rel @p0 .LBB2_2-.Ltmp0, $4  }
0xf0: {  	v3 =	vld [tilespmem:$0x20]  }
0xf1: {  	[tilespmem:$0x200] =	vst v0;
	v1 =	vld [tilespmem:$0x50]  }
0xf2: {  	v0 =	vld [tilespmem:$0xD0];
	[tilespmem:$0x2F0] =	vst v2  }
0xf3: {  	v2 =	vld [tilespmem:$0x80];
	[tilespmem:$0x2E0] =	vst v5  }
0xf4: {  	v5 =	vld [tilespmem:$0xC0];
	[tilespmem:$0x260] =	vst v4  }
0xf5: {  	v41 =	vld [tilespmem:$0x40];
	[tilespmem:$0x220] =	vst v3  }
0xf6: {  	v42 =	vld [tilespmem:$0x30];
	[tilespmem:$0x250] =	vst v1  }
0xf7: {  	v43 =	vld [tilespmem:$0x90];
	[tilespmem:$0x2D0] =	vst v0  }
0xf8: {  	v44 =	vld [tilespmem:$0xA0];
	[tilespmem:$0x280] =	vst v2  }
0xf9: {  	v45 =	vld [tilespmem:$0x10];
	[tilespmem:$0x2C0] =	vst v5  }
0xfa: {  	v46 =	vld [tilespmem:$0xB0];
	[tilespmem:$0x240] =	vst v41  }
0xfb: {  	v47 =	vld [tilespmem:$0x70];
	[tilespmem:$0x230] =	vst v42  }
0xfc: {  	[tilespmem:$0x290] =	vst v43  }
0xfd: {  	[tilespmem:$0x2A0] =	vst v44  }
0xfe: {  	[tilespmem:$0x210] =	vst v45  }
0xff: {  	[tilespmem:$0x2B0] =	vst v46  }
0x100: {  	[tilespmem:$0x270] =	vst v47  }
0x101: {  	[tilespmem:s26], [sflag:$0x3] =	stream.indirect.gather [hbm4b:s6+s30], $0x80, s31, s30, $0xb8;
	[tilespmem:$0x1CC80] =	vst v63  }
0x102: {  	_ = 	snop  }
0x103: {  	[tilespmem:s1], [sflag:$0x5] =	stream.indirect.gather [spmem:s3], $0x1, s0, s30, $0xb8;
	[tilespmem:$0x1CC80] =	vst v63  }
0x104: {  	_ =	swait.ge [sflag:s20], $0x80  }
0x105: {  	[sflag:s20] =	ssyncset.done $0x0  }
0x106: {  	[sflag:s20] =	ssyncadd.s32 $0xFFFFFF80  }
0x107: {  	[spmem:s4] =	stream.indirect.scatter.add.f32 [tilespmem:s14], [sflag:$0x8], $0x1, s9, s30, $0xb8;
	[tilespmem:$0x1CC80] =	vst v63  }
0x108: {  	_ =	swait.ge [sflag:s28], $0x4000  }
0x109: {  	[sflag:s28] =	ssyncset.done $0x0  }
0x10a: {  	[sflag:s28] =	ssyncadd.s32 $0xFFFFC000  }
0x10b: {  	[spmem:s2] =	stream.indirect.scatter.add.f32 [tilespmem:s12], [sflag:$0x9], $0x80, s13, s30, $0xb8;
	[tilespmem:$0x1CC80] =	vst v63  }
0x10c: {  	_ =	swait.ge [sflag:s25], $0x4000  }
0x10d: {  	[sflag:s25] =	ssyncset.done $0x0  }
0x10e: {  	[sflag:s25] =	ssyncadd.s32 $0xFFFFC000  }
0x10f: {  	_ =	swait.ge [sflag:s21], $0x80  }
0x110: {  	[sflag:s21] =	ssyncset.done $0x0  }
0x111: {  	s10 =	sadd.s32 s16, s22;
	[sflag:s21] =	ssyncadd.s32 $0xFFFFFF80  }
0x112: {  	[tilespmem:s7], [sflag:$0x2] =	stream.linear.gather [hbm4b:s10+s5], $0x100, $0x38;
	[tilespmem:$0x1CC80] =	vst v63  }
0x113: {  	_ =	swait.ge [sflag:s8], $0x100  }
0x114: {  	[sflag:s8] =	ssyncset.done $0x0  }
0x115: {  	[sflag:s8] =	ssyncadd.s32 $0xFFFFFF00  }
0x116: {  	v48 =	vld [tilespmem:$0x100]  }
0x117: {  	v49 =	vld [tilespmem:$0x180]  }
0x118: {  	v50 =	vld [tilespmem:$0x110]  }
0x119: {  	v51 =	vld [tilespmem:$0x190]  }
0x11a: {  	v52 =	vld [tilespmem:$0x120]  }
0x11b: {  	v53 =	vld [tilespmem:$0x1A0];
	[tilespmem:$0x300] =	vst v48  }
0x11c: {  	v54 =	vld [tilespmem:$0x130];
	[tilespmem:$0x380] =	vst v49  }
0x11d: {  	v55 =	vld [tilespmem:$0x1B0];
	[tilespmem:$0x310] =	vst v50  }
0x11e: {  	v56 =	vld [tilespmem:$0x140];
	[tilespmem:$0x390] =	vst v51  }
0x11f: {  	v57 =	vld [tilespmem:$0x1C0];
	[tilespmem:$0x320] =	vst v52  }
0x120: {  	v58 =	vld [tilespmem:$0x150];
	[tilespmem:$0x3A0] =	vst v53  }
0x121: {  	v59 =	vld [tilespmem:$0x1D0];
	[tilespmem:$0x330] =	vst v54  }
0x122: {  	v60 =	vld [tilespmem:$0x160];
	[tilespmem:$0x3B0] =	vst v55  }
0x123: {  	v61 =	vld [tilespmem:$0x1E0];
	[tilespmem:$0x340] =	vst v56  }
0x124: {  	v62 =	vld [tilespmem:$0x170];
	[tilespmem:$0x3C0] =	vst v57  }
0x125: {  	v63 =	vld [tilespmem:$0x1F0];
	[tilespmem:$0x350] =	vst v58  }
0x126: {  	[tilespmem:$0x3D0] =	vst v59  }
0x127: {  	[tilespmem:$0x360] =	vst v60  }
0x128: {  	[tilespmem:$0x3E0] =	vst v61  }
0x129: {  	[tilespmem:$0x370] =	vst v62  }
0x12a: {  	[tilespmem:$0x3F0] =	vst v63  }
0x12b: {  	[tilespmem:s12], [sflag:$0x4] =	stream.indirect.gather [hbm4b:s6+s30], $0x80, s9, s30, $0xb8;
	[tilespmem:$0x1CC80] =	vst v63  }
0x12c: {  	_ = 	snop  }
0x12d: {  	[tilespmem:s14], [sflag:$0x6] =	stream.indirect.gather [spmem:s3], $0x1, s13, s30, $0xb8;
	[tilespmem:$0x1CC80] =	vst v63  }
0x12e: {  	_ =	swait.ge [sflag:s15], $0x80  }
0x12f: {  	[sflag:s15] =	ssyncset.done $0x0  }
0x130: {  	[sflag:s15] =	ssyncadd.s32 $0xFFFFFF80  }
0x131: {  	[spmem:s4] =	stream.indirect.scatter.add.f32 [tilespmem:s1], [sflag:$0x7], $0x1, s31, s30, $0xb8;
	[tilespmem:$0x1CC80] =	vst v63  }
0x132: {  	_ =	swait.ge [sflag:s18], $0x4000  }
0x133: {  	[sflag:s18] =	ssyncset.done $0x0  }
0x134: {  	[sflag:s18] =	ssyncadd.s32 $0xFFFFC000  }
0x135: {  	[spmem:s2] =	stream.indirect.scatter.add.f32 [tilespmem:s26], [sflag:$0x9], $0x80, s0, s30, $0xb8;
	[tilespmem:$0x1CC80] =	vst v63  }
0x136: {  	_ =	swait.ge [sflag:s25], $0x4000  }
0x137: {  	[sflag:s25] =	ssyncset.done $0x0  }
0x138: {  	[sflag:s25] =	ssyncadd.s32 $0xFFFFC000  }
0x139: {  	_ =	swait.ge [sflag:s19], $0x80  }
0x13a: {  	[sflag:s19] =	ssyncset.done $0x0  }
0x13b: {  	[sflag:s19] =	ssyncadd.s32 $0xFFFFFF80  }
0x13c: {  	_ =	swait.ge [sflag:s20], $0x80  }
0x13d: {  	[sflag:s20] =	ssyncset.done $0x0  }
0x13e: {  	[sflag:s20] =	ssyncadd.s32 $0xFFFFFF80  }
0x13f: {  	[spmem:s4] =	stream.indirect.scatter.add.f32 [tilespmem:s14], [sflag:$0x8], $0x1, s9, s30, $0xb8;
	[tilespmem:$0x1CC80] =	vst v63  }
0x140: {  	_ =	swait.ge [sflag:s28], $0x4000  }
0x141: {  	[sflag:s28] =	ssyncset.done $0x0  }
0x142: {  	[sflag:s28] =	ssyncadd.s32 $0xFFFFC000  }
0x143: {  	[spmem:s2] =	stream.indirect.scatter.add.f32 [tilespmem:s12], [sflag:$0x9], $0x80, s13, s30, $0xb8;
	[tilespmem:$0x1CC80] =	vst v63  }
0x144: {  	_ =	swait.ge [sflag:s25], $0x4000  }
0x145: {  	[sflag:s25] =	ssyncset.done $0x0  }
0x146: {  	[sflag:s25] =	ssyncadd.s32 $0xFFFFC000  }
0x147: {  	_ =	swait.ge [sflag:s21], $0x80  }
0x148: {  	[sflag:s21] =	ssyncset.done $0x0  }
0x149: {  	[sflag:s21] =	ssyncadd.s32 $0xFFFFFF80  }
0x14a: {  	[bflag:$0x0] =	sbarrier.arrive $0xFFFF  }
0x14b: {  	s17 =	rddreg [dreg:$0xa]  }
0x14c: {  	s16 =	rddreg [dreg:$0x9]  }
0x14d: {  	s11 =	rddreg [dreg:$0x12];
	s10 =	sshrl.u32 s17, $0x3  }
0x14e: {  	[hbm:s11], [sflag:s16] =	dma.local [spmem:s10], $0x2800  }
0x14f: {  	s17 =	simm.s32 $0x10;
	_ =	swait.ge [sflag:s25], $0x2800  }
0x150: {  	s11 =	simm.s32 $0x20;
	[sflag:s25] =	ssyncset.done $0x0;
	s24 =	rddreg [dreg:$0x10]  }
0x151: {  	[sflag:s25] =	ssyncadd.s32 $0xFFFFD800;
	s10 =	sshrl.u32 s24, $0x3;
	s24 =	rddreg [dreg:$0x13]  }
0x152: {  	[hbm:s24@s11], [sflag:s16] =	dma.strided [spmem:s10@s17], $0x50, s29, $0x10   }
0x153: {  	s17 =	rddreg [dreg:$0x10];
	_ =	swait.ge [sflag:s25], $0x50  }
0x154: {  	s10 =	rddreg [dreg:$0x16]  }
0x155: {  	s24 =	smov.u32 s16;
	s16 =	rddreg [dreg:$0x14];
	s11 =	sadd.s32 $0x1, s10  }
0x156: {  	p0 =	sne.s32 s11, s16  }
.Ltmp1:
0x157: {  	_ = 	snop;
	(pc) =	sbr.rel @p0 .LBB2_1-.Ltmp1, $3  }
0x158: {  	_ =	sdelay $0x1  }
0x159: {  	[sflag:s25] =	ssyncset.done $0x0  }
0x15a: {  	[sflag:s25] =	ssyncadd.s32 $0xFFFFFFB0  }
0x15b: {  	_ =	sfence.sel $0x180000  }
0x15c: {  	[bflag:$0x0] =	sbarrier.arrive $0xFFFF  }
0x15d: {  	_ =	strace $0x9000004A  }
0x15e: {  	s0 =	stileid.u32;
	[bflag:$0x2] =	sbarrier.arrive $0xFFFF  }
0x15f: {  	p0 =	sne.s32 s0, $0x0;
	s0 =	rddreg [dreg:$0x5]  }
0x160: {  	s0 =	sadd.s32 @!p0 $0x100000, s0  }
0x161: {  	[sflag:s0] =	ssyncadd.tile.s32 @!p0 $0x1;
	_ =	shalt  }
.Lfunc_end2:
_tile_overlayer_lowered:
.L_overlay_start_2:
0x162: {  	(tag) =	ssettag $0x2  }
0x163: {  	s0 =	rddreg [dreg:$0x0];
	s2 =	stileid.u32  }
0x164: {  	s1 =	rddreg [dreg:$0x1];
	p0 =	sne.s32 s2, $0x0  }
0x165: {  	s3 =	rddreg [dreg:$0x2];
	[bflag:$0x3] =	sbarrier.arrive $0xFFFF;
	s2 =	simm.s32 @!p0 $0x1C09  }
0x166: {  	[timem:s3], [sflag:s2] =	dma.local @!p0 [hbm:s0], s1  }
0x167: {  	s0 =	simm.s32 @!p0 $0x9  }
0x168: {  	_ =	swait.ge @!p0 [sflag:s0], s1  }
0x169: {  	s1 =	ssub.s32 @!p0 $0x0, s1;
	[sflag:s0] =	ssyncset.done @!p0 $0x0  }
0x16a: {  	[sflag:s0] =	ssyncadd.s32 @!p0 s1  }
0x16b: {  	[bflag:$0x3] =	sbarrier.arrive $0xFFFF  }
0x16c: {  	_ =	shalt  }

// kernel: kernel.7.cloned.1.call-start
scs
__scs_entry_jumppad:
0x0: {  	(pc) =	sbr.rel $0x88, $3  }
0x1: {  	(tag) =	ssettag $0x0;
	lr =	simm.s32 $0x1  }
0x2: {  	[smem:$0x3F91] =	sst lr;
	_ =	strace $0xD0000000  }
0x3: {  	_ = 	snop  }
0x4: {  	_ = 	snop  }
0x5: {  	_ = 	snop  }
0x6: {  	_ = 	snop  }
0x7: {  	_ = 	snop  }
__scs_overlays_trampoline_lowered:
0x8: {  	[smem:$0x3FA0] =	sst s0  }
0x9: {  	[smem:$0x3FA1] =	sst s1  }
0xa: {  	[smem:$0x3FA2] =	sst s2  }
0xb: {  	[smem:$0x3FA3] =	sst s3  }
0xc: {  	[smem:$0x3FA4] =	sst s4  }
0xd: {  	[smem:$0x3FA5] =	sst s5  }
0xe: {  	[smem:$0x3FA6] =	sst s6  }
0xf: {  	[smem:$0x3FA7] =	sst s7  }
0x10: {  	[smem:$0x3FA8] =	sst s8  }
0x11: {  	[smem:$0x3FA9] =	sst s9;
	s0 =	simm.s32 @!p0 $0x0  }
0x12: {  	s1 =	sld [smem:$0x3F8F];
	s0 =	simm.s32 @p0 $0x1  }
0x13: {  	[smem:$0x3FAA] =	sst s0;
	s0 =	simm.s32 @!p1 $0x0  }
0x14: {  	s2 =	sld [smem:$0x3F8E];
	s0 =	simm.s32 @p1 $0x1  }
0x15: {  	[smem:$0x3FAB] =	sst s0;
	s0 =	simm.s32 @!p2 $0x0  }
0x16: {  	s3 =	sld [smem:$0x3FDB];
	s0 =	simm.s32 @p2 $0x1  }
0x17: {  	s4 =	simm.s32 $0x1BF5;
	[smem:$0x3FAD] =	sst s0  }
0x18: {  	s0 =	sld [smem:$0x3F90];
	_ =	swait.ge [sflag:s4], $0x0  }
0x19: {  	s7 =	sld [smem:$0x3F91]  }
0x1a: {  	s8 =	sadd.s32 $0xFFFFE003, lr  }
0x1b: {  	s9 =	sadd.s32 $0xFFFFFEF7, lr;
	s5 =	simm.s32 $0xFFFFFFFF;
	p2 =	slt.u32 s8, $0xFFFFF086  }
0x1c: {  	p1 =	slt.u32 s9, $0xF7A;
	s5 =	simm.s32 @!p2 $0x0  }
0x1d: {  	s5 =	simm.s32 @p1 $0x1;
	p0 =	seq.s32 s7, s2  }
0x1e: {  	s7 =	smul.u32 @!p0 $0xF7A, s2;
	p2 =	seq.s32 @!p0 s5, $0x0  }
0x1f: {  	s9 =	smul.u32 $0xF7A, s1;
	s8 =	simm.s32 @!p0 $0x1BF5;
	p2 =	por !p2, p0  }
0x20: {  	[sflag:s8] =	ssyncset.s32 @!p0 $0xFFFFF086;
	s6 =	sadd.s32 @!p0 s3, s7;
	s7 =	simm.s32 @!p0 $0x108  }
0x21: {  	s3 =	sadd.s32 s3, s9;
	s6 =	sadd.s32 @!p0 $0x88, s6;
	s7 =	simm.s32 @p2 $0x1082  }
0x22: {  	[simem:s7], [sflag:s8] =	dma.local @!p0 [hbm:s6], $0xF7A  }
0x23: {  	s9 =	sor.u32 $0xD0000000, s2;
	s6 =	simm.s32 $0x108;
	_ =	swait.ge @!p0 [sflag:s8], $0x0  }
0x24: {  	s3 =	sadd.s32 $0x88, s3;
	s6 =	simm.s32 @!p1 $0x1082;
	[sflag:s4] =	ssyncset.s32 $0xFFFFF086  }
0x25: {  	[simem:s6], [sflag:s4] =	dma.local [hbm:s3], $0xF7A  }
0x26: {  	[smem:$0x3F91] =	sst s1;
	(tag) =	ssettag s2;
	_ =	strace s9  }
0x27: {  	s1 =	sld [smem:$0x3FA1]  }
0x28: {  	s2 =	sld [smem:$0x3FA2]  }
0x29: {  	s4 =	sld [smem:$0x3FA4]  }
0x2a: {  	p0 =	seq.s32 s5, $0x0;
	s5 =	sld [smem:$0x3FA5]  }
0x2b: {  	s6 =	sld [smem:$0x3FA6]  }
0x2c: {  	s7 =	sld [smem:$0x3FA7]  }
0x2d: {  	s3 =	simm.s32 $0x108;
	s8 =	sld [smem:$0x3FA8]  }
0x2e: {  	s3 =	simm.s32 @!p0 $0x1082;
	s9 =	sld [smem:$0x3FA9]  }
0x2f: {  	lr =	sadd.s32 s0, s3;
	s0 =	sld [smem:$0x3FA0]  }
0x30: {  	s3 =	sld [smem:$0x3FA3]  }
0x31: {  	[smem:$0x3FAC] =	sst s10  }
0x32: {  	s10 =	sld [smem:$0x3FAA];
	_ =	sdelay $0x3  }
0x33: {  	p0 =	seq.s32 s10, $0x1;
	s10 =	sld [smem:$0x3FAC];
	_ =	sdelay $0x3  }
0x34: {  	[smem:$0x3FAC] =	sst s10  }
0x35: {  	s10 =	sld [smem:$0x3FAB];
	_ =	sdelay $0x3  }
0x36: {  	p1 =	seq.s32 s10, $0x1;
	s10 =	sld [smem:$0x3FAC];
	_ =	sdelay $0x3  }
0x37: {  	[smem:$0x3FAC] =	sst s10  }
0x38: {  	s10 =	sld [smem:$0x3FAD]  }
0x39: {  	_ = 	snop;
	(pc) =	sbr.ind lr, $3  }
0x3a: {  	_ = 	snop  }
0x3b: {  	_ = 	snop  }
0x3c: {  	p2 =	seq.s32 s10, $0x1;
	s10 =	sld [smem:$0x3FAC]  }
0x3d: {  	_ =	shalt  }
0x3e: {  	_ =	shalt  }
0x3f: {  	_ =	shalt  }
0x40: {  	_ =	shalt  }
0x41: {  	_ =	shalt  }
0x42: {  	_ =	shalt  }
0x43: {  	_ =	shalt  }
0x44: {  	_ =	shalt  }
0x45: {  	_ =	shalt  }
0x46: {  	_ =	shalt  }
0x47: {  	_ =	shalt  }
0x48: {  	_ =	shalt  }
0x49: {  	_ =	shalt  }
0x4a: {  	_ =	shalt  }
0x4b: {  	_ =	shalt  }
0x4c: {  	_ =	shalt  }
0x4d: {  	_ =	shalt  }
0x4e: {  	_ =	shalt  }
0x4f: {  	_ =	shalt  }
0x50: {  	_ =	shalt  }
0x51: {  	_ =	shalt  }
0x52: {  	_ =	shalt  }
0x53: {  	_ =	shalt  }
0x54: {  	_ =	shalt  }
0x55: {  	_ =	shalt  }
0x56: {  	_ =	shalt  }
0x57: {  	_ =	shalt  }
0x58: {  	_ =	shalt  }
0x59: {  	_ =	shalt  }
0x5a: {  	_ =	shalt  }
0x5b: {  	_ =	shalt  }
0x5c: {  	_ =	shalt  }
0x5d: {  	_ =	shalt  }
0x5e: {  	_ =	shalt  }
0x5f: {  	_ =	shalt  }
0x60: {  	_ =	shalt  }
0x61: {  	_ =	shalt  }
0x62: {  	_ =	shalt  }
0x63: {  	_ =	shalt  }
0x64: {  	_ =	shalt  }
0x65: {  	_ =	shalt  }
0x66: {  	_ =	shalt  }
0x67: {  	_ =	shalt  }
0x68: {  	_ =	shalt  }
0x69: {  	_ =	shalt  }
0x6a: {  	_ =	shalt  }
0x6b: {  	_ =	shalt  }
0x6c: {  	_ =	shalt  }
0x6d: {  	_ =	shalt  }
0x6e: {  	_ =	shalt  }
0x6f: {  	_ =	shalt  }
0x70: {  	_ =	shalt  }
0x71: {  	_ =	shalt  }
0x72: {  	_ =	shalt  }
0x73: {  	_ =	shalt  }
0x74: {  	_ =	shalt  }
0x75: {  	_ =	shalt  }
0x76: {  	_ =	shalt  }
0x77: {  	_ =	shalt  }
0x78: {  	_ =	shalt  }
0x79: {  	_ =	shalt  }
0x7a: {  	_ =	shalt  }
0x7b: {  	_ =	shalt  }
0x7c: {  	_ =	shalt  }
0x7d: {  	_ =	shalt  }
0x7e: {  	_ =	shalt  }
0x7f: {  	_ =	shalt  }
0x80: {  	_ =	shalt  }
0x81: {  	_ =	shalt  }
0x82: {  	_ =	shalt  }
0x83: {  	_ =	shalt  }
0x84: {  	_ =	shalt  }
0x85: {  	_ =	shalt  }
0x86: {  	_ =	shalt  }
0x87: {  	_ =	shalt  }
.Lfunc_end0:
.L_simem_size_0:
called_computation_lowered:
.L_overlay_start_0:
0x88: {  	s2 =	sld [smem:$0x3FD9]  }
0x89: {  	s3 =	sld [smem:$0x3FFE];
	_ =	sdelay $0x1  }
0x8a: {  	s1 =	srdreg.scid  }
0x8b: {  	s0 =	sand.u32 $0x1, s1  }
0x8c: {  	s14 =	sshll.u32 s0, $0xA;
	s2 =	sadd.s32 s3, s2  }
0x8d: {  	s2 =	sadd.s32 s2, s14  }
0x8e: {  	[smem:$0x3FB8] =	sst s2  }
0x8f: {  	_ = 	snop  }
0x90: {  	s2 =	sld [smem:$0x3FD0];
	_ =	sdelay $0x2  }
0x91: {  	s15 =	simm.s32 $0xA;
	s4 =	simm.s32 $0x10  }
0x92: {  	[smem:s4], [sflag:s15] =	dma.local [hbm:s2], $0x1  }
0x93: {  	_ =	swait.eq [sflag:s15], $0x1  }
0x94: {  	[sflag:s15] =	ssyncset.done $0x0  }
0x95: {  	s16 =	sld [smem:$0x10];
	[sflag:s15] =	ssyncadd.s32 $0xFFFFFFFF  }
0x96: {  	s17 =	sld [smem:$0x11];
	(tm) =	ssettm $0x1  }
0x97: {  	s18 =	sld [smem:$0x3FFB];
	_ =	sdelay $0x3  }
0x98: {  	_ =	strace s18  }
0x99: {  	s4 =	sld [smem:$0x3FFC];
	_ =	sdelay $0x3  }
0x9a: {  	_ =	strace s4  }
0x9b: {  	s4 =	sld [smem:$0x3FFD];
	_ =	sdelay $0x3  }
0x9c: {  	_ =	strace s4  }
0x9d: {  	_ =	strace $0x8FFFFFFF  }
0x9e: {  	s19 =	sld [smem:$0x3FDB];
	_ =	sdelay $0x1  }
0x9f: {  	s5 =	simm.s32 $_scs_section_size  }
0xa0: {  	s6 =	simm.s32 $_size__tile_overlayer_lowered;
	s7 =	simm.s32 $_tile_overlayer_lowered  }
0xa1: {  	s22 =	simm.s32 $0x1BFF;
	s21 =	sshll.u32 s7, $0x1;
	s4 =	sadd.s32 s5, s19  }
0xa2: {  	s8 =	simm.s32 $0x0;
	s20 =	sshll.u32 s6, $0x1;
	s6 =	sadd.s32 s21, s4  }
0xa3: {  	[timem:s8], [sflag:s22] =	dma.local [hbm:s6], s20  }
0xa4: {  	_ =	swait.ge [sflag:s22], s20  }
0xa5: {  	s5 =	ssub.s32 $0x0, s20;
	[sflag:s22] =	ssyncset.done $0x0  }
0xa6: {  	[sflag:s22] =	ssyncadd.s32 s5;
	_ =	sdelay $0x1  }
0xa7: {  	s23 =	simm.s32 $0x1B8B  }
0xa8: {  	_ =	swait.ge [sflag:s23], $0x1  }
0xa9: {  	[sflag:s23] =	ssyncset.done $0x0  }
0xaa: {  	s25 =	simm.s32 $0x1B8E;
	s24 =	sld [smem:$0x3FFE];
	[sflag:s23] =	ssyncadd.s32 $0xFFFFFFFF  }
0xab: {  	s26 =	simm.s32 $execute0_lowered;
	[smem:$0x3FD2] =	sst s25  }
0xac: {  	s6 =	sshll.u32 s26, $0x1;
	_ =	strace $0x80000046;
	[dreg:$0x1] =	wrdreg $0xFFFFFFFF  }
0xad: {  	s28 =	simm.s32 $_size_execute0_lowered;
	s4 =	sadd.s32 s4, s6;
	[dreg:$0x0] =	wrdreg $0x0  }
0xae: {  	s6 =	sshll.u32 s28, $0x1;
	[dreg:$0x2] =	wrdreg s4  }
0xaf: {  	[dreg:$0x3] =	wrdreg s6  }
0xb0: {  	[dreg:$0x4] =	wrdreg $0xC0  }
0xb1: {  	_ =	task [dreg:s8], $0x5FFFF  }
0xb2: {  	[dreg:$0x1] =	wrdreg $0xFFFFFFFF  }
0xb3: {  	[dreg:$0x0] =	wrdreg $0x60  }
0xb4: {  	[dreg:$0x2] =	wrdreg s16  }
0xb5: {  	[dreg:$0x3] =	wrdreg s24  }
0xb6: {  	[dreg:$0x4] =	wrdreg s17  }
0xb7: {  	[dreg:$0x5] =	wrdreg $0x6000  }
0xb8: {  	[dreg:$0x6] =	wrdreg $0x9  }
0xb9: {  	_ =	task.clear_ibuf [dreg:s8], $0x7FFFF;
	_ =	strace $0x90000046  }
0xba: {  	s29 =	simm.s32 $0x9;
	_ =	strace $0x80000048  }
0xbb: {  	_ =	swait.ge [sflag:s29], $0x1  }
0xbc: {  	[sflag:s29] =	ssyncadd.s32 $0xFFFFFFFF  }
0xbd: {  	_ =	strace $0x90000048  }
0xbe: {  	_ =	sfence  }
0xbf: {  	s30 =	sld [smem:$0x0];
	_ =	sdelay $0x2  }
0xc0: {  	s31 =	sshll.u32 s1, $0xD;
	s1 =	sshrl.u32 s1, $0x2  }
0xc1: {  	s3 =	sand.u32 $0x4000, s31;
	s1 =	sadd.s32 s1, s30  }
0xc2: {  	s0 =	sor.u32 s3, s0;
	s1 =	sshll.u32 s1, $0x11  }
0xc3: {  	s0 =	sor.u32 s1, s0  }
0xc4: {  	s0 =	sadd.s32 $0x8F2B, s0  }
0xc5: {  	[sflag:s0] =	ssyncadd.remote.s32 $0x1  }
0xc6: {  	_ =	sfence.sel $0xFFFF  }
0xc7: {  	[dreg:$0x0] =	wrdreg $0xFFFFFFFF;
	(pc) =	sbr.abs _section_cstart, $3  }
0xc8: {  	[dreg:$0x1] =	wrdreg $0xFFFFFFFF  }
0xc9: {  	_ =	task.clear_ibuf [dreg:s8], $0x2FFFF;
	_ =	strace $0x9FFFFFFF  }
0xca: {  	(tm) =	ssettm $0x7FFFFFFF  }
0xcb: {  	_ =	shalt  }
tec
execute0_lowered:
.L_overlay_start_1:
0x0: {  	(tag) =	ssettag $0x1  }
0x1: {  	s0 =	rddreg [dreg:$0x0]  }
0x2: {  	s3 =	rddreg [dreg:$0x1]  }
0x3: {  	s8 =	rddreg [dreg:$0x2]  }
0x4: {  	s1 =	rddreg [dreg:$0x3]  }
0x5: {  	s2 =	simm.s32 $0x0;
	s5 =	srdreg.scid;
	s11 =	stileid.u32  }
0x6: {  	s14 =	simm.s32 $0x380;
	s15 =	simm.s32 $0x7;
	s16 =	simm.s32 $0x100  }
0x7: {  	s17 =	simm.s32 $0x1;
	s18 =	simm.s32 $0x80;
	s19 =	simm.s32 $0x300  }
0x8: {  	s20 =	simm.s32 $0x200;
	s21 =	simm.s32 $0x2;
	s22 =	simm.s32 $0x180  }
0x9: {  	s23 =	simm.s32 $0x4;
	s24 =	simm.s32 $0x3;
	s28 =	simm.s32 $0x6  }
0xa: {  	s30 =	simm.s32 $0x10;
	s31 =	simm.s32 $0x0;
	[smem:$0x7FF] =	sst s2  }
0xb: {  	s4 =	sadd.s32 $0x3800, s3;
	s25 =	sand.u32 $0x1, s5;
	s7 =	smul.u32 $0xA00, s11  }
0xc: {  	s10 =	smul.u32 $0x500, s11;
	_ =	strace $0x80000047;
	s5 =	ssub.s32 $0x2, s25  }
0xd: {  	s6 =	sshll.u32 s25, $0x4;
	s29 =	sshll.u32 s25, $0x7;
	s3 =	smul.u32 $0x500, s25  }
0xe: {  	s25 =	simm.s32 $0x280;
	s6 =	sor.u32 s11, s6;
	s11 =	smul.u32 $0x50, s11  }
0xf: {  	s9 =	sshrl.u32 s5, $0x1;
	s26 =	smul.u32 $0xA00, s6;
	s6 =	sor.u32 s29, s10  }
0x10: {  	s7 =	sshrl.u32 s7, $0x2;
	s9 =	ssub.s32 s5, s9;
	s10 =	sshrl.u32 s6, $0x3  }
0x11: {  	s6 =	sadd.s32 s7, s1;
	s9 =	smax.u32 s9, $0x1;
	s3 =	sadd.s32 s11, s3  }
0x12: {  	s5 =	sadd.s32 s0, s26;
	s8 =	sadd.s32 s8, s10;
	s3 =	sshll.u32 s3, $0x5  }
0x13: {  	s26 =	simm.s32 $0x5;
	s7 =	sadd.s32 $0x20, s5;
	s10 =	sadd.s32 $0x40, s5  }
0x14: {  	v0 =	vimm.f32 $1.000000000e+00;
	s11 =	sadd.s32 $0x60, s5;
	s12 =	sadd.s32 $0x80, s5;
	s13 =	sadd.s32 s3, s0  }
.LBB2_1:
0x15: {  	[tilespmem:s14], [sflag:$0x7] =	stream.linear.gather [hbm4b:s4+s2], $0x280, $0x38;
	[tilespmem:$0x880] =	vst v63  }
0x16: {  	_ =	swait.ge [sflag:s15], $0x280  }
0x17: {  	[sflag:s15] =	ssyncset.done $0x0  }
0x18: {  	[sflag:s15] =	ssyncadd.s32 $0xFFFFFD80  }
0x19: {  	[spmem:s6] =	stream.linear.scatter [tilespmem:s14], [sflag:$0x7], $0x280, $0x38;
	[tilespmem:$0x880] =	vst v63  }
0x1a: {  	_ =	swait.ge [sflag:s15], $0x280  }
0x1b: {  	[sflag:s15] =	ssyncset.done $0x0  }
0x1c: {  	[sflag:s15] =	ssyncadd.s32 $0xFFFFFD80  }
0x1d: {  	[tilespmem:$0x300] =	vst v0  }
0x1e: {  	[tilespmem:$0x310] =	vst v0  }
0x1f: {  	[tilespmem:$0x320] =	vst v0  }
0x20: {  	[tilespmem:$0x330] =	vst v0  }
0x21: {  	[tilespmem:$0x340] =	vst v0  }
0x22: {  	[tilespmem:$0x350] =	vst v0  }
0x23: {  	[tilespmem:$0x360] =	vst v0  }
0x24: {  	[tilespmem:$0x370] =	vst v0  }
0x25: {  	[bflag:$0x0] =	sbarrier.arrive $0xFFFF  }
0x26: {  	[tilespmem:s2], [sflag:$0x1] =	stream.linear.gather [hbm4b:s5+s2], $0x100, $0x38;
	[tilespmem:$0x880] =	vst v63  }
0x27: {  	_ = 	snop  }
0x28: {  	[tilespmem:s16], [sflag:$0x2] =	stream.linear.gather [hbm4b:s7+s2], $0x100, $0x38;
	[tilespmem:$0x880] =	vst v63  }
0x29: {  	_ =	swait.ge [sflag:s17], $0x100  }
0x2a: {  	[sflag:s17] =	ssyncset.done $0x0  }
0x2b: {  	[sflag:s17] =	ssyncadd.s32 $0xFFFFFF00  }
0x2c: {  	[spmem:s1] =	stream.indirect.scatter.add.f32 [tilespmem:s19], [sflag:$0x4], $0x1, s18, s18, $0xb8;
	[tilespmem:$0x880] =	vst v63  }
0x2d: {  	_ = 	snop  }
0x2e: {  	[tilespmem:s20], [sflag:$0x3] =	stream.linear.gather [hbm4b:s10+s2], $0x100, $0x38;
	[tilespmem:$0x880] =	vst v63  }
0x2f: {  	_ =	swait.ge [sflag:s21], $0x100  }
0x30: {  	[sflag:s21] =	ssyncset.done $0x0  }
0x31: {  	[sflag:s21] =	ssyncadd.s32 $0xFFFFFF00  }
0x32: {  	[spmem:s1] =	stream.indirect.scatter.add.f32 [tilespmem:s19], [sflag:$0x5], $0x1, s22, s18, $0xb8;
	[tilespmem:$0x880] =	vst v63  }
0x33: {  	_ =	swait.ge [sflag:s23], $0x80  }
0x34: {  	[sflag:s23] =	ssyncset.done $0x0  }
0x35: {  	[sflag:s23] =	ssyncadd.s32 $0xFFFFFF80  }
0x36: {  	[tilespmem:s2], [sflag:$0x1] =	stream.linear.gather [hbm4b:s11+s2], $0x100, $0x38;
	[tilespmem:$0x880] =	vst v63  }
0x37: {  	_ =	swait.ge [sflag:s24], $0x100  }
0x38: {  	[sflag:s24] =	ssyncset.done $0x0  }
0x39: {  	[sflag:s24] =	ssyncadd.s32 $0xFFFFFF00  }
0x3a: {  	[spmem:s1] =	stream.indirect.scatter.add.f32 [tilespmem:s19], [sflag:$0x6], $0x1, s25, s18, $0xb8;
	[tilespmem:$0x880] =	vst v63  }
0x3b: {  	_ =	swait.ge [sflag:s26], $0x80  }
0x3c: {  	[sflag:s26] =	ssyncset.done $0x0  }
0x3d: {  	[sflag:s26] =	ssyncadd.s32 $0xFFFFFF80  }
0x3e: {  	[tilespmem:s16], [sflag:$0x2] =	stream.linear.gather [hbm4b:s12+s2], $0x100, $0x38;
	[tilespmem:$0x880] =	vst v63  }
0x3f: {  	_ =	swait.ge [sflag:s17], $0x100  }
0x40: {  	[sflag:s17] =	ssyncset.done $0x0  }
0x41: {  	[sflag:s17] =	ssyncadd.s32 $0xFFFFFF00  }
0x42: {  	[spmem:s1] =	stream.indirect.scatter.add.f32 [tilespmem:s19], [sflag:$0x4], $0x1, s18, s18, $0xb8;
	[tilespmem:$0x880] =	vst v63  }
0x43: {  	_ =	swait.ge [sflag:s28], $0x80  }
0x44: {  	s3 =	sadd.s32 $0xFFFFF6A0, s13;
	[sflag:s28] =	ssyncset.done $0x0  }
0x45: {  	s0 =	sadd.s32 $0xA00, s3;
	[sflag:s28] =	ssyncadd.s32 $0xFFFFFF80  }
0x46: {  	[tilespmem:s20], [sflag:$0x3] =	stream.linear.gather [hbm4b:s0+s2], $0x100, $0x38;
	[tilespmem:$0x880] =	vst v63  }
0x47: {  	_ =	swait.ge [sflag:s21], $0x100  }
0x48: {  	[sflag:s21] =	ssyncset.done $0x0  }
0x49: {  	[sflag:s21] =	ssyncadd.s32 $0xFFFFFF00  }
0x4a: {  	[spmem:s1] =	stream.indirect.scatter.add.f32 [tilespmem:s19], [sflag:$0x5], $0x1, s22, s18, $0xb8;
	[tilespmem:$0x880] =	vst v63  }
0x4b: {  	_ =	swait.ge [sflag:s23], $0x80  }
0x4c: {  	[sflag:s23] =	ssyncset.done $0x0  }
0x4d: {  	s29 =	sadd.s32 $0xA20, s3;
	[sflag:s23] =	ssyncadd.s32 $0xFFFFFF80  }
0x4e: {  	[tilespmem:s2], [sflag:$0x1] =	stream.linear.gather [hbm4b:s29+s2], $0x100, $0x38;
	[tilespmem:$0x880] =	vst v63  }
0x4f: {  	_ =	swait.ge [sflag:s24], $0x100  }
0x50: {  	[sflag:s24] =	ssyncset.done $0x0  }
0x51: {  	[sflag:s24] =	ssyncadd.s32 $0xFFFFFF00  }
0x52: {  	[spmem:s1] =	stream.indirect.scatter.add.f32 [tilespmem:s19], [sflag:$0x6], $0x1, s25, s18, $0xb8;
	[tilespmem:$0x880] =	vst v63  }
0x53: {  	_ =	swait.ge [sflag:s26], $0x80  }
0x54: {  	[sflag:s26] =	ssyncset.done $0x0  }
0x55: {  	s3 =	sadd.s32 $0xA40, s3;
	s0 =	simm.s32 $0xFFFFF700;
	[sflag:s26] =	ssyncadd.s32 $0xFFFFFF80  }
.LBB2_2:
0x56: {  	[tilespmem:s16], [sflag:$0x2] =	stream.linear.gather [hbm4b:s3+s2], $0x100, $0x38;
	[tilespmem:$0x880] =	vst v63  }
0x57: {  	s3 =	smov.u32 s0  }
0x58: {  	p0 =	sne.s32 s0, $0xFFFFFFA0;
	s0 =	sadd.s32 $0x60, s0;
	_ =	swait.ge [sflag:s17], $0x100  }
0x59: {  	[sflag:s17] =	ssyncset.done $0x0  }
0x5a: {  	[sflag:s17] =	ssyncadd.s32 $0xFFFFFF00  }
0x5b: {  	[spmem:s1] =	stream.indirect.scatter.add.f32 [tilespmem:s19], [sflag:$0x4], $0x1, s18, s18, $0xb8;
	[tilespmem:$0x880] =	vst v63  }
0x5c: {  	_ =	swait.ge [sflag:s28], $0x80  }
0x5d: {  	s3 =	sadd.s32 s3, s13;
	[sflag:s28] =	ssyncset.done $0x0  }
0x5e: {  	s29 =	sadd.s32 $0xA00, s3;
	[sflag:s28] =	ssyncadd.s32 $0xFFFFFF80  }
0x5f: {  	[tilespmem:s20], [sflag:$0x3] =	stream.linear.gather [hbm4b:s29+s2], $0x100, $0x38;
	[tilespmem:$0x880] =	vst v63  }
0x60: {  	_ =	swait.ge [sflag:s21], $0x100  }
0x61: {  	[sflag:s21] =	ssyncset.done $0x0  }
0x62: {  	[sflag:s21] =	ssyncadd.s32 $0xFFFFFF00  }
0x63: {  	[spmem:s1] =	stream.indirect.scatter.add.f32 [tilespmem:s19], [sflag:$0x5], $0x1, s22, s18, $0xb8;
	[tilespmem:$0x880] =	vst v63  }
0x64: {  	_ =	swait.ge [sflag:s23], $0x80  }
0x65: {  	[sflag:s23] =	ssyncset.done $0x0  }
0x66: {  	s29 =	sadd.s32 $0xA20, s3;
	[sflag:s23] =	ssyncadd.s32 $0xFFFFFF80  }
0x67: {  	[tilespmem:s2], [sflag:$0x1] =	stream.linear.gather [hbm4b:s29+s2], $0x100, $0x38;
	[tilespmem:$0x880] =	vst v63  }
0x68: {  	_ =	swait.ge [sflag:s24], $0x100  }
0x69: {  	[sflag:s24] =	ssyncset.done $0x0  }
.Ltmp0:
0x6a: {  	[sflag:s24] =	ssyncadd.s32 $0xFFFFFF00;
	(pc) =	sbr.rel @p0 .LBB2_2-.Ltmp0, $4  }
0x6b: {  	[spmem:s1] =	stream.indirect.scatter.add.f32 [tilespmem:s19], [sflag:$0x6], $0x1, s25, s18, $0xb8;
	[tilespmem:$0x880] =	vst v63  }
0x6c: {  	_ =	swait.ge [sflag:s26], $0x80  }
0x6d: {  	[sflag:s26] =	ssyncset.done $0x0  }
0x6e: {  	s3 =	sadd.s32 $0xA40, s3;
	[sflag:s26] =	ssyncadd.s32 $0xFFFFFF80  }
0x6f: {  	[tilespmem:s16], [sflag:$0x2] =	stream.linear.gather [hbm4b:s3+s2], $0x100, $0x38;
	[tilespmem:$0x880] =	vst v63  }
0x70: {  	_ =	swait.ge [sflag:s17], $0x100  }
0x71: {  	[sflag:s17] =	ssyncset.done $0x0  }
0x72: {  	[sflag:s17] =	ssyncadd.s32 $0xFFFFFF00  }
0x73: {  	[spmem:s1] =	stream.indirect.scatter.add.f32 [tilespmem:s19], [sflag:$0x4], $0x1, s18, s18, $0xb8;
	[tilespmem:$0x880] =	vst v63  }
0x74: {  	_ =	swait.ge [sflag:s28], $0x80  }
0x75: {  	[sflag:s28] =	ssyncset.done $0x0  }
0x76: {  	[sflag:s28] =	ssyncadd.s32 $0xFFFFFF80  }
0x77: {  	_ =	swait.ge [sflag:s21], $0x100  }
0x78: {  	[sflag:s21] =	ssyncset.done $0x0  }
0x79: {  	[sflag:s21] =	ssyncadd.s32 $0xFFFFFF00  }
0x7a: {  	[spmem:s1] =	stream.indirect.scatter.add.f32 [tilespmem:s19], [sflag:$0x5], $0x1, s22, s18, $0xb8;
	[tilespmem:$0x880] =	vst v63  }
0x7b: {  	_ =	swait.ge [sflag:s23], $0x80  }
0x7c: {  	[sflag:s23] =	ssyncset.done $0x0  }
0x7d: {  	[sflag:s23] =	ssyncadd.s32 $0xFFFFFF80  }
0x7e: {  	s0 =	stileid.u32;
	s3 =	sshrl.u32 s6, $0x3;
	_ =	swait.ge [sflag:s26], $0x80  }
0x7f: {  	s29 =	simm.s32 $0x20;
	s31 =	sadd.s32 $0x1, s31;
	[sflag:s26] =	ssyncset.done $0x0  }
0x80: {  	s0 =	sshll.u32 s0, $0x6;
	p0 =	sne.s32 s31, s9;
	[sflag:s26] =	ssyncadd.s32 $0xFFFFFF80  }
.Ltmp1:
0x81: {  	s0 =	sor.u32 $0x1C07, s0;
	[bflag:$0x0] =	sbarrier.arrive $0xFFFF;
	(pc) =	sbr.rel @p0 .LBB2_1-.Ltmp1, $4  }
0x82: {  	[hbm:s8@s29], [sflag:s0] =	dma.strided [spmem:s3@s30], $0x50, s17, $0x10   }
0x83: {  	_ =	swait.ge [sflag:s15], $0x50  }
0x84: {  	[sflag:s15] =	ssyncset.done $0x0  }
0x85: {  	[sflag:s15] =	ssyncadd.s32 $0xFFFFFFB0  }
0x86: {  	_ =	sfence.sel $0x180000  }
0x87: {  	[bflag:$0x0] =	sbarrier.arrive $0xFFFF  }
0x88: {  	_ =	strace $0x90000047  }
0x89: {  	s0 =	stileid.u32;
	[bflag:$0x2] =	sbarrier.arrive $0xFFFF  }
0x8a: {  	p0 =	sne.s32 s0, $0x0;
	s0 =	rddreg [dreg:$0x4]  }
0x8b: {  	s0 =	sadd.s32 @!p0 $0x100000, s0  }
0x8c: {  	[sflag:s0] =	ssyncadd.tile.s32 @!p0 $0x1;
	_ =	shalt  }
.Lfunc_end2:
_tile_overlayer_lowered:
.L_overlay_start_2:
0x8d: {  	(tag) =	ssettag $0x2  }
0x8e: {  	s0 =	rddreg [dreg:$0x0];
	s2 =	stileid.u32  }
0x8f: {  	s1 =	rddreg [dreg:$0x1];
	p0 =	sne.s32 s2, $0x0  }
0x90: {  	s3 =	rddreg [dreg:$0x2];
	[bflag:$0x3] =	sbarrier.arrive $0xFFFF;
	s2 =	simm.s32 @!p0 $0x1C07  }
0x91: {  	[timem:s3], [sflag:s2] =	dma.local @!p0 [hbm:s0], s1  }
0x92: {  	s0 =	simm.s32 @!p0 $0x7  }
0x93: {  	_ =	swait.ge @!p0 [sflag:s0], s1  }
0x94: {  	s1 =	ssub.s32 @!p0 $0x0, s1;
	[sflag:s0] =	ssyncset.done @!p0 $0x0  }
0x95: {  	[sflag:s0] =	ssyncadd.s32 @!p0 s1  }
0x96: {  	[bflag:$0x3] =	sbarrier.arrive $0xFFFF  }
0x97: {  	_ =	shalt  }

</sc_bundles>
